<compile_context>
chip_gen: v7x
topology: tpu7x:2x2x1
jax: 0.10.2.dev20260603
libtpu: 0.0.44.dev20260713+nightly
codegen_flags: <defaults>
</compile_context>

<pallas_src>
import functools

import jax
import jax.numpy as jnp
from jax import lax
from jax.experimental import pallas as pl
from jax.experimental.pallas import tpu as pltpu
from jax.experimental.pallas import tpu_sc as plsc

B = 4096
F = 26
V = 100000
D = 64
H = 512
O = 256

NC = 2
NS = 16
NW = NC * NS
L = 16

ROWS = F * D
NG = ROWS // 8
W = 4864
NFULL = 20
SCOL = NFULL * W
SLEN = 2688
TCOL = SCOL + SLEN
TLEN = V - TCOL
NWIN = NFULL + 2
NVREG = B // L

_sc_mesh = plsc.VectorSubcoreMesh(core_axis_name="c", subcore_axis_name="s")

_IOTA = None


@functools.partial(
    pl.kernel,
    out_type=jax.ShapeDtypeStruct((NG, 8, B), jnp.float32),
    mesh=_sc_mesh,
    scratch_types=[
        pltpu.VMEM((1, 1, B), jnp.int32),
        pltpu.VMEM((2, 8, W), jnp.float32),
        pltpu.VMEM((1, 8, B + L), jnp.float32),
        pltpu.VMEM((B + 2 * L,), jnp.int32),
        pltpu.VMEM((B + 2 * L,), jnp.int32),
        pltpu.SMEM((64,), jnp.int32),
        pltpu.SemaphoreType.DMA,
        pltpu.SemaphoreType.DMA,
        pltpu.SemaphoreType.DMA,
        pltpu.SemaphoreType.DMA,
    ],
    compiler_params=pltpu.CompilerParams(needs_layout_passes=False),
)
def _sc_gather(tt_hbm, ft_hbm, tail_hbm, xt_hbm, idx_v, buf_v, stage_v, wv_v, wb_v,
               woff_s, isem, gsem0, gsem1, wsem):
    wid = lax.axis_index("s") * NC + lax.axis_index("c")
    g_start = jnp.where(wid < 16, 7 * wid, 6 * wid + 16)
    n_grp = jnp.where(wid < 16, 7, 6)
    iota = lax.iota(jnp.int32, L)

    def bucketize(f):
        pltpu.async_copy(ft_hbm.at[pl.ds(f, 1)], idx_v, isem).wait()

        def per_window(w, ptr):
            woff_s[w] = ptr

            def per_vreg(j, ptr):
                v = idx_v[0, 0, pl.ds(j * L, L)]
                wvid = lax.shift_right_logical(
                    lax.shift_right_logical(v, 7) * 1725, 16)
                wvid = jnp.where(v >= TCOL, NWIN - 1, wvid)
                m = wvid == w
                mi = m.astype(jnp.int32)
                rank = plsc.cumsum(mi) - mi
                pos = jnp.where(m, ptr + rank, B + L + iota)
                plsc.store_scatter(wv_v, [pos], v)
                b = iota + j * L
                plsc.store_scatter(wb_v, [pos], b)
                return ptr + jnp.sum(mi)

            return lax.fori_loop(0, NVREG, per_vreg, ptr, unroll=False)

        end = lax.fori_loop(0, NWIN, per_window, jnp.int32(0), unroll=False)
        woff_s[NWIN] = end
        wb_v[pl.ds(B, L)] = iota + B
        wv_v[pl.ds(B, L)] = jnp.full((L,), TCOL, dtype=jnp.int32)

    def chunk_start(g, col, size, slot, sem):
        return pltpu.async_copy(
            tt_hbm.at[pl.ds(g, 1), :, pl.ds(col, size)],
            buf_v.at[pl.ds(slot, 1), :, pl.ds(0, size)], sem)

    def chunk_wait(size, slot, sem):
        pltpu.make_async_copy(
            tt_hbm.at[pl.ds(0, 1), :, pl.ds(0, size)],
            buf_v.at[pl.ds(slot, 1), :, pl.ds(0, size)], sem).wait()

    def pluck_window(w, col, slot):
        p0 = woff_s[w]
        p1 = woff_s[w + 1]
        n_t = lax.div(p1 - p0 + (L - 1), L)

        def per_tile(t, _):
            ko = p0 + t * L
            v = wv_v[pl.ds(ko, L)]
            b = wb_v[pl.ds(ko, L)]
            dv = jnp.minimum(jnp.maximum(v - col, 0), W - 1)
            slotv = jnp.full((L,), slot, dtype=jnp.int32)
            zv = jnp.zeros((L,), dtype=jnp.int32)
            for s in range(8):
                sv = jnp.full((L,), s, dtype=jnp.int32)
                g = plsc.load_gather(buf_v, [slotv, sv, dv])
                plsc.store_scatter(stage_v, [zv, sv, b], g)
            return 0

        lax.fori_loop(0, n_t, per_tile, 0, unroll=False)

    def tail_start(g):
        return pltpu.async_copy(tail_hbm.at[pl.ds(g, 1)],
                                buf_v.at[pl.ds(1, 1), :, pl.ds(0, 128)], gsem1)

    def per_group(k, f_prev):
        g = g_start + k
        f = g // 8

        @pl.when(k == 0)
        def _():
            chunk_start(g, 0, W, 0, gsem0)
            chunk_start(g, W, W, 1, gsem1)

        @pl.when(f != f_prev)
        def _():
            bucketize(f)

        @pl.when(k >= 1)
        def _():
            pltpu.make_async_copy(stage_v.at[:, :, pl.ds(0, B)], xt_hbm.at[pl.ds(0, 1)], wsem).wait()

        def per_pair(p, _):
            chunk_wait(W, 0, gsem0)
            pluck_window(2 * p, 2 * p * W, 0)

            @pl.when(2 * p + 2 < NFULL)
            def _():
                chunk_start(g, (2 * p + 2) * W, W, 0, gsem0)

            @pl.when(2 * p + 2 == NFULL)
            def _():
                chunk_start(g, SCOL, SLEN, 0, gsem0)

            chunk_wait(W, 1, gsem1)
            pluck_window(2 * p + 1, (2 * p + 1) * W, 1)

            @pl.when(2 * p + 3 < NFULL)
            def _():
                chunk_start(g, (2 * p + 3) * W, W, 1, gsem1)

            @pl.when(2 * p + 3 == NFULL + 1)
            def _():
                tail_start(g)

            return 0

        lax.fori_loop(0, NFULL // 2, per_pair, 0, unroll=False)

        chunk_wait(SLEN, 0, gsem0)
        pluck_window(NFULL, SCOL, 0)

        @pl.when(k + 1 < n_grp)
        def _():
            chunk_start(g + 1, 0, W, 0, gsem0)

        pltpu.make_async_copy(tail_hbm.at[pl.ds(0, 1)],
                              buf_v.at[pl.ds(1, 1), :, pl.ds(0, 128)], gsem1).wait()
        pluck_window(NFULL + 1, TCOL, 1)

        @pl.when(k + 1 < n_grp)
        def _():
            chunk_start(g + 1, W, W, 1, gsem1)

        pltpu.async_copy(stage_v.at[:, :, pl.ds(0, B)], xt_hbm.at[pl.ds(g, 1)], wsem)
        return f

    lax.fori_loop(0, n_grp, per_group, jnp.int32(-1), unroll=False)
    pltpu.make_async_copy(stage_v.at[:, :, pl.ds(0, B)], xt_hbm.at[pl.ds(0, 1)], wsem).wait()


def _mlp_body(xt_ref, w1_ref, b1_ref, w2_ref, b2_ref, o_ref):
    h = lax.dot_general(
        xt_ref[...], w1_ref[...],
        dimension_numbers=(((0,), (0,)), ((), ())),
        preferred_element_type=jnp.float32,
    )
    h = jnp.maximum(h + b1_ref[...], 0.0)
    o_ref[...] = jnp.dot(h, w2_ref[...], preferred_element_type=jnp.float32) + b2_ref[...]


BB = 1024


def _tc_mlp(xt, W1, b1, W2, b2):
    return pl.pallas_call(
        _mlp_body,
        grid=(B // BB,),
        in_specs=[
            pl.BlockSpec((ROWS, BB), lambda i: (0, i)),
            pl.BlockSpec((ROWS, H), lambda i: (0, 0)),
            pl.BlockSpec((1, H), lambda i: (0, 0)),
            pl.BlockSpec((H, O), lambda i: (0, 0)),
            pl.BlockSpec((1, O), lambda i: (0, 0)),
        ],
        out_specs=pl.BlockSpec((BB, O), lambda i: (i, 0)),
        out_shape=jax.ShapeDtypeStruct((B, O), jnp.float32),
    )(xt, W1, b1, W2, b2)


def kernel(features, tables, W1, b1, W2, b2):
    ttf = tables.transpose(0, 2, 1)
    tt = ttf.reshape(NG, 8, V)
    tail = jnp.pad(ttf[:, :, TCOL:], ((0, 0), (0, 0), (0, 128 - TLEN))).reshape(NG, 8, 128)
    ft = features.T.astype(jnp.int32).reshape(F, 1, B)
    xt = _sc_gather(tt, ft, tail).reshape(ROWS, B)
    return _tc_mlp(xt, W1, b1.reshape(1, H), W2, b2.reshape(1, O))

# --- scband reference (transcript-rebuilt; emitter-appended) ---
"""Pipeline reference for scband-embedding-tower-71949292142728 (READ-ONLY COPY).

The authoritative reference and input builder live on the scoring server;
editing this copy changes nothing except your own understanding.
"""

import jax, jax.numpy as jnp
import numpy as np

B = 4096   # batch
F = 26     # n_sparse_fields
V = 100000 # vocab per table
D = 64     # embedding_dim
H = 512    # interaction hidden
O = 256    # interaction output


def setup_inputs(seed: int = 0) -> dict:
    key = jax.random.key(seed)
    k1, k2, k3, k4 = jax.random.split(key, 4)
    # KeyedJaggedTensor simplified to one index per (sample, field)
    features = jax.random.randint(k1, (B, F), 0, V)
    # EmbeddingBagCollection: one table per sparse field, stacked [F, V, D]
    tables = jax.random.normal(k2, (F, V, D), dtype=jnp.float32) * 0.01
    # Interaction module: 2-layer MLP over concatenated per-field embeddings
    W1 = jax.random.normal(k3, (F * D, H), dtype=jnp.float32) * 0.02
    b1 = jnp.zeros((H,), dtype=jnp.float32)
    W2 = jax.random.normal(k4, (H, O), dtype=jnp.float32) * 0.02
    b2 = jnp.zeros((O,), dtype=jnp.float32)
    return {"features": features, "tables": tables, "W1": W1, "b1": b1, "W2": W2, "b2": b2}


def reference(features, tables, W1, b1, W2, b2):
    # EmbeddingTower.forward: embeddings = self.embedding(features)
    # per-field embedding lookup (pooling factor 1 -> bag == single row)
    field_ids = jnp.arange(F)[None, :]          # [1, F]
    emb = tables[field_ids, features]           # gather -> [B, F, D]
    # interaction module: concat fields, MLP -> 2D tensor
    x = emb.reshape(B, F * D)                   # [B, F*D]
    h = jax.nn.relu(x @ W1 + b1)                # [B, H]
    out = h @ W2 + b2                           # [B, O]
    return out

if __name__ == "__main__":
    import jax
    _d = setup_inputs()
    print(jax.jit(kernel)(*tuple(_d.values())))

</pallas_src>

<mosaic_0001>
#map = affine_map<(d0, d1) -> (0, 0, 0)>
module attributes {stable_mosaic.version = 14 : i64} {
  func.func @_sc_gather(%arg0: i32, %arg1: i32, %arg2: memref<208x8x100000xf32, #tpu.memory_space<hbm>>, %arg3: memref<26x1x4096xi32, #tpu.memory_space<hbm>>, %arg4: memref<208x8x128xf32, #tpu.memory_space<hbm>>, %arg5: memref<208x8x4096xf32, #tpu.memory_space<hbm>>, %arg6: memref<1x1x4096xi32, #tpu.memory_space<vmem>>, %arg7: memref<2x8x4864xf32, #tpu.memory_space<vmem>>, %arg8: memref<1x8x4112xf32, #tpu.memory_space<vmem>>, %arg9: memref<4128xi32, #tpu.memory_space<vmem>>, %arg10: memref<4128xi32, #tpu.memory_space<vmem>>, %arg11: memref<64xi32, #tpu.memory_space<smem>>, %arg12: memref<!tpu.dma_semaphore, #tpu.memory_space<semaphore_mem>>, %arg13: memref<!tpu.dma_semaphore, #tpu.memory_space<semaphore_mem>>, %arg14: memref<!tpu.dma_semaphore, #tpu.memory_space<semaphore_mem>>, %arg15: memref<!tpu.dma_semaphore, #tpu.memory_space<semaphore_mem>>) attributes {dimension_semantics = [#tpu.dimension_semantics<core_parallel>, #tpu.dimension_semantics<subcore_parallel>], iteration_bounds = array<i64: 2, 16>, scalar_prefetch = 0 : i64, scratch_operands = 10 : i64, tpu.core_type = #tpu.core_type<sc_vector_subcore>, window_params = [{transform_indices = #map}, {transform_indices = #map}, {transform_indices = #map}, {transform_indices = #map}]} {
    %mul3A = arith.constant 2 : i32
    %mul3A_0 = arith.muli %arg1, %mul3A : i32
    %add3A = arith.addi %mul3A_0, %arg0 : i32
    %lt3A = arith.constant 16 : i32
    %lt3A_1 = arith.cmpi slt, %add3A, %lt3A : i32
    %mul3A_2 = arith.constant 7 : i32
    %mul3A_3 = arith.muli %mul3A_2, %add3A : i32
    %mul3A_4 = arith.constant 6 : i32
    %mul3A_5 = arith.muli %mul3A_4, %add3A : i32
    %add3A_6 = arith.constant 16 : i32
    %add3A_7 = arith.addi %mul3A_5, %add3A_6 : i32
    %select_n3A = arith.select %lt3A_1, %mul3A_3, %add3A_7 : i32
    %lt3A_8 = arith.constant 16 : i32
    %lt3A_9 = arith.cmpi slt, %add3A, %lt3A_8 : i32
    %jit3A = arith.constant 7 : i32
    %jit3A_10 = arith.constant 6 : i32
    %select_n3A_11 = arith.select %lt3A_9, %jit3A, %jit3A_10 : i32
    %iota3A = tpu.iota {dimensions = array<i32: 0>} : vector<16xi32>
    %while3A = arith.constant 0 : i32
    %while3A_12 = arith.constant -1 : i32
    %while3A_13 = arith.subi %select_n3A_11, %while3A : i32
    %while3A_14 = arith.addi %while3A, %while3A_13 : i32
    %while3A_15 = arith.constant 1 : i32
    %while3A_16 = arith.divsi %while3A_13, %while3A_15 : i32
    %while3A_17 = arith.muli %while3A_16, %while3A_15 : i32
    %while3A_18 = arith.addi %while3A, %while3A_17 : i32
    %while3A_19 = arith.constant 1 : i32
    %while3A_20 = scf.for %while3A_38 = %while3A to %while3A_18 step %while3A_19 iter_args(%while3A_39 = %while3A_12) -> (i32)  : i32 {
      %add3A_40 = arith.addi %select_n3A, %while3A_38 : i32
      %jit3A_41 = arith.constant 8 : i32
      %div3A = arith.divsi %add3A_40, %jit3A_41 : i32
      %sign3A = arith.constant 0 : i32
      %sign3A_42 = arith.cmpi sgt, %add3A_40, %sign3A : i32
      %sign3A_43 = arith.extui %sign3A_42 : i1 to i32
      %sign3A_44 = arith.constant 0 : i32
      %sign3A_45 = arith.cmpi slt, %add3A_40, %sign3A_44 : i32
      %sign3A_46 = arith.extui %sign3A_45 : i1 to i32
      %sign3A_47 = arith.subi %sign3A_43, %sign3A_46 : i32
      %sign3A_48 = arith.constant 0 : i32
      %sign3A_49 = arith.cmpi sgt, %jit3A_41, %sign3A_48 : i32
      %sign3A_50 = arith.extui %sign3A_49 : i1 to i32
      %sign3A_51 = arith.constant 0 : i32
      %sign3A_52 = arith.cmpi slt, %jit3A_41, %sign3A_51 : i32
      %sign3A_53 = arith.extui %sign3A_52 : i1 to i32
      %sign3A_54 = arith.subi %sign3A_50, %sign3A_53 : i32
      %ne3A = arith.cmpi ne, %sign3A_47, %sign3A_54 : i32
      %rem3A = arith.remsi %add3A_40, %jit3A_41 : i32
      %ne3A_55 = arith.constant 0 : i32
      %ne3A_56 = arith.cmpi ne, %rem3A, %ne3A_55 : i32
      %and3A = arith.andi %ne3A, %ne3A_56 : i1
      %sub3A = arith.constant 1 : i32
      %sub3A_57 = arith.subi %div3A, %sub3A : i32
      %select_n3A_58 = arith.select %and3A, %sub3A_57, %div3A : i32
      %eq3A = arith.constant 0 : i32
      %eq3A_59 = arith.cmpi eq, %while3A_38, %eq3A : i32
      %convert_element_type3A = arith.extui %eq3A_59 : i1 to i32
      %cond3A = arith.constant 0 : i32
      %cond3A_60 = arith.cmpi ne, %convert_element_type3A, %cond3A : i32
      scf.if %cond3A_60 {
        %dma_start3A_177 = arith.constant 0 : i32
        %dma_start3A_178 = arith.constant 0 : i32
        %dma_start3A_179 = arith.constant 0 : i32
        %dma_start3A_180 = tpu.memref_slice %arg7[%dma_start3A_177, %dma_start3A_178, %dma_start3A_179] : memref<2x8x4864xf32, #tpu.memory_space<vmem>> -> memref<1x8x4864xf32, #tpu.memory_space<vmem>>
        %dma_start3A_181 = arith.constant 0 : i32
        %dma_start3A_182 = arith.constant 0 : i32
        %dma_start3A_183 = tpu.memref_slice %arg2[%add3A_40, %dma_start3A_181, %dma_start3A_182] : memref<208x8x100000xf32, #tpu.memory_space<hbm>> -> memref<1x8x4864xf32, #tpu.memory_space<hbm>>
        %dma_start3A_184 = arith.constant 0 : i32
        %dma_start3A_185 = arith.constant 0 : i32
        %dma_start3A_186 = arith.constant 0 : i32
        %dma_start3A_187 = tpu.memref_slice %arg7[%dma_start3A_184, %dma_start3A_185, %dma_start3A_186] : memref<2x8x4864xf32, #tpu.memory_space<vmem>> -> memref<1x8x4864xf32, #tpu.memory_space<vmem>>
        %dma_start3A_188 = arith.constant 0 : i32
        %dma_start3A_189 = arith.constant 0 : i32
        %dma_start3A_190 = tpu.memref_slice %arg2[%add3A_40, %dma_start3A_188, %dma_start3A_189] : memref<208x8x100000xf32, #tpu.memory_space<hbm>> -> memref<1x8x4864xf32, #tpu.memory_space<hbm>>
        tpu.enqueue_dma source(%dma_start3A_190 : memref<1x8x4864xf32, #tpu.memory_space<hbm>>) target(%dma_start3A_187 : memref<1x8x4864xf32, #tpu.memory_space<vmem>>) target_semaphore(%arg13 : memref<!tpu.dma_semaphore, #tpu.memory_space<semaphore_mem>>)
        %dma_start3A_191 = arith.constant 1 : i32
        %dma_start3A_192 = arith.constant 0 : i32
        %dma_start3A_193 = arith.constant 0 : i32
        %dma_start3A_194 = tpu.memref_slice %arg7[%dma_start3A_191, %dma_start3A_192, %dma_start3A_193] : memref<2x8x4864xf32, #tpu.memory_space<vmem>> -> memref<1x8x4864xf32, #tpu.memory_space<vmem>>
        %dma_start3A_195 = arith.constant 0 : i32
        %dma_start3A_196 = arith.constant 4864 : i32
        %dma_start3A_197 = tpu.memref_slice %arg2[%add3A_40, %dma_start3A_195, %dma_start3A_196] : memref<208x8x100000xf32, #tpu.memory_space<hbm>> -> memref<1x8x4864xf32, #tpu.memory_space<hbm>>
        %dma_start3A_198 = arith.constant 1 : i32
        %dma_start3A_199 = arith.constant 0 : i32
        %dma_start3A_200 = arith.constant 0 : i32
        %dma_start3A_201 = tpu.memref_slice %arg7[%dma_start3A_198, %dma_start3A_199, %dma_start3A_200] : memref<2x8x4864xf32, #tpu.memory_space<vmem>> -> memref<1x8x4864xf32, #tpu.memory_space<vmem>>
        %dma_start3A_202 = arith.constant 0 : i32
        %dma_start3A_203 = arith.constant 4864 : i32
        %dma_start3A_204 = tpu.memref_slice %arg2[%add3A_40, %dma_start3A_202, %dma_start3A_203] : memref<208x8x100000xf32, #tpu.memory_space<hbm>> -> memref<1x8x4864xf32, #tpu.memory_space<hbm>>
        tpu.enqueue_dma source(%dma_start3A_204 : memref<1x8x4864xf32, #tpu.memory_space<hbm>>) target(%dma_start3A_201 : memref<1x8x4864xf32, #tpu.memory_space<vmem>>) target_semaphore(%arg14 : memref<!tpu.dma_semaphore, #tpu.memory_space<semaphore_mem>>)
      } else {
      }
      %ne3A_61 = arith.cmpi ne, %select_n3A_58, %while3A_39 : i32
      %convert_element_type3A_62 = arith.extui %ne3A_61 : i1 to i32
      %cond3A_63 = arith.constant 0 : i32
      %cond3A_64 = arith.cmpi ne, %convert_element_type3A_62, %cond3A_63 : i32
      scf.if %cond3A_64 {
        %dma_start3A_177 = arith.constant 0 : i32
        %dma_start3A_178 = arith.constant 0 : i32
        %dma_start3A_179 = tpu.memref_slice %arg3[%select_n3A_58, %dma_start3A_177, %dma_start3A_178] : memref<26x1x4096xi32, #tpu.memory_space<hbm>> -> memref<1x1x4096xi32, #tpu.memory_space<hbm>>
        %dma_start3A_180 = arith.constant 0 : i32
        %dma_start3A_181 = arith.constant 0 : i32
        %dma_start3A_182 = tpu.memref_slice %arg3[%select_n3A_58, %dma_start3A_180, %dma_start3A_181] : memref<26x1x4096xi32, #tpu.memory_space<hbm>> -> memref<1x1x4096xi32, #tpu.memory_space<hbm>>
        tpu.enqueue_dma source(%dma_start3A_182 : memref<1x1x4096xi32, #tpu.memory_space<hbm>>) target(%arg6 : memref<1x1x4096xi32, #tpu.memory_space<vmem>>) target_semaphore(%arg12 : memref<!tpu.dma_semaphore, #tpu.memory_space<semaphore_mem>>)
        %dma_wait3A_183 = arith.constant 0 : i32
        %dma_wait3A_184 = arith.constant 0 : i32
        %dma_wait3A_185 = tpu.memref_slice %arg3[%select_n3A_58, %dma_wait3A_183, %dma_wait3A_184] : memref<26x1x4096xi32, #tpu.memory_space<hbm>> -> memref<1x1x4096xi32, #tpu.memory_space<hbm>>
        %dma_wait3A_186 = arith.constant 0 : i32
        %dma_wait3A_187 = arith.constant 0 : i32
        %dma_wait3A_188 = tpu.memref_slice %arg3[%select_n3A_58, %dma_wait3A_186, %dma_wait3A_187] : memref<26x1x4096xi32, #tpu.memory_space<hbm>> -> memref<1x1x4096xi32, #tpu.memory_space<hbm>>
        tpu.wait_dma2 semaphore(%arg12 : memref<!tpu.dma_semaphore, #tpu.memory_space<semaphore_mem>>) src(%dma_wait3A_188 : memref<1x1x4096xi32, #tpu.memory_space<hbm>>) dst(%arg6 : memref<1x1x4096xi32, #tpu.memory_space<vmem>>)
        %scan3A_189 = arith.constant 0 : i32
        %scan3A_190 = arith.constant 0 : i32
        %scan3A_191 = arith.constant 22 : i32
        %scan3A_192 = arith.addi %scan3A_190, %scan3A_191 : i32
        %scan3A_193 = arith.constant 1 : i32
        %scan3A_194 = scf.for %scan3A_206 = %scan3A_190 to %scan3A_192 step %scan3A_193 iter_args(%scan3A_207 = %scan3A_189) -> (i32)  : i32 {
          %swap3A_208 = arith.index_cast %scan3A_206 : i32 to index
          %swap3A_209 = memref.load %arg11[%swap3A_208] : memref<64xi32, #tpu.memory_space<smem>>
          memref.store %scan3A_207, %arg11[%swap3A_208] : memref<64xi32, #tpu.memory_space<smem>>
          %scan3A_210 = arith.constant 0 : i32
          %scan3A_211 = arith.constant 256 : i32
          %scan3A_212 = arith.addi %scan3A_210, %scan3A_211 : i32
          %scan3A_213 = arith.constant 1 : i32
          %scan3A_214 = scf.for %scan3A_216 = %scan3A_210 to %scan3A_212 step %scan3A_213 iter_args(%scan3A_217 = %scan3A_207) -> (i32)  : i32 {
            %mul3A_218 = arith.constant 16 : i32
            %mul3A_219 = arith.muli %scan3A_216, %mul3A_218 : i32
            %get3A_220 = arith.constant 0 : i32
            %get3A_221 = arith.constant 0 : i32
            %get3A_222 = arith.index_cast %get3A_220 : i32 to index
            %get3A_223 = arith.index_cast %get3A_221 : i32 to index
            %get3A_224 = arith.index_cast %mul3A_219 : i32 to index
            %get3A_225 = tpu.vector_load %arg6[%get3A_222, %get3A_223, %get3A_224] {strides = array<i32>} : memref<1x1x4096xi32, #tpu.memory_space<vmem>>, vector<16xi32>,
            %shift_right_logical3A = arith.constant 7 : i32
            %shift_right_logical3A_226 = vector.broadcast %shift_right_logical3A : i32 to vector<16xi32>
            %shift_right_logical3A_227 = arith.shrui %get3A_225, %shift_right_logical3A_226 : vector<16xi32>
            %mul3A_228 = arith.constant 1725 : i32
            %mul3A_229 = vector.broadcast %mul3A_228 : i32 to vector<16xi32>
            %mul3A_230 = arith.muli %shift_right_logical3A_227, %mul3A_229 : vector<16xi32>
            %shift_right_logical3A_231 = arith.constant 16 : i32
            %shift_right_logical3A_232 = vector.broadcast %shift_right_logical3A_231 : i32 to vector<16xi32>
            %shift_right_logical3A_233 = arith.shrui %mul3A_230, %shift_right_logical3A_232 : vector<16xi32>
            %ge3A_234 = arith.constant 99968 : i32
            %ge3A_235 = vector.broadcast %ge3A_234 : i32 to vector<16xi32>
            %ge3A_236 = arith.cmpi sge, %get3A_225, %ge3A_235 : vector<16xi32>
            %jit3A_237 = arith.constant 21 : i32
            %broadcast_in_dim3A_238 = vector.broadcast %jit3A_237 : i32 to vector<16xi32>
            %select_n3A_239 = arith.select %ge3A_236, %broadcast_in_dim3A_238, %shift_right_logical3A_233 : vector<16xi1>, vector<16xi32>
            %eq3A_240 = vector.broadcast %scan3A_206 : i32 to vector<16xi32>
            %eq3A_241 = arith.cmpi eq, %select_n3A_239, %eq3A_240 : vector<16xi32>
            %convert_element_type3A_242 = arith.extui %eq3A_241 : vector<16xi1> to vector<16xi32>
            %broadcast_in_dim3A_243 = arith.constant true
            %broadcast_in_dim3A_244 = vector.broadcast %broadcast_in_dim3A_243 : i1 to vector<16xi1>
            %masked_cumsum3A = tpu.scan <sum>, %convert_element_type3A_242 masked %broadcast_in_dim3A_244 : vector<16xi32>, vector<16xi1> -> vector<16xi32>
            %sub3A_245 = arith.subi %masked_cumsum3A, %convert_element_type3A_242 : vector<16xi32>
            %add3A_246 = vector.broadcast %scan3A_217 : i32 to vector<16xi32>
            %add3A_247 = arith.addi %add3A_246, %sub3A_245 : vector<16xi32>
            %add3A_248 = arith.constant 4112 : i32
            %add3A_249 = vector.broadcast %add3A_248 : i32 to vector<16xi32>
            %add3A_250 = arith.addi %add3A_249, %iota3A : vector<16xi32>
            %select_n3A_251 = arith.select %eq3A_241, %add3A_247, %add3A_250 : vector<16xi1>, vector<16xi32>
            tpu.vector_store_idx %arg9[%select_n3A_251], %get3A_225 : memref<4128xi32, #tpu.memory_space<vmem>>[vector<16xi32>], vector<16xi32>,
            %mul3A_252 = arith.constant 16 : i32
            %mul3A_253 = arith.muli %scan3A_216, %mul3A_252 : i32
            %add3A_254 = vector.broadcast %mul3A_253 : i32 to vector<16xi32>
            %add3A_255 = arith.addi %iota3A, %add3A_254 : vector<16xi32>
            tpu.vector_store_idx %arg10[%select_n3A_251], %add3A_255 : memref<4128xi32, #tpu.memory_space<vmem>>[vector<16xi32>], vector<16xi32>,
            %reduce_sum3A = arith.constant true
            %reduce_sum3A_256 = vector.broadcast %reduce_sum3A : i1 to vector<16xi1>
            %reduce_sum3A_257 = tpu.scan <sum>, %convert_element_type3A_242 masked %reduce_sum3A_256 : vector<16xi32>, vector<16xi1> -> vector<16xi32>
            %reduce_sum3A_258 = vector.extract %reduce_sum3A_257[15] : i32 from vector<16xi32>
            %add3A_259 = arith.addi %scan3A_217, %reduce_sum3A_258 : i32
            scf.yield %add3A_259 : i32
          }
          %scan3A_215 = arith.constant 256 : i32
          scf.yield %scan3A_214 : i32
        }
        %scan3A_195 = arith.constant 22 : i32
        %swap3A = arith.constant 22 : i32
        %swap3A_196 = arith.index_cast %swap3A : i32 to index
        %swap3A_197 = memref.load %arg11[%swap3A_196] : memref<64xi32, #tpu.memory_space<smem>>
        memref.store %scan3A_194, %arg11[%swap3A_196] : memref<64xi32, #tpu.memory_space<smem>>
        %add3A_198 = arith.constant 4096 : i32
        %add3A_199 = vector.broadcast %add3A_198 : i32 to vector<16xi32>
        %add3A_200 = arith.addi %iota3A, %add3A_199 : vector<16xi32>
        %swap3A_201 = arith.constant 4096 : index
        %swap3A_202 = tpu.vector_load %arg10[%swap3A_201] {strides = array<i32>} : memref<4128xi32, #tpu.memory_space<vmem>>, vector<16xi32>,
        tpu.vector_store %arg10[%swap3A_201], %add3A_200 {strides = array<i32>} : memref<4128xi32, #tpu.memory_space<vmem>>, vector<16xi32>,
        %broadcast_in_dim3A = arith.constant 99968 : i32
        %broadcast_in_dim3A_203 = vector.broadcast %broadcast_in_dim3A : i32 to vector<16xi32>
        %swap3A_204 = arith.constant 4096 : index
        %swap3A_205 = tpu.vector_load %arg9[%swap3A_204] {strides = array<i32>} : memref<4128xi32, #tpu.memory_space<vmem>>, vector<16xi32>,
        tpu.vector_store %arg9[%swap3A_204], %broadcast_in_dim3A_203 {strides = array<i32>} : memref<4128xi32, #tpu.memory_space<vmem>>, vector<16xi32>,
      } else {
      }
      %ge3A = arith.constant 1 : i32
      %ge3A_65 = arith.cmpi sge, %while3A_38, %ge3A : i32
      %convert_element_type3A_66 = arith.extui %ge3A_65 : i1 to i32
      %cond3A_67 = arith.constant 0 : i32
      %cond3A_68 = arith.cmpi ne, %convert_element_type3A_66, %cond3A_67 : i32
      scf.if %cond3A_68 {
        %dma_wait3A_177 = arith.constant 0 : i32
        %dma_wait3A_178 = arith.constant 0 : i32
        %dma_wait3A_179 = arith.constant 0 : i32
        %dma_wait3A_180 = tpu.memref_slice %arg8[%dma_wait3A_177, %dma_wait3A_178, %dma_wait3A_179] : memref<1x8x4112xf32, #tpu.memory_space<vmem>> -> memref<1x8x4096xf32, #tpu.memory_space<vmem>>
        %dma_wait3A_181 = arith.constant 0 : i32
        %dma_wait3A_182 = arith.constant 0 : i32
        %dma_wait3A_183 = arith.constant 0 : i32
        %dma_wait3A_184 = tpu.memref_slice %arg5[%dma_wait3A_181, %dma_wait3A_182, %dma_wait3A_183] : memref<208x8x4096xf32, #tpu.memory_space<hbm>> -> memref<1x8x4096xf32, #tpu.memory_space<hbm>>
        %dma_wait3A_185 = arith.constant 0 : i32
        %dma_wait3A_186 = arith.constant 0 : i32
        %dma_wait3A_187 = arith.constant 0 : i32
        %dma_wait3A_188 = tpu.memref_slice %arg5[%dma_wait3A_185, %dma_wait3A_186, %dma_wait3A_187] : memref<208x8x4096xf32, #tpu.memory_space<hbm>> -> memref<1x8x4096xf32, #tpu.memory_space<hbm>>
        %dma_wait3A_189 = arith.constant 0 : i32
        %dma_wait3A_190 = arith.constant 0 : i32
        %dma_wait3A_191 = arith.constant 0 : i32
        %dma_wait3A_192 = tpu.memref_slice %arg8[%dma_wait3A_189, %dma_wait3A_190, %dma_wait3A_191] : memref<1x8x4112xf32, #tpu.memory_space<vmem>> -> memref<1x8x4096xf32, #tpu.memory_space<vmem>>
        tpu.wait_dma2 semaphore(%arg15 : memref<!tpu.dma_semaphore, #tpu.memory_space<semaphore_mem>>) src(%dma_wait3A_192 : memref<1x8x4096xf32, #tpu.memory_space<vmem>>) dst(%dma_wait3A_188 : memref<1x8x4096xf32, #tpu.memory_space<hbm>>)
      } else {
      }
      %scan3A = arith.constant 0 : i32
      %scan3A_69 = arith.constant 0 : i32
      %scan3A_70 = arith.constant 10 : i32
      %scan3A_71 = arith.addi %scan3A_69, %scan3A_70 : i32
      %scan3A_72 = arith.constant 1 : i32
      %scan3A_73 = scf.for %scan3A_177 = %scan3A_69 to %scan3A_71 step %scan3A_72 iter_args(%scan3A_178 = %scan3A) -> (i32)  : i32 {
        %dma_wait3A_179 = arith.constant 0 : i32
        %dma_wait3A_180 = arith.constant 0 : i32
        %dma_wait3A_181 = arith.constant 0 : i32
        %dma_wait3A_182 = tpu.memref_slice %arg7[%dma_wait3A_179, %dma_wait3A_180, %dma_wait3A_181] : memref<2x8x4864xf32, #tpu.memory_space<vmem>> -> memref<1x8x4864xf32, #tpu.memory_space<vmem>>
        %dma_wait3A_183 = arith.constant 0 : i32
        %dma_wait3A_184 = arith.constant 0 : i32
        %dma_wait3A_185 = arith.constant 0 : i32
        %dma_wait3A_186 = tpu.memref_slice %arg2[%dma_wait3A_183, %dma_wait3A_184, %dma_wait3A_185] : memref<208x8x100000xf32, #tpu.memory_space<hbm>> -> memref<1x8x4864xf32, #tpu.memory_space<hbm>>
        %dma_wait3A_187 = arith.constant 0 : i32
        %dma_wait3A_188 = arith.constant 0 : i32
        %dma_wait3A_189 = arith.constant 0 : i32
        %dma_wait3A_190 = tpu.memref_slice %arg7[%dma_wait3A_187, %dma_wait3A_188, %dma_wait3A_189] : memref<2x8x4864xf32, #tpu.memory_space<vmem>> -> memref<1x8x4864xf32, #tpu.memory_space<vmem>>
        %dma_wait3A_191 = arith.constant 0 : i32
        %dma_wait3A_192 = arith.constant 0 : i32
        %dma_wait3A_193 = arith.constant 0 : i32
        %dma_wait3A_194 = tpu.memref_slice %arg2[%dma_wait3A_191, %dma_wait3A_192, %dma_wait3A_193] : memref<208x8x100000xf32, #tpu.memory_space<hbm>> -> memref<1x8x4864xf32, #tpu.memory_space<hbm>>
        tpu.wait_dma2 semaphore(%arg13 : memref<!tpu.dma_semaphore, #tpu.memory_space<semaphore_mem>>) src(%dma_wait3A_194 : memref<1x8x4864xf32, #tpu.memory_space<hbm>>) dst(%dma_wait3A_190 : memref<1x8x4864xf32, #tpu.memory_space<vmem>>)
        %mul3A_195 = arith.constant 2 : i32
        %mul3A_196 = arith.muli %mul3A_195, %scan3A_177 : i32
        %mul3A_197 = arith.constant 2 : i32
        %mul3A_198 = arith.muli %mul3A_197, %scan3A_177 : i32
        %mul3A_199 = arith.constant 4864 : i32
        %mul3A_200 = arith.muli %mul3A_198, %mul3A_199 : i32
        %get3A_201 = arith.index_cast %mul3A_196 : i32 to index
        %get3A_202 = memref.load %arg11[%get3A_201] : memref<64xi32, #tpu.memory_space<smem>>
        %add3A_203 = arith.constant 1 : i32
        %add3A_204 = arith.addi %mul3A_196, %add3A_203 : i32
        %get3A_205 = arith.index_cast %add3A_204 : i32 to index
        %get3A_206 = memref.load %arg11[%get3A_205] : memref<64xi32, #tpu.memory_space<smem>>
        %sub3A_207 = arith.subi %get3A_206, %get3A_202 : i32
        %add3A_208 = arith.constant 15 : i32
        %add3A_209 = arith.addi %sub3A_207, %add3A_208 : i32
        %div3A_210 = arith.constant 16 : i32
        %div3A_211 = arith.divsi %add3A_209, %div3A_210 : i32
        %while3A_212 = arith.constant 0 : i32
        %while3A_213 = arith.constant 0 : i32
        %while3A_214 = arith.subi %div3A_211, %while3A_212 : i32
        %while3A_215 = arith.addi %while3A_212, %while3A_214 : i32
        %while3A_216 = arith.constant 1 : i32
        %while3A_217 = arith.divsi %while3A_214, %while3A_216 : i32
        %while3A_218 = arith.muli %while3A_217, %while3A_216 : i32
        %while3A_219 = arith.addi %while3A_212, %while3A_218 : i32
        %while3A_220 = arith.constant 1 : i32
        %while3A_221 = scf.for %while3A_310 = %while3A_212 to %while3A_219 step %while3A_220 iter_args(%while3A_311 = %while3A_213) -> (i32)  : i32 {
          %mul3A_312 = arith.constant 16 : i32
          %mul3A_313 = arith.muli %while3A_310, %mul3A_312 : i32
          %add3A_314 = arith.addi %get3A_202, %mul3A_313 : i32
          %get3A_315 = arith.index_cast %add3A_314 : i32 to index
          %get3A_316 = tpu.vector_load %arg9[%get3A_315] {strides = array<i32>} : memref<4128xi32, #tpu.memory_space<vmem>>, vector<16xi32>,
          %get3A_317 = arith.index_cast %add3A_314 : i32 to index
          %get3A_318 = tpu.vector_load %arg10[%get3A_317] {strides = array<i32>} : memref<4128xi32, #tpu.memory_space<vmem>>, vector<16xi32>,
          %sub3A_319 = vector.broadcast %mul3A_200 : i32 to vector<16xi32>
          %sub3A_320 = arith.subi %get3A_316, %sub3A_319 : vector<16xi32>
          %max3A = arith.constant 0 : i32
          %max3A_321 = vector.broadcast %max3A : i32 to vector<16xi32>
          %max3A_322 = arith.maxsi %sub3A_320, %max3A_321 : vector<16xi32>
          %min3A = arith.constant 4863 : i32
          %min3A_323 = vector.broadcast %min3A : i32 to vector<16xi32>
          %min3A_324 = arith.minsi %max3A_322, %min3A_323 : vector<16xi32>
          %broadcast_in_dim3A = arith.constant 0 : i32
          %broadcast_in_dim3A_325 = vector.broadcast %broadcast_in_dim3A : i32 to vector<16xi32>
          %broadcast_in_dim3A_326 = arith.constant 0 : i32
          %broadcast_in_dim3A_327 = vector.broadcast %broadcast_in_dim3A_326 : i32 to vector<16xi32>
          %broadcast_in_dim3A_328 = arith.constant 0 : i32
          %broadcast_in_dim3A_329 = vector.broadcast %broadcast_in_dim3A_328 : i32 to vector<16xi32>
          %gather3A = tpu.vector_load_idx %arg7[%broadcast_in_dim3A_325, %broadcast_in_dim3A_329, %min3A_324] : memref<2x8x4864xf32, #tpu.memory_space<vmem>>[vector<16xi32>, vector<16xi32>, vector<16xi32>], vector<16xf32>,
          tpu.vector_store_idx %arg8[%broadcast_in_dim3A_327, %broadcast_in_dim3A_329, %get3A_318], %gather3A : memref<1x8x4112xf32, #tpu.memory_space<vmem>>[vector<16xi32>, vector<16xi32>, vector<16xi32>], vector<16xf32>,
          %broadcast_in_dim3A_330 = arith.constant 1 : i32
          %broadcast_in_dim3A_331 = vector.broadcast %broadcast_in_dim3A_330 : i32 to vector<16xi32>
          %gather3A_332 = tpu.vector_load_idx %arg7[%broadcast_in_dim3A_325, %broadcast_in_dim3A_331, %min3A_324] : memref<2x8x4864xf32, #tpu.memory_space<vmem>>[vector<16xi32>, vector<16xi32>, vector<16xi32>], vector<16xf32>,
          tpu.vector_store_idx %arg8[%broadcast_in_dim3A_327, %broadcast_in_dim3A_331, %get3A_318], %gather3A_332 : memref<1x8x4112xf32, #tpu.memory_space<vmem>>[vector<16xi32>, vector<16xi32>, vector<16xi32>], vector<16xf32>,
          %broadcast_in_dim3A_333 = arith.constant 2 : i32
          %broadcast_in_dim3A_334 = vector.broadcast %broadcast_in_dim3A_333 : i32 to vector<16xi32>
          %gather3A_335 = tpu.vector_load_idx %arg7[%broadcast_in_dim3A_325, %broadcast_in_dim3A_334, %min3A_324] : memref<2x8x4864xf32, #tpu.memory_space<vmem>>[vector<16xi32>, vector<16xi32>, vector<16xi32>], vector<16xf32>,
          tpu.vector_store_idx %arg8[%broadcast_in_dim3A_327, %broadcast_in_dim3A_334, %get3A_318], %gather3A_335 : memref<1x8x4112xf32, #tpu.memory_space<vmem>>[vector<16xi32>, vector<16xi32>, vector<16xi32>], vector<16xf32>,
          %broadcast_in_dim3A_336 = arith.constant 3 : i32
          %broadcast_in_dim3A_337 = vector.broadcast %broadcast_in_dim3A_336 : i32 to vector<16xi32>
          %gather3A_338 = tpu.vector_load_idx %arg7[%broadcast_in_dim3A_325, %broadcast_in_dim3A_337, %min3A_324] : memref<2x8x4864xf32, #tpu.memory_space<vmem>>[vector<16xi32>, vector<16xi32>, vector<16xi32>], vector<16xf32>,
          tpu.vector_store_idx %arg8[%broadcast_in_dim3A_327, %broadcast_in_dim3A_337, %get3A_318], %gather3A_338 : memref<1x8x4112xf32, #tpu.memory_space<vmem>>[vector<16xi32>, vector<16xi32>, vector<16xi32>], vector<16xf32>,
          %broadcast_in_dim3A_339 = arith.constant 4 : i32
          %broadcast_in_dim3A_340 = vector.broadcast %broadcast_in_dim3A_339 : i32 to vector<16xi32>
          %gather3A_341 = tpu.vector_load_idx %arg7[%broadcast_in_dim3A_325, %broadcast_in_dim3A_340, %min3A_324] : memref<2x8x4864xf32, #tpu.memory_space<vmem>>[vector<16xi32>, vector<16xi32>, vector<16xi32>], vector<16xf32>,
          tpu.vector_store_idx %arg8[%broadcast_in_dim3A_327, %broadcast_in_dim3A_340, %get3A_318], %gather3A_341 : memref<1x8x4112xf32, #tpu.memory_space<vmem>>[vector<16xi32>, vector<16xi32>, vector<16xi32>], vector<16xf32>,
          %broadcast_in_dim3A_342 = arith.constant 5 : i32
          %broadcast_in_dim3A_343 = vector.broadcast %broadcast_in_dim3A_342 : i32 to vector<16xi32>
          %gather3A_344 = tpu.vector_load_idx %arg7[%broadcast_in_dim3A_325, %broadcast_in_dim3A_343, %min3A_324] : memref<2x8x4864xf32, #tpu.memory_space<vmem>>[vector<16xi32>, vector<16xi32>, vector<16xi32>], vector<16xf32>,
          tpu.vector_store_idx %arg8[%broadcast_in_dim3A_327, %broadcast_in_dim3A_343, %get3A_318], %gather3A_344 : memref<1x8x4112xf32, #tpu.memory_space<vmem>>[vector<16xi32>, vector<16xi32>, vector<16xi32>], vector<16xf32>,
          %broadcast_in_dim3A_345 = arith.constant 6 : i32
          %broadcast_in_dim3A_346 = vector.broadcast %broadcast_in_dim3A_345 : i32 to vector<16xi32>
          %gather3A_347 = tpu.vector_load_idx %arg7[%broadcast_in_dim3A_325, %broadcast_in_dim3A_346, %min3A_324] : memref<2x8x4864xf32, #tpu.memory_space<vmem>>[vector<16xi32>, vector<16xi32>, vector<16xi32>], vector<16xf32>,
          tpu.vector_store_idx %arg8[%broadcast_in_dim3A_327, %broadcast_in_dim3A_346, %get3A_318], %gather3A_347 : memref<1x8x4112xf32, #tpu.memory_space<vmem>>[vector<16xi32>, vector<16xi32>, vector<16xi32>], vector<16xf32>,
          %broadcast_in_dim3A_348 = arith.constant 7 : i32
          %broadcast_in_dim3A_349 = vector.broadcast %broadcast_in_dim3A_348 : i32 to vector<16xi32>
          %gather3A_350 = tpu.vector_load_idx %arg7[%broadcast_in_dim3A_325, %broadcast_in_dim3A_349, %min3A_324] : memref<2x8x4864xf32, #tpu.memory_space<vmem>>[vector<16xi32>, vector<16xi32>, vector<16xi32>], vector<16xf32>,
          tpu.vector_store_idx %arg8[%broadcast_in_dim3A_327, %broadcast_in_dim3A_349, %get3A_318], %gather3A_350 : memref<1x8x4112xf32, #tpu.memory_space<vmem>>[vector<16xi32>, vector<16xi32>, vector<16xi32>], vector<16xf32>,
          %while3A_351 = arith.constant 0 : i32
          scf.yield %while3A_351 : i32
        }
        %while3A_222 = arith.constant 1 : i32
        %while3A_223 = scf.for %while3A_310 = %while3A_219 to %while3A_215 step %while3A_222 iter_args(%while3A_311 = %while3A_221) -> (i32)  : i32 {
          %mul3A_312 = arith.constant 16 : i32
          %mul3A_313 = arith.muli %while3A_310, %mul3A_312 : i32
          %add3A_314 = arith.addi %get3A_202, %mul3A_313 : i32
          %get3A_315 = arith.index_cast %add3A_314 : i32 to index
          %get3A_316 = tpu.vector_load %arg9[%get3A_315] {strides = array<i32>} : memref<4128xi32, #tpu.memory_space<vmem>>, vector<16xi32>,
          %get3A_317 = arith.index_cast %add3A_314 : i32 to index
          %get3A_318 = tpu.vector_load %arg10[%get3A_317] {strides = array<i32>} : memref<4128xi32, #tpu.memory_space<vmem>>, vector<16xi32>,
          %sub3A_319 = vector.broadcast %mul3A_200 : i32 to vector<16xi32>
          %sub3A_320 = arith.subi %get3A_316, %sub3A_319 : vector<16xi32>
          %max3A = arith.constant 0 : i32
          %max3A_321 = vector.broadcast %max3A : i32 to vector<16xi32>
          %max3A_322 = arith.maxsi %sub3A_320, %max3A_321 : vector<16xi32>
          %min3A = arith.constant 4863 : i32
          %min3A_323 = vector.broadcast %min3A : i32 to vector<16xi32>
          %min3A_324 = arith.minsi %max3A_322, %min3A_323 : vector<16xi32>
          %broadcast_in_dim3A = arith.constant 0 : i32
          %broadcast_in_dim3A_325 = vector.broadcast %broadcast_in_dim3A : i32 to vector<16xi32>
          %broadcast_in_dim3A_326 = arith.constant 0 : i32
          %broadcast_in_dim3A_327 = vector.broadcast %broadcast_in_dim3A_326 : i32 to vector<16xi32>
          %broadcast_in_dim3A_328 = arith.constant 0 : i32
          %broadcast_in_dim3A_329 = vector.broadcast %broadcast_in_dim3A_328 : i32 to vector<16xi32>
          %gather3A = tpu.vector_load_idx %arg7[%broadcast_in_dim3A_325, %broadcast_in_dim3A_329, %min3A_324] : memref<2x8x4864xf32, #tpu.memory_space<vmem>>[vector<16xi32>, vector<16xi32>, vector<16xi32>], vector<16xf32>,
          tpu.vector_store_idx %arg8[%broadcast_in_dim3A_327, %broadcast_in_dim3A_329, %get3A_318], %gather3A : memref<1x8x4112xf32, #tpu.memory_space<vmem>>[vector<16xi32>, vector<16xi32>, vector<16xi32>], vector<16xf32>,
          %broadcast_in_dim3A_330 = arith.constant 1 : i32
          %broadcast_in_dim3A_331 = vector.broadcast %broadcast_in_dim3A_330 : i32 to vector<16xi32>
          %gather3A_332 = tpu.vector_load_idx %arg7[%broadcast_in_dim3A_325, %broadcast_in_dim3A_331, %min3A_324] : memref<2x8x4864xf32, #tpu.memory_space<vmem>>[vector<16xi32>, vector<16xi32>, vector<16xi32>], vector<16xf32>,
          tpu.vector_store_idx %arg8[%broadcast_in_dim3A_327, %broadcast_in_dim3A_331, %get3A_318], %gather3A_332 : memref<1x8x4112xf32, #tpu.memory_space<vmem>>[vector<16xi32>, vector<16xi32>, vector<16xi32>], vector<16xf32>,
          %broadcast_in_dim3A_333 = arith.constant 2 : i32
          %broadcast_in_dim3A_334 = vector.broadcast %broadcast_in_dim3A_333 : i32 to vector<16xi32>
          %gather3A_335 = tpu.vector_load_idx %arg7[%broadcast_in_dim3A_325, %broadcast_in_dim3A_334, %min3A_324] : memref<2x8x4864xf32, #tpu.memory_space<vmem>>[vector<16xi32>, vector<16xi32>, vector<16xi32>], vector<16xf32>,
          tpu.vector_store_idx %arg8[%broadcast_in_dim3A_327, %broadcast_in_dim3A_334, %get3A_318], %gather3A_335 : memref<1x8x4112xf32, #tpu.memory_space<vmem>>[vector<16xi32>, vector<16xi32>, vector<16xi32>], vector<16xf32>,
          %broadcast_in_dim3A_336 = arith.constant 3 : i32
          %broadcast_in_dim3A_337 = vector.broadcast %broadcast_in_dim3A_336 : i32 to vector<16xi32>
          %gather3A_338 = tpu.vector_load_idx %arg7[%broadcast_in_dim3A_325, %broadcast_in_dim3A_337, %min3A_324] : memref<2x8x4864xf32, #tpu.memory_space<vmem>>[vector<16xi32>, vector<16xi32>, vector<16xi32>], vector<16xf32>,
          tpu.vector_store_idx %arg8[%broadcast_in_dim3A_327, %broadcast_in_dim3A_337, %get3A_318], %gather3A_338 : memref<1x8x4112xf32, #tpu.memory_space<vmem>>[vector<16xi32>, vector<16xi32>, vector<16xi32>], vector<16xf32>,
          %broadcast_in_dim3A_339 = arith.constant 4 : i32
          %broadcast_in_dim3A_340 = vector.broadcast %broadcast_in_dim3A_339 : i32 to vector<16xi32>
          %gather3A_341 = tpu.vector_load_idx %arg7[%broadcast_in_dim3A_325, %broadcast_in_dim3A_340, %min3A_324] : memref<2x8x4864xf32, #tpu.memory_space<vmem>>[vector<16xi32>, vector<16xi32>, vector<16xi32>], vector<16xf32>,
          tpu.vector_store_idx %arg8[%broadcast_in_dim3A_327, %broadcast_in_dim3A_340, %get3A_318], %gather3A_341 : memref<1x8x4112xf32, #tpu.memory_space<vmem>>[vector<16xi32>, vector<16xi32>, vector<16xi32>], vector<16xf32>,
          %broadcast_in_dim3A_342 = arith.constant 5 : i32
          %broadcast_in_dim3A_343 = vector.broadcast %broadcast_in_dim3A_342 : i32 to vector<16xi32>
          %gather3A_344 = tpu.vector_load_idx %arg7[%broadcast_in_dim3A_325, %broadcast_in_dim3A_343, %min3A_324] : memref<2x8x4864xf32, #tpu.memory_space<vmem>>[vector<16xi32>, vector<16xi32>, vector<16xi32>], vector<16xf32>,
          tpu.vector_store_idx %arg8[%broadcast_in_dim3A_327, %broadcast_in_dim3A_343, %get3A_318], %gather3A_344 : memref<1x8x4112xf32, #tpu.memory_space<vmem>>[vector<16xi32>, vector<16xi32>, vector<16xi32>], vector<16xf32>,
          %broadcast_in_dim3A_345 = arith.constant 6 : i32
          %broadcast_in_dim3A_346 = vector.broadcast %broadcast_in_dim3A_345 : i32 to vector<16xi32>
          %gather3A_347 = tpu.vector_load_idx %arg7[%broadcast_in_dim3A_325, %broadcast_in_dim3A_346, %min3A_324] : memref<2x8x4864xf32, #tpu.memory_space<vmem>>[vector<16xi32>, vector<16xi32>, vector<16xi32>], vector<16xf32>,
          tpu.vector_store_idx %arg8[%broadcast_in_dim3A_327, %broadcast_in_dim3A_346, %get3A_318], %gather3A_347 : memref<1x8x4112xf32, #tpu.memory_space<vmem>>[vector<16xi32>, vector<16xi32>, vector<16xi32>], vector<16xf32>,
          %broadcast_in_dim3A_348 = arith.constant 7 : i32
          %broadcast_in_dim3A_349 = vector.broadcast %broadcast_in_dim3A_348 : i32 to vector<16xi32>
          %gather3A_350 = tpu.vector_load_idx %arg7[%broadcast_in_dim3A_325, %broadcast_in_dim3A_349, %min3A_324] : memref<2x8x4864xf32, #tpu.memory_space<vmem>>[vector<16xi32>, vector<16xi32>, vector<16xi32>], vector<16xf32>,
          tpu.vector_store_idx %arg8[%broadcast_in_dim3A_327, %broadcast_in_dim3A_349, %get3A_318], %gather3A_350 : memref<1x8x4112xf32, #tpu.memory_space<vmem>>[vector<16xi32>, vector<16xi32>, vector<16xi32>], vector<16xf32>,
          %while3A_351 = arith.constant 0 : i32
          scf.yield %while3A_351 : i32
        }
        %mul3A_224 = arith.constant 2 : i32
        %mul3A_225 = arith.muli %mul3A_224, %scan3A_177 : i32
        %add3A_226 = arith.constant 2 : i32
        %add3A_227 = arith.addi %mul3A_225, %add3A_226 : i32
        %lt3A_228 = arith.constant 20 : i32
        %lt3A_229 = arith.cmpi slt, %add3A_227, %lt3A_228 : i32
        %convert_element_type3A_230 = arith.extui %lt3A_229 : i1 to i32
        %cond3A_231 = arith.constant 0 : i32
        %cond3A_232 = arith.cmpi ne, %convert_element_type3A_230, %cond3A_231 : i32
        scf.if %cond3A_232 {
          %mul3A_310 = arith.constant 2 : i32
          %mul3A_311 = arith.muli %mul3A_310, %scan3A_177 : i32
          %add3A_312 = arith.constant 2 : i32
          %add3A_313 = arith.addi %mul3A_311, %add3A_312 : i32
          %mul3A_314 = arith.constant 4864 : i32
          %mul3A_315 = arith.muli %add3A_313, %mul3A_314 : i32
          %dma_start3A_316 = arith.constant 0 : i32
          %dma_start3A_317 = arith.constant 0 : i32
          %dma_start3A_318 = arith.constant 0 : i32
          %dma_start3A_319 = tpu.memref_slice %arg7[%dma_start3A_316, %dma_start3A_317, %dma_start3A_318] : memref<2x8x4864xf32, #tpu.memory_space<vmem>> -> memref<1x8x4864xf32, #tpu.memory_space<vmem>>
          %dma_start3A_320 = arith.constant 0 : i32
          %dma_start3A_321 = tpu.memref_slice %arg2[%add3A_40, %dma_start3A_320, %mul3A_315] : memref<208x8x100000xf32, #tpu.memory_space<hbm>> -> memref<1x8x4864xf32, #tpu.memory_space<hbm>>
          %dma_start3A_322 = arith.constant 0 : i32
          %dma_start3A_323 = arith.constant 0 : i32
          %dma_start3A_324 = arith.constant 0 : i32
          %dma_start3A_325 = tpu.memref_slice %arg7[%dma_start3A_322, %dma_start3A_323, %dma_start3A_324] : memref<2x8x4864xf32, #tpu.memory_space<vmem>> -> memref<1x8x4864xf32, #tpu.memory_space<vmem>>
          %dma_start3A_326 = arith.constant 0 : i32
          %dma_start3A_327 = tpu.memref_slice %arg2[%add3A_40, %dma_start3A_326, %mul3A_315] : memref<208x8x100000xf32, #tpu.memory_space<hbm>> -> memref<1x8x4864xf32, #tpu.memory_space<hbm>>
          tpu.enqueue_dma source(%dma_start3A_327 : memref<1x8x4864xf32, #tpu.memory_space<hbm>>) target(%dma_start3A_325 : memref<1x8x4864xf32, #tpu.memory_space<vmem>>) target_semaphore(%arg13 : memref<!tpu.dma_semaphore, #tpu.memory_space<semaphore_mem>>)
        } else {
        }
        %mul3A_233 = arith.constant 2 : i32
        %mul3A_234 = arith.muli %mul3A_233, %scan3A_177 : i32
        %add3A_235 = arith.constant 2 : i32
        %add3A_236 = arith.addi %mul3A_234, %add3A_235 : i32
        %eq3A_237 = arith.constant 20 : i32
        %eq3A_238 = arith.cmpi eq, %add3A_236, %eq3A_237 : i32
        %convert_element_type3A_239 = arith.extui %eq3A_238 : i1 to i32
        %cond3A_240 = arith.constant 0 : i32
        %cond3A_241 = arith.cmpi ne, %convert_element_type3A_239, %cond3A_240 : i32
        scf.if %cond3A_241 {
          %dma_start3A_310 = arith.constant 0 : i32
          %dma_start3A_311 = arith.constant 0 : i32
          %dma_start3A_312 = arith.constant 0 : i32
          %dma_start3A_313 = tpu.memref_slice %arg7[%dma_start3A_310, %dma_start3A_311, %dma_start3A_312] : memref<2x8x4864xf32, #tpu.memory_space<vmem>> -> memref<1x8x2688xf32, #tpu.memory_space<vmem>>
          %dma_start3A_314 = arith.constant 0 : i32
          %dma_start3A_315 = arith.constant 97280 : i32
          %dma_start3A_316 = tpu.memref_slice %arg2[%add3A_40, %dma_start3A_314, %dma_start3A_315] : memref<208x8x100000xf32, #tpu.memory_space<hbm>> -> memref<1x8x2688xf32, #tpu.memory_space<hbm>>
          %dma_start3A_317 = arith.constant 0 : i32
          %dma_start3A_318 = arith.constant 0 : i32
          %dma_start3A_319 = arith.constant 0 : i32
          %dma_start3A_320 = tpu.memref_slice %arg7[%dma_start3A_317, %dma_start3A_318, %dma_start3A_319] : memref<2x8x4864xf32, #tpu.memory_space<vmem>> -> memref<1x8x2688xf32, #tpu.memory_space<vmem>>
          %dma_start3A_321 = arith.constant 0 : i32
          %dma_start3A_322 = arith.constant 97280 : i32
          %dma_start3A_323 = tpu.memref_slice %arg2[%add3A_40, %dma_start3A_321, %dma_start3A_322] : memref<208x8x100000xf32, #tpu.memory_space<hbm>> -> memref<1x8x2688xf32, #tpu.memory_space<hbm>>
          tpu.enqueue_dma source(%dma_start3A_323 : memref<1x8x2688xf32, #tpu.memory_space<hbm>>) target(%dma_start3A_320 : memref<1x8x2688xf32, #tpu.memory_space<vmem>>) target_semaphore(%arg13 : memref<!tpu.dma_semaphore, #tpu.memory_space<semaphore_mem>>)
        } else {
        }
        %dma_wait3A_242 = arith.constant 1 : i32
        %dma_wait3A_243 = arith.constant 0 : i32
        %dma_wait3A_244 = arith.constant 0 : i32
        %dma_wait3A_245 = tpu.memref_slice %arg7[%dma_wait3A_242, %dma_wait3A_243, %dma_wait3A_244] : memref<2x8x4864xf32, #tpu.memory_space<vmem>> -> memref<1x8x4864xf32, #tpu.memory_space<vmem>>
        %dma_wait3A_246 = arith.constant 0 : i32
        %dma_wait3A_247 = arith.constant 0 : i32
        %dma_wait3A_248 = arith.constant 0 : i32
        %dma_wait3A_249 = tpu.memref_slice %arg2[%dma_wait3A_246, %dma_wait3A_247, %dma_wait3A_248] : memref<208x8x100000xf32, #tpu.memory_space<hbm>> -> memref<1x8x4864xf32, #tpu.memory_space<hbm>>
        %dma_wait3A_250 = arith.constant 1 : i32
        %dma_wait3A_251 = arith.constant 0 : i32
        %dma_wait3A_252 = arith.constant 0 : i32
        %dma_wait3A_253 = tpu.memref_slice %arg7[%dma_wait3A_250, %dma_wait3A_251, %dma_wait3A_252] : memref<2x8x4864xf32, #tpu.memory_space<vmem>> -> memref<1x8x4864xf32, #tpu.memory_space<vmem>>
        %dma_wait3A_254 = arith.constant 0 : i32
        %dma_wait3A_255 = arith.constant 0 : i32
        %dma_wait3A_256 = arith.constant 0 : i32
        %dma_wait3A_257 = tpu.memref_slice %arg2[%dma_wait3A_254, %dma_wait3A_255, %dma_wait3A_256] : memref<208x8x100000xf32, #tpu.memory_space<hbm>> -> memref<1x8x4864xf32, #tpu.memory_space<hbm>>
        tpu.wait_dma2 semaphore(%arg14 : memref<!tpu.dma_semaphore, #tpu.memory_space<semaphore_mem>>) src(%dma_wait3A_257 : memref<1x8x4864xf32, #tpu.memory_space<hbm>>) dst(%dma_wait3A_253 : memref<1x8x4864xf32, #tpu.memory_space<vmem>>)
        %mul3A_258 = arith.constant 2 : i32
        %mul3A_259 = arith.muli %mul3A_258, %scan3A_177 : i32
        %add3A_260 = arith.constant 1 : i32
        %add3A_261 = arith.addi %mul3A_259, %add3A_260 : i32
        %mul3A_262 = arith.constant 2 : i32
        %mul3A_263 = arith.muli %mul3A_262, %scan3A_177 : i32
        %add3A_264 = arith.constant 1 : i32
        %add3A_265 = arith.addi %mul3A_263, %add3A_264 : i32
        %mul3A_266 = arith.constant 4864 : i32
        %mul3A_267 = arith.muli %add3A_265, %mul3A_266 : i32
        %get3A_268 = arith.index_cast %add3A_261 : i32 to index
        %get3A_269 = memref.load %arg11[%get3A_268] : memref<64xi32, #tpu.memory_space<smem>>
        %add3A_270 = arith.constant 1 : i32
        %add3A_271 = arith.addi %add3A_261, %add3A_270 : i32
        %get3A_272 = arith.index_cast %add3A_271 : i32 to index
        %get3A_273 = memref.load %arg11[%get3A_272] : memref<64xi32, #tpu.memory_space<smem>>
        %sub3A_274 = arith.subi %get3A_273, %get3A_269 : i32
        %add3A_275 = arith.constant 15 : i32
        %add3A_276 = arith.addi %sub3A_274, %add3A_275 : i32
        %div3A_277 = arith.constant 16 : i32
        %div3A_278 = arith.divsi %add3A_276, %div3A_277 : i32
        %while3A_279 = arith.constant 0 : i32
        %while3A_280 = arith.constant 0 : i32
        %while3A_281 = arith.subi %div3A_278, %while3A_279 : i32
        %while3A_282 = arith.addi %while3A_279, %while3A_281 : i32
        %while3A_283 = arith.constant 1 : i32
        %while3A_284 = arith.divsi %while3A_281, %while3A_283 : i32
        %while3A_285 = arith.muli %while3A_284, %while3A_283 : i32
        %while3A_286 = arith.addi %while3A_279, %while3A_285 : i32
        %while3A_287 = arith.constant 1 : i32
        %while3A_288 = scf.for %while3A_310 = %while3A_279 to %while3A_286 step %while3A_287 iter_args(%while3A_311 = %while3A_280) -> (i32)  : i32 {
          %mul3A_312 = arith.constant 16 : i32
          %mul3A_313 = arith.muli %while3A_310, %mul3A_312 : i32
          %add3A_314 = arith.addi %get3A_269, %mul3A_313 : i32
          %get3A_315 = arith.index_cast %add3A_314 : i32 to index
          %get3A_316 = tpu.vector_load %arg9[%get3A_315] {strides = array<i32>} : memref<4128xi32, #tpu.memory_space<vmem>>, vector<16xi32>,
          %get3A_317 = arith.index_cast %add3A_314 : i32 to index
          %get3A_318 = tpu.vector_load %arg10[%get3A_317] {strides = array<i32>} : memref<4128xi32, #tpu.memory_space<vmem>>, vector<16xi32>,
          %sub3A_319 = vector.broadcast %mul3A_267 : i32 to vector<16xi32>
          %sub3A_320 = arith.subi %get3A_316, %sub3A_319 : vector<16xi32>
          %max3A = arith.constant 0 : i32
          %max3A_321 = vector.broadcast %max3A : i32 to vector<16xi32>
          %max3A_322 = arith.maxsi %sub3A_320, %max3A_321 : vector<16xi32>
          %min3A = arith.constant 4863 : i32
          %min3A_323 = vector.broadcast %min3A : i32 to vector<16xi32>
          %min3A_324 = arith.minsi %max3A_322, %min3A_323 : vector<16xi32>
          %broadcast_in_dim3A = arith.constant 1 : i32
          %broadcast_in_dim3A_325 = vector.broadcast %broadcast_in_dim3A : i32 to vector<16xi32>
          %broadcast_in_dim3A_326 = arith.constant 0 : i32
          %broadcast_in_dim3A_327 = vector.broadcast %broadcast_in_dim3A_326 : i32 to vector<16xi32>
          %broadcast_in_dim3A_328 = arith.constant 0 : i32
          %broadcast_in_dim3A_329 = vector.broadcast %broadcast_in_dim3A_328 : i32 to vector<16xi32>
          %gather3A = tpu.vector_load_idx %arg7[%broadcast_in_dim3A_325, %broadcast_in_dim3A_329, %min3A_324] : memref<2x8x4864xf32, #tpu.memory_space<vmem>>[vector<16xi32>, vector<16xi32>, vector<16xi32>], vector<16xf32>,
          tpu.vector_store_idx %arg8[%broadcast_in_dim3A_327, %broadcast_in_dim3A_329, %get3A_318], %gather3A : memref<1x8x4112xf32, #tpu.memory_space<vmem>>[vector<16xi32>, vector<16xi32>, vector<16xi32>], vector<16xf32>,
          %broadcast_in_dim3A_330 = arith.constant 1 : i32
          %broadcast_in_dim3A_331 = vector.broadcast %broadcast_in_dim3A_330 : i32 to vector<16xi32>
          %gather3A_332 = tpu.vector_load_idx %arg7[%broadcast_in_dim3A_325, %broadcast_in_dim3A_331, %min3A_324] : memref<2x8x4864xf32, #tpu.memory_space<vmem>>[vector<16xi32>, vector<16xi32>, vector<16xi32>], vector<16xf32>,
          tpu.vector_store_idx %arg8[%broadcast_in_dim3A_327, %broadcast_in_dim3A_331, %get3A_318], %gather3A_332 : memref<1x8x4112xf32, #tpu.memory_space<vmem>>[vector<16xi32>, vector<16xi32>, vector<16xi32>], vector<16xf32>,
          %broadcast_in_dim3A_333 = arith.constant 2 : i32
          %broadcast_in_dim3A_334 = vector.broadcast %broadcast_in_dim3A_333 : i32 to vector<16xi32>
          %gather3A_335 = tpu.vector_load_idx %arg7[%broadcast_in_dim3A_325, %broadcast_in_dim3A_334, %min3A_324] : memref<2x8x4864xf32, #tpu.memory_space<vmem>>[vector<16xi32>, vector<16xi32>, vector<16xi32>], vector<16xf32>,
          tpu.vector_store_idx %arg8[%broadcast_in_dim3A_327, %broadcast_in_dim3A_334, %get3A_318], %gather3A_335 : memref<1x8x4112xf32, #tpu.memory_space<vmem>>[vector<16xi32>, vector<16xi32>, vector<16xi32>], vector<16xf32>,
          %broadcast_in_dim3A_336 = arith.constant 3 : i32
          %broadcast_in_dim3A_337 = vector.broadcast %broadcast_in_dim3A_336 : i32 to vector<16xi32>
          %gather3A_338 = tpu.vector_load_idx %arg7[%broadcast_in_dim3A_325, %broadcast_in_dim3A_337, %min3A_324] : memref<2x8x4864xf32, #tpu.memory_space<vmem>>[vector<16xi32>, vector<16xi32>, vector<16xi32>], vector<16xf32>,
          tpu.vector_store_idx %arg8[%broadcast_in_dim3A_327, %broadcast_in_dim3A_337, %get3A_318], %gather3A_338 : memref<1x8x4112xf32, #tpu.memory_space<vmem>>[vector<16xi32>, vector<16xi32>, vector<16xi32>], vector<16xf32>,
          %broadcast_in_dim3A_339 = arith.constant 4 : i32
          %broadcast_in_dim3A_340 = vector.broadcast %broadcast_in_dim3A_339 : i32 to vector<16xi32>
          %gather3A_341 = tpu.vector_load_idx %arg7[%broadcast_in_dim3A_325, %broadcast_in_dim3A_340, %min3A_324] : memref<2x8x4864xf32, #tpu.memory_space<vmem>>[vector<16xi32>, vector<16xi32>, vector<16xi32>], vector<16xf32>,
          tpu.vector_store_idx %arg8[%broadcast_in_dim3A_327, %broadcast_in_dim3A_340, %get3A_318], %gather3A_341 : memref<1x8x4112xf32, #tpu.memory_space<vmem>>[vector<16xi32>, vector<16xi32>, vector<16xi32>], vector<16xf32>,
          %broadcast_in_dim3A_342 = arith.constant 5 : i32
          %broadcast_in_dim3A_343 = vector.broadcast %broadcast_in_dim3A_342 : i32 to vector<16xi32>
          %gather3A_344 = tpu.vector_load_idx %arg7[%broadcast_in_dim3A_325, %broadcast_in_dim3A_343, %min3A_324] : memref<2x8x4864xf32, #tpu.memory_space<vmem>>[vector<16xi32>, vector<16xi32>, vector<16xi32>], vector<16xf32>,
          tpu.vector_store_idx %arg8[%broadcast_in_dim3A_327, %broadcast_in_dim3A_343, %get3A_318], %gather3A_344 : memref<1x8x4112xf32, #tpu.memory_space<vmem>>[vector<16xi32>, vector<16xi32>, vector<16xi32>], vector<16xf32>,
          %broadcast_in_dim3A_345 = arith.constant 6 : i32
          %broadcast_in_dim3A_346 = vector.broadcast %broadcast_in_dim3A_345 : i32 to vector<16xi32>
          %gather3A_347 = tpu.vector_load_idx %arg7[%broadcast_in_dim3A_325, %broadcast_in_dim3A_346, %min3A_324] : memref<2x8x4864xf32, #tpu.memory_space<vmem>>[vector<16xi32>, vector<16xi32>, vector<16xi32>], vector<16xf32>,
          tpu.vector_store_idx %arg8[%broadcast_in_dim3A_327, %broadcast_in_dim3A_346, %get3A_318], %gather3A_347 : memref<1x8x4112xf32, #tpu.memory_space<vmem>>[vector<16xi32>, vector<16xi32>, vector<16xi32>], vector<16xf32>,
          %broadcast_in_dim3A_348 = arith.constant 7 : i32
          %broadcast_in_dim3A_349 = vector.broadcast %broadcast_in_dim3A_348 : i32 to vector<16xi32>
          %gather3A_350 = tpu.vector_load_idx %arg7[%broadcast_in_dim3A_325, %broadcast_in_dim3A_349, %min3A_324] : memref<2x8x4864xf32, #tpu.memory_space<vmem>>[vector<16xi32>, vector<16xi32>, vector<16xi32>], vector<16xf32>,
          tpu.vector_store_idx %arg8[%broadcast_in_dim3A_327, %broadcast_in_dim3A_349, %get3A_318], %gather3A_350 : memref<1x8x4112xf32, #tpu.memory_space<vmem>>[vector<16xi32>, vector<16xi32>, vector<16xi32>], vector<16xf32>,
          %while3A_351 = arith.constant 0 : i32
          scf.yield %while3A_351 : i32
        }
        %while3A_289 = arith.constant 1 : i32
        %while3A_290 = scf.for %while3A_310 = %while3A_286 to %while3A_282 step %while3A_289 iter_args(%while3A_311 = %while3A_288) -> (i32)  : i32 {
          %mul3A_312 = arith.constant 16 : i32
          %mul3A_313 = arith.muli %while3A_310, %mul3A_312 : i32
          %add3A_314 = arith.addi %get3A_269, %mul3A_313 : i32
          %get3A_315 = arith.index_cast %add3A_314 : i32 to index
          %get3A_316 = tpu.vector_load %arg9[%get3A_315] {strides = array<i32>} : memref<4128xi32, #tpu.memory_space<vmem>>, vector<16xi32>,
          %get3A_317 = arith.index_cast %add3A_314 : i32 to index
          %get3A_318 = tpu.vector_load %arg10[%get3A_317] {strides = array<i32>} : memref<4128xi32, #tpu.memory_space<vmem>>, vector<16xi32>,
          %sub3A_319 = vector.broadcast %mul3A_267 : i32 to vector<16xi32>
          %sub3A_320 = arith.subi %get3A_316, %sub3A_319 : vector<16xi32>
          %max3A = arith.constant 0 : i32
          %max3A_321 = vector.broadcast %max3A : i32 to vector<16xi32>
          %max3A_322 = arith.maxsi %sub3A_320, %max3A_321 : vector<16xi32>
          %min3A = arith.constant 4863 : i32
          %min3A_323 = vector.broadcast %min3A : i32 to vector<16xi32>
          %min3A_324 = arith.minsi %max3A_322, %min3A_323 : vector<16xi32>
          %broadcast_in_dim3A = arith.constant 1 : i32
          %broadcast_in_dim3A_325 = vector.broadcast %broadcast_in_dim3A : i32 to vector<16xi32>
          %broadcast_in_dim3A_326 = arith.constant 0 : i32
          %broadcast_in_dim3A_327 = vector.broadcast %broadcast_in_dim3A_326 : i32 to vector<16xi32>
          %broadcast_in_dim3A_328 = arith.constant 0 : i32
          %broadcast_in_dim3A_329 = vector.broadcast %broadcast_in_dim3A_328 : i32 to vector<16xi32>
          %gather3A = tpu.vector_load_idx %arg7[%broadcast_in_dim3A_325, %broadcast_in_dim3A_329, %min3A_324] : memref<2x8x4864xf32, #tpu.memory_space<vmem>>[vector<16xi32>, vector<16xi32>, vector<16xi32>], vector<16xf32>,
          tpu.vector_store_idx %arg8[%broadcast_in_dim3A_327, %broadcast_in_dim3A_329, %get3A_318], %gather3A : memref<1x8x4112xf32, #tpu.memory_space<vmem>>[vector<16xi32>, vector<16xi32>, vector<16xi32>], vector<16xf32>,
          %broadcast_in_dim3A_330 = arith.constant 1 : i32
          %broadcast_in_dim3A_331 = vector.broadcast %broadcast_in_dim3A_330 : i32 to vector<16xi32>
          %gather3A_332 = tpu.vector_load_idx %arg7[%broadcast_in_dim3A_325, %broadcast_in_dim3A_331, %min3A_324] : memref<2x8x4864xf32, #tpu.memory_space<vmem>>[vector<16xi32>, vector<16xi32>, vector<16xi32>], vector<16xf32>,
          tpu.vector_store_idx %arg8[%broadcast_in_dim3A_327, %broadcast_in_dim3A_331, %get3A_318], %gather3A_332 : memref<1x8x4112xf32, #tpu.memory_space<vmem>>[vector<16xi32>, vector<16xi32>, vector<16xi32>], vector<16xf32>,
          %broadcast_in_dim3A_333 = arith.constant 2 : i32
          %broadcast_in_dim3A_334 = vector.broadcast %broadcast_in_dim3A_333 : i32 to vector<16xi32>
          %gather3A_335 = tpu.vector_load_idx %arg7[%broadcast_in_dim3A_325, %broadcast_in_dim3A_334, %min3A_324] : memref<2x8x4864xf32, #tpu.memory_space<vmem>>[vector<16xi32>, vector<16xi32>, vector<16xi32>], vector<16xf32>,
          tpu.vector_store_idx %arg8[%broadcast_in_dim3A_327, %broadcast_in_dim3A_334, %get3A_318], %gather3A_335 : memref<1x8x4112xf32, #tpu.memory_space<vmem>>[vector<16xi32>, vector<16xi32>, vector<16xi32>], vector<16xf32>,
          %broadcast_in_dim3A_336 = arith.constant 3 : i32
          %broadcast_in_dim3A_337 = vector.broadcast %broadcast_in_dim3A_336 : i32 to vector<16xi32>
          %gather3A_338 = tpu.vector_load_idx %arg7[%broadcast_in_dim3A_325, %broadcast_in_dim3A_337, %min3A_324] : memref<2x8x4864xf32, #tpu.memory_space<vmem>>[vector<16xi32>, vector<16xi32>, vector<16xi32>], vector<16xf32>,
          tpu.vector_store_idx %arg8[%broadcast_in_dim3A_327, %broadcast_in_dim3A_337, %get3A_318], %gather3A_338 : memref<1x8x4112xf32, #tpu.memory_space<vmem>>[vector<16xi32>, vector<16xi32>, vector<16xi32>], vector<16xf32>,
          %broadcast_in_dim3A_339 = arith.constant 4 : i32
          %broadcast_in_dim3A_340 = vector.broadcast %broadcast_in_dim3A_339 : i32 to vector<16xi32>
          %gather3A_341 = tpu.vector_load_idx %arg7[%broadcast_in_dim3A_325, %broadcast_in_dim3A_340, %min3A_324] : memref<2x8x4864xf32, #tpu.memory_space<vmem>>[vector<16xi32>, vector<16xi32>, vector<16xi32>], vector<16xf32>,
          tpu.vector_store_idx %arg8[%broadcast_in_dim3A_327, %broadcast_in_dim3A_340, %get3A_318], %gather3A_341 : memref<1x8x4112xf32, #tpu.memory_space<vmem>>[vector<16xi32>, vector<16xi32>, vector<16xi32>], vector<16xf32>,
          %broadcast_in_dim3A_342 = arith.constant 5 : i32
          %broadcast_in_dim3A_343 = vector.broadcast %broadcast_in_dim3A_342 : i32 to vector<16xi32>
          %gather3A_344 = tpu.vector_load_idx %arg7[%broadcast_in_dim3A_325, %broadcast_in_dim3A_343, %min3A_324] : memref<2x8x4864xf32, #tpu.memory_space<vmem>>[vector<16xi32>, vector<16xi32>, vector<16xi32>], vector<16xf32>,
          tpu.vector_store_idx %arg8[%broadcast_in_dim3A_327, %broadcast_in_dim3A_343, %get3A_318], %gather3A_344 : memref<1x8x4112xf32, #tpu.memory_space<vmem>>[vector<16xi32>, vector<16xi32>, vector<16xi32>], vector<16xf32>,
          %broadcast_in_dim3A_345 = arith.constant 6 : i32
          %broadcast_in_dim3A_346 = vector.broadcast %broadcast_in_dim3A_345 : i32 to vector<16xi32>
          %gather3A_347 = tpu.vector_load_idx %arg7[%broadcast_in_dim3A_325, %broadcast_in_dim3A_346, %min3A_324] : memref<2x8x4864xf32, #tpu.memory_space<vmem>>[vector<16xi32>, vector<16xi32>, vector<16xi32>], vector<16xf32>,
          tpu.vector_store_idx %arg8[%broadcast_in_dim3A_327, %broadcast_in_dim3A_346, %get3A_318], %gather3A_347 : memref<1x8x4112xf32, #tpu.memory_space<vmem>>[vector<16xi32>, vector<16xi32>, vector<16xi32>], vector<16xf32>,
          %broadcast_in_dim3A_348 = arith.constant 7 : i32
          %broadcast_in_dim3A_349 = vector.broadcast %broadcast_in_dim3A_348 : i32 to vector<16xi32>
          %gather3A_350 = tpu.vector_load_idx %arg7[%broadcast_in_dim3A_325, %broadcast_in_dim3A_349, %min3A_324] : memref<2x8x4864xf32, #tpu.memory_space<vmem>>[vector<16xi32>, vector<16xi32>, vector<16xi32>], vector<16xf32>,
          tpu.vector_store_idx %arg8[%broadcast_in_dim3A_327, %broadcast_in_dim3A_349, %get3A_318], %gather3A_350 : memref<1x8x4112xf32, #tpu.memory_space<vmem>>[vector<16xi32>, vector<16xi32>, vector<16xi32>], vector<16xf32>,
          %while3A_351 = arith.constant 0 : i32
          scf.yield %while3A_351 : i32
        }
        %mul3A_291 = arith.constant 2 : i32
        %mul3A_292 = arith.muli %mul3A_291, %scan3A_177 : i32
        %add3A_293 = arith.constant 3 : i32
        %add3A_294 = arith.addi %mul3A_292, %add3A_293 : i32
        %lt3A_295 = arith.constant 20 : i32
        %lt3A_296 = arith.cmpi slt, %add3A_294, %lt3A_295 : i32
        %convert_element_type3A_297 = arith.extui %lt3A_296 : i1 to i32
        %cond3A_298 = arith.constant 0 : i32
        %cond3A_299 = arith.cmpi ne, %convert_element_type3A_297, %cond3A_298 : i32
        scf.if %cond3A_299 {
          %mul3A_310 = arith.constant 2 : i32
          %mul3A_311 = arith.muli %mul3A_310, %scan3A_177 : i32
          %add3A_312 = arith.constant 3 : i32
          %add3A_313 = arith.addi %mul3A_311, %add3A_312 : i32
          %mul3A_314 = arith.constant 4864 : i32
          %mul3A_315 = arith.muli %add3A_313, %mul3A_314 : i32
          %dma_start3A_316 = arith.constant 1 : i32
          %dma_start3A_317 = arith.constant 0 : i32
          %dma_start3A_318 = arith.constant 0 : i32
          %dma_start3A_319 = tpu.memref_slice %arg7[%dma_start3A_316, %dma_start3A_317, %dma_start3A_318] : memref<2x8x4864xf32, #tpu.memory_space<vmem>> -> memref<1x8x4864xf32, #tpu.memory_space<vmem>>
          %dma_start3A_320 = arith.constant 0 : i32
          %dma_start3A_321 = tpu.memref_slice %arg2[%add3A_40, %dma_start3A_320, %mul3A_315] : memref<208x8x100000xf32, #tpu.memory_space<hbm>> -> memref<1x8x4864xf32, #tpu.memory_space<hbm>>
          %dma_start3A_322 = arith.constant 1 : i32
          %dma_start3A_323 = arith.constant 0 : i32
          %dma_start3A_324 = arith.constant 0 : i32
          %dma_start3A_325 = tpu.memref_slice %arg7[%dma_start3A_322, %dma_start3A_323, %dma_start3A_324] : memref<2x8x4864xf32, #tpu.memory_space<vmem>> -> memref<1x8x4864xf32, #tpu.memory_space<vmem>>
          %dma_start3A_326 = arith.constant 0 : i32
          %dma_start3A_327 = tpu.memref_slice %arg2[%add3A_40, %dma_start3A_326, %mul3A_315] : memref<208x8x100000xf32, #tpu.memory_space<hbm>> -> memref<1x8x4864xf32, #tpu.memory_space<hbm>>
          tpu.enqueue_dma source(%dma_start3A_327 : memref<1x8x4864xf32, #tpu.memory_space<hbm>>) target(%dma_start3A_325 : memref<1x8x4864xf32, #tpu.memory_space<vmem>>) target_semaphore(%arg14 : memref<!tpu.dma_semaphore, #tpu.memory_space<semaphore_mem>>)
        } else {
        }
        %mul3A_300 = arith.constant 2 : i32
        %mul3A_301 = arith.muli %mul3A_300, %scan3A_177 : i32
        %add3A_302 = arith.constant 3 : i32
        %add3A_303 = arith.addi %mul3A_301, %add3A_302 : i32
        %eq3A_304 = arith.constant 21 : i32
        %eq3A_305 = arith.cmpi eq, %add3A_303, %eq3A_304 : i32
        %convert_element_type3A_306 = arith.extui %eq3A_305 : i1 to i32
        %cond3A_307 = arith.constant 0 : i32
        %cond3A_308 = arith.cmpi ne, %convert_element_type3A_306, %cond3A_307 : i32
        scf.if %cond3A_308 {
          %dma_start3A_310 = arith.constant 1 : i32
          %dma_start3A_311 = arith.constant 0 : i32
          %dma_start3A_312 = arith.constant 0 : i32
          %dma_start3A_313 = tpu.memref_slice %arg7[%dma_start3A_310, %dma_start3A_311, %dma_start3A_312] : memref<2x8x4864xf32, #tpu.memory_space<vmem>> -> memref<1x8x128xf32, #tpu.memory_space<vmem>>
          %dma_start3A_314 = arith.constant 0 : i32
          %dma_start3A_315 = arith.constant 0 : i32
          %dma_start3A_316 = tpu.memref_slice %arg4[%add3A_40, %dma_start3A_314, %dma_start3A_315] : memref<208x8x128xf32, #tpu.memory_space<hbm>> -> memref<1x8x128xf32, #tpu.memory_space<hbm>>
          %dma_start3A_317 = arith.constant 1 : i32
          %dma_start3A_318 = arith.constant 0 : i32
          %dma_start3A_319 = arith.constant 0 : i32
          %dma_start3A_320 = tpu.memref_slice %arg7[%dma_start3A_317, %dma_start3A_318, %dma_start3A_319] : memref<2x8x4864xf32, #tpu.memory_space<vmem>> -> memref<1x8x128xf32, #tpu.memory_space<vmem>>
          %dma_start3A_321 = arith.constant 0 : i32
          %dma_start3A_322 = arith.constant 0 : i32
          %dma_start3A_323 = tpu.memref_slice %arg4[%add3A_40, %dma_start3A_321, %dma_start3A_322] : memref<208x8x128xf32, #tpu.memory_space<hbm>> -> memref<1x8x128xf32, #tpu.memory_space<hbm>>
          tpu.enqueue_dma source(%dma_start3A_323 : memref<1x8x128xf32, #tpu.memory_space<hbm>>) target(%dma_start3A_320 : memref<1x8x128xf32, #tpu.memory_space<vmem>>) target_semaphore(%arg14 : memref<!tpu.dma_semaphore, #tpu.memory_space<semaphore_mem>>)
        } else {
        }
        %scan3A_309 = arith.constant 0 : i32
        scf.yield %scan3A_309 : i32
      }
      %scan3A_74 = arith.constant 10 : i32
      %dma_wait3A_75 = arith.constant 0 : i32
      %dma_wait3A_76 = arith.constant 0 : i32
      %dma_wait3A_77 = arith.constant 0 : i32
      %dma_wait3A_78 = tpu.memref_slice %arg7[%dma_wait3A_75, %dma_wait3A_76, %dma_wait3A_77] : memref<2x8x4864xf32, #tpu.memory_space<vmem>> -> memref<1x8x2688xf32, #tpu.memory_space<vmem>>
      %dma_wait3A_79 = arith.constant 0 : i32
      %dma_wait3A_80 = arith.constant 0 : i32
      %dma_wait3A_81 = arith.constant 0 : i32
      %dma_wait3A_82 = tpu.memref_slice %arg2[%dma_wait3A_79, %dma_wait3A_80, %dma_wait3A_81] : memref<208x8x100000xf32, #tpu.memory_space<hbm>> -> memref<1x8x2688xf32, #tpu.memory_space<hbm>>
      %dma_wait3A_83 = arith.constant 0 : i32
      %dma_wait3A_84 = arith.constant 0 : i32
      %dma_wait3A_85 = arith.constant 0 : i32
      %dma_wait3A_86 = tpu.memref_slice %arg7[%dma_wait3A_83, %dma_wait3A_84, %dma_wait3A_85] : memref<2x8x4864xf32, #tpu.memory_space<vmem>> -> memref<1x8x2688xf32, #tpu.memory_space<vmem>>
      %dma_wait3A_87 = arith.constant 0 : i32
      %dma_wait3A_88 = arith.constant 0 : i32
      %dma_wait3A_89 = arith.constant 0 : i32
      %dma_wait3A_90 = tpu.memref_slice %arg2[%dma_wait3A_87, %dma_wait3A_88, %dma_wait3A_89] : memref<208x8x100000xf32, #tpu.memory_space<hbm>> -> memref<1x8x2688xf32, #tpu.memory_space<hbm>>
      tpu.wait_dma2 semaphore(%arg13 : memref<!tpu.dma_semaphore, #tpu.memory_space<semaphore_mem>>) src(%dma_wait3A_90 : memref<1x8x2688xf32, #tpu.memory_space<hbm>>) dst(%dma_wait3A_86 : memref<1x8x2688xf32, #tpu.memory_space<vmem>>)
      %get3A = arith.constant 20 : i32
      %get3A_91 = arith.index_cast %get3A : i32 to index
      %get3A_92 = memref.load %arg11[%get3A_91] : memref<64xi32, #tpu.memory_space<smem>>
      %get3A_93 = arith.constant 21 : i32
      %get3A_94 = arith.index_cast %get3A_93 : i32 to index
      %get3A_95 = memref.load %arg11[%get3A_94] : memref<64xi32, #tpu.memory_space<smem>>
      %sub3A_96 = arith.subi %get3A_95, %get3A_92 : i32
      %add3A_97 = arith.constant 15 : i32
      %add3A_98 = arith.addi %sub3A_96, %add3A_97 : i32
      %div3A_99 = arith.constant 16 : i32
      %div3A_100 = arith.divsi %add3A_98, %div3A_99 : i32
      %while3A_101 = arith.constant 0 : i32
      %while3A_102 = arith.constant 0 : i32
      %while3A_103 = arith.subi %div3A_100, %while3A_101 : i32
      %while3A_104 = arith.addi %while3A_101, %while3A_103 : i32
      %while3A_105 = arith.constant 1 : i32
      %while3A_106 = arith.divsi %while3A_103, %while3A_105 : i32
      %while3A_107 = arith.muli %while3A_106, %while3A_105 : i32
      %while3A_108 = arith.addi %while3A_101, %while3A_107 : i32
      %while3A_109 = arith.constant 1 : i32
      %while3A_110 = scf.for %while3A_177 = %while3A_101 to %while3A_108 step %while3A_109 iter_args(%while3A_178 = %while3A_102) -> (i32)  : i32 {
        %mul3A_179 = arith.constant 16 : i32
        %mul3A_180 = arith.muli %while3A_177, %mul3A_179 : i32
        %add3A_181 = arith.addi %get3A_92, %mul3A_180 : i32
        %get3A_182 = arith.index_cast %add3A_181 : i32 to index
        %get3A_183 = tpu.vector_load %arg9[%get3A_182] {strides = array<i32>} : memref<4128xi32, #tpu.memory_space<vmem>>, vector<16xi32>,
        %get3A_184 = arith.index_cast %add3A_181 : i32 to index
        %get3A_185 = tpu.vector_load %arg10[%get3A_184] {strides = array<i32>} : memref<4128xi32, #tpu.memory_space<vmem>>, vector<16xi32>,
        %sub3A_186 = arith.constant 97280 : i32
        %sub3A_187 = vector.broadcast %sub3A_186 : i32 to vector<16xi32>
        %sub3A_188 = arith.subi %get3A_183, %sub3A_187 : vector<16xi32>
        %max3A = arith.constant 0 : i32
        %max3A_189 = vector.broadcast %max3A : i32 to vector<16xi32>
        %max3A_190 = arith.maxsi %sub3A_188, %max3A_189 : vector<16xi32>
        %min3A = arith.constant 4863 : i32
        %min3A_191 = vector.broadcast %min3A : i32 to vector<16xi32>
        %min3A_192 = arith.minsi %max3A_190, %min3A_191 : vector<16xi32>
        %broadcast_in_dim3A = arith.constant 0 : i32
        %broadcast_in_dim3A_193 = vector.broadcast %broadcast_in_dim3A : i32 to vector<16xi32>
        %broadcast_in_dim3A_194 = arith.constant 0 : i32
        %broadcast_in_dim3A_195 = vector.broadcast %broadcast_in_dim3A_194 : i32 to vector<16xi32>
        %broadcast_in_dim3A_196 = arith.constant 0 : i32
        %broadcast_in_dim3A_197 = vector.broadcast %broadcast_in_dim3A_196 : i32 to vector<16xi32>
        %gather3A = tpu.vector_load_idx %arg7[%broadcast_in_dim3A_193, %broadcast_in_dim3A_197, %min3A_192] : memref<2x8x4864xf32, #tpu.memory_space<vmem>>[vector<16xi32>, vector<16xi32>, vector<16xi32>], vector<16xf32>,
        tpu.vector_store_idx %arg8[%broadcast_in_dim3A_195, %broadcast_in_dim3A_197, %get3A_185], %gather3A : memref<1x8x4112xf32, #tpu.memory_space<vmem>>[vector<16xi32>, vector<16xi32>, vector<16xi32>], vector<16xf32>,
        %broadcast_in_dim3A_198 = arith.constant 1 : i32
        %broadcast_in_dim3A_199 = vector.broadcast %broadcast_in_dim3A_198 : i32 to vector<16xi32>
        %gather3A_200 = tpu.vector_load_idx %arg7[%broadcast_in_dim3A_193, %broadcast_in_dim3A_199, %min3A_192] : memref<2x8x4864xf32, #tpu.memory_space<vmem>>[vector<16xi32>, vector<16xi32>, vector<16xi32>], vector<16xf32>,
        tpu.vector_store_idx %arg8[%broadcast_in_dim3A_195, %broadcast_in_dim3A_199, %get3A_185], %gather3A_200 : memref<1x8x4112xf32, #tpu.memory_space<vmem>>[vector<16xi32>, vector<16xi32>, vector<16xi32>], vector<16xf32>,
        %broadcast_in_dim3A_201 = arith.constant 2 : i32
        %broadcast_in_dim3A_202 = vector.broadcast %broadcast_in_dim3A_201 : i32 to vector<16xi32>
        %gather3A_203 = tpu.vector_load_idx %arg7[%broadcast_in_dim3A_193, %broadcast_in_dim3A_202, %min3A_192] : memref<2x8x4864xf32, #tpu.memory_space<vmem>>[vector<16xi32>, vector<16xi32>, vector<16xi32>], vector<16xf32>,
        tpu.vector_store_idx %arg8[%broadcast_in_dim3A_195, %broadcast_in_dim3A_202, %get3A_185], %gather3A_203 : memref<1x8x4112xf32, #tpu.memory_space<vmem>>[vector<16xi32>, vector<16xi32>, vector<16xi32>], vector<16xf32>,
        %broadcast_in_dim3A_204 = arith.constant 3 : i32
        %broadcast_in_dim3A_205 = vector.broadcast %broadcast_in_dim3A_204 : i32 to vector<16xi32>
        %gather3A_206 = tpu.vector_load_idx %arg7[%broadcast_in_dim3A_193, %broadcast_in_dim3A_205, %min3A_192] : memref<2x8x4864xf32, #tpu.memory_space<vmem>>[vector<16xi32>, vector<16xi32>, vector<16xi32>], vector<16xf32>,
        tpu.vector_store_idx %arg8[%broadcast_in_dim3A_195, %broadcast_in_dim3A_205, %get3A_185], %gather3A_206 : memref<1x8x4112xf32, #tpu.memory_space<vmem>>[vector<16xi32>, vector<16xi32>, vector<16xi32>], vector<16xf32>,
        %broadcast_in_dim3A_207 = arith.constant 4 : i32
        %broadcast_in_dim3A_208 = vector.broadcast %broadcast_in_dim3A_207 : i32 to vector<16xi32>
        %gather3A_209 = tpu.vector_load_idx %arg7[%broadcast_in_dim3A_193, %broadcast_in_dim3A_208, %min3A_192] : memref<2x8x4864xf32, #tpu.memory_space<vmem>>[vector<16xi32>, vector<16xi32>, vector<16xi32>], vector<16xf32>,
        tpu.vector_store_idx %arg8[%broadcast_in_dim3A_195, %broadcast_in_dim3A_208, %get3A_185], %gather3A_209 : memref<1x8x4112xf32, #tpu.memory_space<vmem>>[vector<16xi32>, vector<16xi32>, vector<16xi32>], vector<16xf32>,
        %broadcast_in_dim3A_210 = arith.constant 5 : i32
        %broadcast_in_dim3A_211 = vector.broadcast %broadcast_in_dim3A_210 : i32 to vector<16xi32>
        %gather3A_212 = tpu.vector_load_idx %arg7[%broadcast_in_dim3A_193, %broadcast_in_dim3A_211, %min3A_192] : memref<2x8x4864xf32, #tpu.memory_space<vmem>>[vector<16xi32>, vector<16xi32>, vector<16xi32>], vector<16xf32>,
        tpu.vector_store_idx %arg8[%broadcast_in_dim3A_195, %broadcast_in_dim3A_211, %get3A_185], %gather3A_212 : memref<1x8x4112xf32, #tpu.memory_space<vmem>>[vector<16xi32>, vector<16xi32>, vector<16xi32>], vector<16xf32>,
        %broadcast_in_dim3A_213 = arith.constant 6 : i32
        %broadcast_in_dim3A_214 = vector.broadcast %broadcast_in_dim3A_213 : i32 to vector<16xi32>
        %gather3A_215 = tpu.vector_load_idx %arg7[%broadcast_in_dim3A_193, %broadcast_in_dim3A_214, %min3A_192] : memref<2x8x4864xf32, #tpu.memory_space<vmem>>[vector<16xi32>, vector<16xi32>, vector<16xi32>], vector<16xf32>,
        tpu.vector_store_idx %arg8[%broadcast_in_dim3A_195, %broadcast_in_dim3A_214, %get3A_185], %gather3A_215 : memref<1x8x4112xf32, #tpu.memory_space<vmem>>[vector<16xi32>, vector<16xi32>, vector<16xi32>], vector<16xf32>,
        %broadcast_in_dim3A_216 = arith.constant 7 : i32
        %broadcast_in_dim3A_217 = vector.broadcast %broadcast_in_dim3A_216 : i32 to vector<16xi32>
        %gather3A_218 = tpu.vector_load_idx %arg7[%broadcast_in_dim3A_193, %broadcast_in_dim3A_217, %min3A_192] : memref<2x8x4864xf32, #tpu.memory_space<vmem>>[vector<16xi32>, vector<16xi32>, vector<16xi32>], vector<16xf32>,
        tpu.vector_store_idx %arg8[%broadcast_in_dim3A_195, %broadcast_in_dim3A_217, %get3A_185], %gather3A_218 : memref<1x8x4112xf32, #tpu.memory_space<vmem>>[vector<16xi32>, vector<16xi32>, vector<16xi32>], vector<16xf32>,
        %while3A_219 = arith.constant 0 : i32
        scf.yield %while3A_219 : i32
      }
      %while3A_111 = arith.constant 1 : i32
      %while3A_112 = scf.for %while3A_177 = %while3A_108 to %while3A_104 step %while3A_111 iter_args(%while3A_178 = %while3A_110) -> (i32)  : i32 {
        %mul3A_179 = arith.constant 16 : i32
        %mul3A_180 = arith.muli %while3A_177, %mul3A_179 : i32
        %add3A_181 = arith.addi %get3A_92, %mul3A_180 : i32
        %get3A_182 = arith.index_cast %add3A_181 : i32 to index
        %get3A_183 = tpu.vector_load %arg9[%get3A_182] {strides = array<i32>} : memref<4128xi32, #tpu.memory_space<vmem>>, vector<16xi32>,
        %get3A_184 = arith.index_cast %add3A_181 : i32 to index
        %get3A_185 = tpu.vector_load %arg10[%get3A_184] {strides = array<i32>} : memref<4128xi32, #tpu.memory_space<vmem>>, vector<16xi32>,
        %sub3A_186 = arith.constant 97280 : i32
        %sub3A_187 = vector.broadcast %sub3A_186 : i32 to vector<16xi32>
        %sub3A_188 = arith.subi %get3A_183, %sub3A_187 : vector<16xi32>
        %max3A = arith.constant 0 : i32
        %max3A_189 = vector.broadcast %max3A : i32 to vector<16xi32>
        %max3A_190 = arith.maxsi %sub3A_188, %max3A_189 : vector<16xi32>
        %min3A = arith.constant 4863 : i32
        %min3A_191 = vector.broadcast %min3A : i32 to vector<16xi32>
        %min3A_192 = arith.minsi %max3A_190, %min3A_191 : vector<16xi32>
        %broadcast_in_dim3A = arith.constant 0 : i32
        %broadcast_in_dim3A_193 = vector.broadcast %broadcast_in_dim3A : i32 to vector<16xi32>
        %broadcast_in_dim3A_194 = arith.constant 0 : i32
        %broadcast_in_dim3A_195 = vector.broadcast %broadcast_in_dim3A_194 : i32 to vector<16xi32>
        %broadcast_in_dim3A_196 = arith.constant 0 : i32
        %broadcast_in_dim3A_197 = vector.broadcast %broadcast_in_dim3A_196 : i32 to vector<16xi32>
        %gather3A = tpu.vector_load_idx %arg7[%broadcast_in_dim3A_193, %broadcast_in_dim3A_197, %min3A_192] : memref<2x8x4864xf32, #tpu.memory_space<vmem>>[vector<16xi32>, vector<16xi32>, vector<16xi32>], vector<16xf32>,
        tpu.vector_store_idx %arg8[%broadcast_in_dim3A_195, %broadcast_in_dim3A_197, %get3A_185], %gather3A : memref<1x8x4112xf32, #tpu.memory_space<vmem>>[vector<16xi32>, vector<16xi32>, vector<16xi32>], vector<16xf32>,
        %broadcast_in_dim3A_198 = arith.constant 1 : i32
        %broadcast_in_dim3A_199 = vector.broadcast %broadcast_in_dim3A_198 : i32 to vector<16xi32>
        %gather3A_200 = tpu.vector_load_idx %arg7[%broadcast_in_dim3A_193, %broadcast_in_dim3A_199, %min3A_192] : memref<2x8x4864xf32, #tpu.memory_space<vmem>>[vector<16xi32>, vector<16xi32>, vector<16xi32>], vector<16xf32>,
        tpu.vector_store_idx %arg8[%broadcast_in_dim3A_195, %broadcast_in_dim3A_199, %get3A_185], %gather3A_200 : memref<1x8x4112xf32, #tpu.memory_space<vmem>>[vector<16xi32>, vector<16xi32>, vector<16xi32>], vector<16xf32>,
        %broadcast_in_dim3A_201 = arith.constant 2 : i32
        %broadcast_in_dim3A_202 = vector.broadcast %broadcast_in_dim3A_201 : i32 to vector<16xi32>
        %gather3A_203 = tpu.vector_load_idx %arg7[%broadcast_in_dim3A_193, %broadcast_in_dim3A_202, %min3A_192] : memref<2x8x4864xf32, #tpu.memory_space<vmem>>[vector<16xi32>, vector<16xi32>, vector<16xi32>], vector<16xf32>,
        tpu.vector_store_idx %arg8[%broadcast_in_dim3A_195, %broadcast_in_dim3A_202, %get3A_185], %gather3A_203 : memref<1x8x4112xf32, #tpu.memory_space<vmem>>[vector<16xi32>, vector<16xi32>, vector<16xi32>], vector<16xf32>,
        %broadcast_in_dim3A_204 = arith.constant 3 : i32
        %broadcast_in_dim3A_205 = vector.broadcast %broadcast_in_dim3A_204 : i32 to vector<16xi32>
        %gather3A_206 = tpu.vector_load_idx %arg7[%broadcast_in_dim3A_193, %broadcast_in_dim3A_205, %min3A_192] : memref<2x8x4864xf32, #tpu.memory_space<vmem>>[vector<16xi32>, vector<16xi32>, vector<16xi32>], vector<16xf32>,
        tpu.vector_store_idx %arg8[%broadcast_in_dim3A_195, %broadcast_in_dim3A_205, %get3A_185], %gather3A_206 : memref<1x8x4112xf32, #tpu.memory_space<vmem>>[vector<16xi32>, vector<16xi32>, vector<16xi32>], vector<16xf32>,
        %broadcast_in_dim3A_207 = arith.constant 4 : i32
        %broadcast_in_dim3A_208 = vector.broadcast %broadcast_in_dim3A_207 : i32 to vector<16xi32>
        %gather3A_209 = tpu.vector_load_idx %arg7[%broadcast_in_dim3A_193, %broadcast_in_dim3A_208, %min3A_192] : memref<2x8x4864xf32, #tpu.memory_space<vmem>>[vector<16xi32>, vector<16xi32>, vector<16xi32>], vector<16xf32>,
        tpu.vector_store_idx %arg8[%broadcast_in_dim3A_195, %broadcast_in_dim3A_208, %get3A_185], %gather3A_209 : memref<1x8x4112xf32, #tpu.memory_space<vmem>>[vector<16xi32>, vector<16xi32>, vector<16xi32>], vector<16xf32>,
        %broadcast_in_dim3A_210 = arith.constant 5 : i32
        %broadcast_in_dim3A_211 = vector.broadcast %broadcast_in_dim3A_210 : i32 to vector<16xi32>
        %gather3A_212 = tpu.vector_load_idx %arg7[%broadcast_in_dim3A_193, %broadcast_in_dim3A_211, %min3A_192] : memref<2x8x4864xf32, #tpu.memory_space<vmem>>[vector<16xi32>, vector<16xi32>, vector<16xi32>], vector<16xf32>,
        tpu.vector_store_idx %arg8[%broadcast_in_dim3A_195, %broadcast_in_dim3A_211, %get3A_185], %gather3A_212 : memref<1x8x4112xf32, #tpu.memory_space<vmem>>[vector<16xi32>, vector<16xi32>, vector<16xi32>], vector<16xf32>,
        %broadcast_in_dim3A_213 = arith.constant 6 : i32
        %broadcast_in_dim3A_214 = vector.broadcast %broadcast_in_dim3A_213 : i32 to vector<16xi32>
        %gather3A_215 = tpu.vector_load_idx %arg7[%broadcast_in_dim3A_193, %broadcast_in_dim3A_214, %min3A_192] : memref<2x8x4864xf32, #tpu.memory_space<vmem>>[vector<16xi32>, vector<16xi32>, vector<16xi32>], vector<16xf32>,
        tpu.vector_store_idx %arg8[%broadcast_in_dim3A_195, %broadcast_in_dim3A_214, %get3A_185], %gather3A_215 : memref<1x8x4112xf32, #tpu.memory_space<vmem>>[vector<16xi32>, vector<16xi32>, vector<16xi32>], vector<16xf32>,
        %broadcast_in_dim3A_216 = arith.constant 7 : i32
        %broadcast_in_dim3A_217 = vector.broadcast %broadcast_in_dim3A_216 : i32 to vector<16xi32>
        %gather3A_218 = tpu.vector_load_idx %arg7[%broadcast_in_dim3A_193, %broadcast_in_dim3A_217, %min3A_192] : memref<2x8x4864xf32, #tpu.memory_space<vmem>>[vector<16xi32>, vector<16xi32>, vector<16xi32>], vector<16xf32>,
        tpu.vector_store_idx %arg8[%broadcast_in_dim3A_195, %broadcast_in_dim3A_217, %get3A_185], %gather3A_218 : memref<1x8x4112xf32, #tpu.memory_space<vmem>>[vector<16xi32>, vector<16xi32>, vector<16xi32>], vector<16xf32>,
        %while3A_219 = arith.constant 0 : i32
        scf.yield %while3A_219 : i32
      }
      %add3A_113 = arith.constant 1 : i32
      %add3A_114 = arith.addi %while3A_38, %add3A_113 : i32
      %lt3A_115 = arith.cmpi slt, %add3A_114, %select_n3A_11 : i32
      %convert_element_type3A_116 = arith.extui %lt3A_115 : i1 to i32
      %cond3A_117 = arith.constant 0 : i32
      %cond3A_118 = arith.cmpi ne, %convert_element_type3A_116, %cond3A_117 : i32
      scf.if %cond3A_118 {
        %add3A_177 = arith.constant 1 : i32
        %add3A_178 = arith.addi %add3A_40, %add3A_177 : i32
        %dma_start3A_179 = arith.constant 0 : i32
        %dma_start3A_180 = arith.constant 0 : i32
        %dma_start3A_181 = arith.constant 0 : i32
        %dma_start3A_182 = tpu.memref_slice %arg7[%dma_start3A_179, %dma_start3A_180, %dma_start3A_181] : memref<2x8x4864xf32, #tpu.memory_space<vmem>> -> memref<1x8x4864xf32, #tpu.memory_space<vmem>>
        %dma_start3A_183 = arith.constant 0 : i32
        %dma_start3A_184 = arith.constant 0 : i32
        %dma_start3A_185 = tpu.memref_slice %arg2[%add3A_178, %dma_start3A_183, %dma_start3A_184] : memref<208x8x100000xf32, #tpu.memory_space<hbm>> -> memref<1x8x4864xf32, #tpu.memory_space<hbm>>
        %dma_start3A_186 = arith.constant 0 : i32
        %dma_start3A_187 = arith.constant 0 : i32
        %dma_start3A_188 = arith.constant 0 : i32
        %dma_start3A_189 = tpu.memref_slice %arg7[%dma_start3A_186, %dma_start3A_187, %dma_start3A_188] : memref<2x8x4864xf32, #tpu.memory_space<vmem>> -> memref<1x8x4864xf32, #tpu.memory_space<vmem>>
        %dma_start3A_190 = arith.constant 0 : i32
        %dma_start3A_191 = arith.constant 0 : i32
        %dma_start3A_192 = tpu.memref_slice %arg2[%add3A_178, %dma_start3A_190, %dma_start3A_191] : memref<208x8x100000xf32, #tpu.memory_space<hbm>> -> memref<1x8x4864xf32, #tpu.memory_space<hbm>>
        tpu.enqueue_dma source(%dma_start3A_192 : memref<1x8x4864xf32, #tpu.memory_space<hbm>>) target(%dma_start3A_189 : memref<1x8x4864xf32, #tpu.memory_space<vmem>>) target_semaphore(%arg13 : memref<!tpu.dma_semaphore, #tpu.memory_space<semaphore_mem>>)
      } else {
      }
      %dma_wait3A_119 = arith.constant 1 : i32
      %dma_wait3A_120 = arith.constant 0 : i32
      %dma_wait3A_121 = arith.constant 0 : i32
      %dma_wait3A_122 = tpu.memref_slice %arg7[%dma_wait3A_119, %dma_wait3A_120, %dma_wait3A_121] : memref<2x8x4864xf32, #tpu.memory_space<vmem>> -> memref<1x8x128xf32, #tpu.memory_space<vmem>>
      %dma_wait3A_123 = arith.constant 0 : i32
      %dma_wait3A_124 = arith.constant 0 : i32
      %dma_wait3A_125 = arith.constant 0 : i32
      %dma_wait3A_126 = tpu.memref_slice %arg4[%dma_wait3A_123, %dma_wait3A_124, %dma_wait3A_125] : memref<208x8x128xf32, #tpu.memory_space<hbm>> -> memref<1x8x128xf32, #tpu.memory_space<hbm>>
      %dma_wait3A_127 = arith.constant 1 : i32
      %dma_wait3A_128 = arith.constant 0 : i32
      %dma_wait3A_129 = arith.constant 0 : i32
      %dma_wait3A_130 = tpu.memref_slice %arg7[%dma_wait3A_127, %dma_wait3A_128, %dma_wait3A_129] : memref<2x8x4864xf32, #tpu.memory_space<vmem>> -> memref<1x8x128xf32, #tpu.memory_space<vmem>>
      %dma_wait3A_131 = arith.constant 0 : i32
      %dma_wait3A_132 = arith.constant 0 : i32
      %dma_wait3A_133 = arith.constant 0 : i32
      %dma_wait3A_134 = tpu.memref_slice %arg4[%dma_wait3A_131, %dma_wait3A_132, %dma_wait3A_133] : memref<208x8x128xf32, #tpu.memory_space<hbm>> -> memref<1x8x128xf32, #tpu.memory_space<hbm>>
      tpu.wait_dma2 semaphore(%arg14 : memref<!tpu.dma_semaphore, #tpu.memory_space<semaphore_mem>>) src(%dma_wait3A_134 : memref<1x8x128xf32, #tpu.memory_space<hbm>>) dst(%dma_wait3A_130 : memref<1x8x128xf32, #tpu.memory_space<vmem>>)
      %get3A_135 = arith.constant 21 : i32
      %get3A_136 = arith.index_cast %get3A_135 : i32 to index
      %get3A_137 = memref.load %arg11[%get3A_136] : memref<64xi32, #tpu.memory_space<smem>>
      %get3A_138 = arith.constant 22 : i32
      %get3A_139 = arith.index_cast %get3A_138 : i32 to index
      %get3A_140 = memref.load %arg11[%get3A_139] : memref<64xi32, #tpu.memory_space<smem>>
      %sub3A_141 = arith.subi %get3A_140, %get3A_137 : i32
      %add3A_142 = arith.constant 15 : i32
      %add3A_143 = arith.addi %sub3A_141, %add3A_142 : i32
      %div3A_144 = arith.constant 16 : i32
      %div3A_145 = arith.divsi %add3A_143, %div3A_144 : i32
      %while3A_146 = arith.constant 0 : i32
      %while3A_147 = arith.constant 0 : i32
      %while3A_148 = arith.subi %div3A_145, %while3A_146 : i32
      %while3A_149 = arith.addi %while3A_146, %while3A_148 : i32
      %while3A_150 = arith.constant 1 : i32
      %while3A_151 = arith.divsi %while3A_148, %while3A_150 : i32
      %while3A_152 = arith.muli %while3A_151, %while3A_150 : i32
      %while3A_153 = arith.addi %while3A_146, %while3A_152 : i32
      %while3A_154 = arith.constant 1 : i32
      %while3A_155 = scf.for %while3A_177 = %while3A_146 to %while3A_153 step %while3A_154 iter_args(%while3A_178 = %while3A_147) -> (i32)  : i32 {
        %mul3A_179 = arith.constant 16 : i32
        %mul3A_180 = arith.muli %while3A_177, %mul3A_179 : i32
        %add3A_181 = arith.addi %get3A_137, %mul3A_180 : i32
        %get3A_182 = arith.index_cast %add3A_181 : i32 to index
        %get3A_183 = tpu.vector_load %arg9[%get3A_182] {strides = array<i32>} : memref<4128xi32, #tpu.memory_space<vmem>>, vector<16xi32>,
        %get3A_184 = arith.index_cast %add3A_181 : i32 to index
        %get3A_185 = tpu.vector_load %arg10[%get3A_184] {strides = array<i32>} : memref<4128xi32, #tpu.memory_space<vmem>>, vector<16xi32>,
        %sub3A_186 = arith.constant 99968 : i32
        %sub3A_187 = vector.broadcast %sub3A_186 : i32 to vector<16xi32>
        %sub3A_188 = arith.subi %get3A_183, %sub3A_187 : vector<16xi32>
        %max3A = arith.constant 0 : i32
        %max3A_189 = vector.broadcast %max3A : i32 to vector<16xi32>
        %max3A_190 = arith.maxsi %sub3A_188, %max3A_189 : vector<16xi32>
        %min3A = arith.constant 4863 : i32
        %min3A_191 = vector.broadcast %min3A : i32 to vector<16xi32>
        %min3A_192 = arith.minsi %max3A_190, %min3A_191 : vector<16xi32>
        %broadcast_in_dim3A = arith.constant 1 : i32
        %broadcast_in_dim3A_193 = vector.broadcast %broadcast_in_dim3A : i32 to vector<16xi32>
        %broadcast_in_dim3A_194 = arith.constant 0 : i32
        %broadcast_in_dim3A_195 = vector.broadcast %broadcast_in_dim3A_194 : i32 to vector<16xi32>
        %broadcast_in_dim3A_196 = arith.constant 0 : i32
        %broadcast_in_dim3A_197 = vector.broadcast %broadcast_in_dim3A_196 : i32 to vector<16xi32>
        %gather3A = tpu.vector_load_idx %arg7[%broadcast_in_dim3A_193, %broadcast_in_dim3A_197, %min3A_192] : memref<2x8x4864xf32, #tpu.memory_space<vmem>>[vector<16xi32>, vector<16xi32>, vector<16xi32>], vector<16xf32>,
        tpu.vector_store_idx %arg8[%broadcast_in_dim3A_195, %broadcast_in_dim3A_197, %get3A_185], %gather3A : memref<1x8x4112xf32, #tpu.memory_space<vmem>>[vector<16xi32>, vector<16xi32>, vector<16xi32>], vector<16xf32>,
        %broadcast_in_dim3A_198 = arith.constant 1 : i32
        %broadcast_in_dim3A_199 = vector.broadcast %broadcast_in_dim3A_198 : i32 to vector<16xi32>
        %gather3A_200 = tpu.vector_load_idx %arg7[%broadcast_in_dim3A_193, %broadcast_in_dim3A_199, %min3A_192] : memref<2x8x4864xf32, #tpu.memory_space<vmem>>[vector<16xi32>, vector<16xi32>, vector<16xi32>], vector<16xf32>,
        tpu.vector_store_idx %arg8[%broadcast_in_dim3A_195, %broadcast_in_dim3A_199, %get3A_185], %gather3A_200 : memref<1x8x4112xf32, #tpu.memory_space<vmem>>[vector<16xi32>, vector<16xi32>, vector<16xi32>], vector<16xf32>,
        %broadcast_in_dim3A_201 = arith.constant 2 : i32
        %broadcast_in_dim3A_202 = vector.broadcast %broadcast_in_dim3A_201 : i32 to vector<16xi32>
        %gather3A_203 = tpu.vector_load_idx %arg7[%broadcast_in_dim3A_193, %broadcast_in_dim3A_202, %min3A_192] : memref<2x8x4864xf32, #tpu.memory_space<vmem>>[vector<16xi32>, vector<16xi32>, vector<16xi32>], vector<16xf32>,
        tpu.vector_store_idx %arg8[%broadcast_in_dim3A_195, %broadcast_in_dim3A_202, %get3A_185], %gather3A_203 : memref<1x8x4112xf32, #tpu.memory_space<vmem>>[vector<16xi32>, vector<16xi32>, vector<16xi32>], vector<16xf32>,
        %broadcast_in_dim3A_204 = arith.constant 3 : i32
        %broadcast_in_dim3A_205 = vector.broadcast %broadcast_in_dim3A_204 : i32 to vector<16xi32>
        %gather3A_206 = tpu.vector_load_idx %arg7[%broadcast_in_dim3A_193, %broadcast_in_dim3A_205, %min3A_192] : memref<2x8x4864xf32, #tpu.memory_space<vmem>>[vector<16xi32>, vector<16xi32>, vector<16xi32>], vector<16xf32>,
        tpu.vector_store_idx %arg8[%broadcast_in_dim3A_195, %broadcast_in_dim3A_205, %get3A_185], %gather3A_206 : memref<1x8x4112xf32, #tpu.memory_space<vmem>>[vector<16xi32>, vector<16xi32>, vector<16xi32>], vector<16xf32>,
        %broadcast_in_dim3A_207 = arith.constant 4 : i32
        %broadcast_in_dim3A_208 = vector.broadcast %broadcast_in_dim3A_207 : i32 to vector<16xi32>
        %gather3A_209 = tpu.vector_load_idx %arg7[%broadcast_in_dim3A_193, %broadcast_in_dim3A_208, %min3A_192] : memref<2x8x4864xf32, #tpu.memory_space<vmem>>[vector<16xi32>, vector<16xi32>, vector<16xi32>], vector<16xf32>,
        tpu.vector_store_idx %arg8[%broadcast_in_dim3A_195, %broadcast_in_dim3A_208, %get3A_185], %gather3A_209 : memref<1x8x4112xf32, #tpu.memory_space<vmem>>[vector<16xi32>, vector<16xi32>, vector<16xi32>], vector<16xf32>,
        %broadcast_in_dim3A_210 = arith.constant 5 : i32
        %broadcast_in_dim3A_211 = vector.broadcast %broadcast_in_dim3A_210 : i32 to vector<16xi32>
        %gather3A_212 = tpu.vector_load_idx %arg7[%broadcast_in_dim3A_193, %broadcast_in_dim3A_211, %min3A_192] : memref<2x8x4864xf32, #tpu.memory_space<vmem>>[vector<16xi32>, vector<16xi32>, vector<16xi32>], vector<16xf32>,
        tpu.vector_store_idx %arg8[%broadcast_in_dim3A_195, %broadcast_in_dim3A_211, %get3A_185], %gather3A_212 : memref<1x8x4112xf32, #tpu.memory_space<vmem>>[vector<16xi32>, vector<16xi32>, vector<16xi32>], vector<16xf32>,
        %broadcast_in_dim3A_213 = arith.constant 6 : i32
        %broadcast_in_dim3A_214 = vector.broadcast %broadcast_in_dim3A_213 : i32 to vector<16xi32>
        %gather3A_215 = tpu.vector_load_idx %arg7[%broadcast_in_dim3A_193, %broadcast_in_dim3A_214, %min3A_192] : memref<2x8x4864xf32, #tpu.memory_space<vmem>>[vector<16xi32>, vector<16xi32>, vector<16xi32>], vector<16xf32>,
        tpu.vector_store_idx %arg8[%broadcast_in_dim3A_195, %broadcast_in_dim3A_214, %get3A_185], %gather3A_215 : memref<1x8x4112xf32, #tpu.memory_space<vmem>>[vector<16xi32>, vector<16xi32>, vector<16xi32>], vector<16xf32>,
        %broadcast_in_dim3A_216 = arith.constant 7 : i32
        %broadcast_in_dim3A_217 = vector.broadcast %broadcast_in_dim3A_216 : i32 to vector<16xi32>
        %gather3A_218 = tpu.vector_load_idx %arg7[%broadcast_in_dim3A_193, %broadcast_in_dim3A_217, %min3A_192] : memref<2x8x4864xf32, #tpu.memory_space<vmem>>[vector<16xi32>, vector<16xi32>, vector<16xi32>], vector<16xf32>,
        tpu.vector_store_idx %arg8[%broadcast_in_dim3A_195, %broadcast_in_dim3A_217, %get3A_185], %gather3A_218 : memref<1x8x4112xf32, #tpu.memory_space<vmem>>[vector<16xi32>, vector<16xi32>, vector<16xi32>], vector<16xf32>,
        %while3A_219 = arith.constant 0 : i32
        scf.yield %while3A_219 : i32
      }
      %while3A_156 = arith.constant 1 : i32
      %while3A_157 = scf.for %while3A_177 = %while3A_153 to %while3A_149 step %while3A_156 iter_args(%while3A_178 = %while3A_155) -> (i32)  : i32 {
        %mul3A_179 = arith.constant 16 : i32
        %mul3A_180 = arith.muli %while3A_177, %mul3A_179 : i32
        %add3A_181 = arith.addi %get3A_137, %mul3A_180 : i32
        %get3A_182 = arith.index_cast %add3A_181 : i32 to index
        %get3A_183 = tpu.vector_load %arg9[%get3A_182] {strides = array<i32>} : memref<4128xi32, #tpu.memory_space<vmem>>, vector<16xi32>,
        %get3A_184 = arith.index_cast %add3A_181 : i32 to index
        %get3A_185 = tpu.vector_load %arg10[%get3A_184] {strides = array<i32>} : memref<4128xi32, #tpu.memory_space<vmem>>, vector<16xi32>,
        %sub3A_186 = arith.constant 99968 : i32
        %sub3A_187 = vector.broadcast %sub3A_186 : i32 to vector<16xi32>
        %sub3A_188 = arith.subi %get3A_183, %sub3A_187 : vector<16xi32>
        %max3A = arith.constant 0 : i32
        %max3A_189 = vector.broadcast %max3A : i32 to vector<16xi32>
        %max3A_190 = arith.maxsi %sub3A_188, %max3A_189 : vector<16xi32>
        %min3A = arith.constant 4863 : i32
        %min3A_191 = vector.broadcast %min3A : i32 to vector<16xi32>
        %min3A_192 = arith.minsi %max3A_190, %min3A_191 : vector<16xi32>
        %broadcast_in_dim3A = arith.constant 1 : i32
        %broadcast_in_dim3A_193 = vector.broadcast %broadcast_in_dim3A : i32 to vector<16xi32>
        %broadcast_in_dim3A_194 = arith.constant 0 : i32
        %broadcast_in_dim3A_195 = vector.broadcast %broadcast_in_dim3A_194 : i32 to vector<16xi32>
        %broadcast_in_dim3A_196 = arith.constant 0 : i32
        %broadcast_in_dim3A_197 = vector.broadcast %broadcast_in_dim3A_196 : i32 to vector<16xi32>
        %gather3A = tpu.vector_load_idx %arg7[%broadcast_in_dim3A_193, %broadcast_in_dim3A_197, %min3A_192] : memref<2x8x4864xf32, #tpu.memory_space<vmem>>[vector<16xi32>, vector<16xi32>, vector<16xi32>], vector<16xf32>,
        tpu.vector_store_idx %arg8[%broadcast_in_dim3A_195, %broadcast_in_dim3A_197, %get3A_185], %gather3A : memref<1x8x4112xf32, #tpu.memory_space<vmem>>[vector<16xi32>, vector<16xi32>, vector<16xi32>], vector<16xf32>,
        %broadcast_in_dim3A_198 = arith.constant 1 : i32
        %broadcast_in_dim3A_199 = vector.broadcast %broadcast_in_dim3A_198 : i32 to vector<16xi32>
        %gather3A_200 = tpu.vector_load_idx %arg7[%broadcast_in_dim3A_193, %broadcast_in_dim3A_199, %min3A_192] : memref<2x8x4864xf32, #tpu.memory_space<vmem>>[vector<16xi32>, vector<16xi32>, vector<16xi32>], vector<16xf32>,
        tpu.vector_store_idx %arg8[%broadcast_in_dim3A_195, %broadcast_in_dim3A_199, %get3A_185], %gather3A_200 : memref<1x8x4112xf32, #tpu.memory_space<vmem>>[vector<16xi32>, vector<16xi32>, vector<16xi32>], vector<16xf32>,
        %broadcast_in_dim3A_201 = arith.constant 2 : i32
        %broadcast_in_dim3A_202 = vector.broadcast %broadcast_in_dim3A_201 : i32 to vector<16xi32>
        %gather3A_203 = tpu.vector_load_idx %arg7[%broadcast_in_dim3A_193, %broadcast_in_dim3A_202, %min3A_192] : memref<2x8x4864xf32, #tpu.memory_space<vmem>>[vector<16xi32>, vector<16xi32>, vector<16xi32>], vector<16xf32>,
        tpu.vector_store_idx %arg8[%broadcast_in_dim3A_195, %broadcast_in_dim3A_202, %get3A_185], %gather3A_203 : memref<1x8x4112xf32, #tpu.memory_space<vmem>>[vector<16xi32>, vector<16xi32>, vector<16xi32>], vector<16xf32>,
        %broadcast_in_dim3A_204 = arith.constant 3 : i32
        %broadcast_in_dim3A_205 = vector.broadcast %broadcast_in_dim3A_204 : i32 to vector<16xi32>
        %gather3A_206 = tpu.vector_load_idx %arg7[%broadcast_in_dim3A_193, %broadcast_in_dim3A_205, %min3A_192] : memref<2x8x4864xf32, #tpu.memory_space<vmem>>[vector<16xi32>, vector<16xi32>, vector<16xi32>], vector<16xf32>,
        tpu.vector_store_idx %arg8[%broadcast_in_dim3A_195, %broadcast_in_dim3A_205, %get3A_185], %gather3A_206 : memref<1x8x4112xf32, #tpu.memory_space<vmem>>[vector<16xi32>, vector<16xi32>, vector<16xi32>], vector<16xf32>,
        %broadcast_in_dim3A_207 = arith.constant 4 : i32
        %broadcast_in_dim3A_208 = vector.broadcast %broadcast_in_dim3A_207 : i32 to vector<16xi32>
        %gather3A_209 = tpu.vector_load_idx %arg7[%broadcast_in_dim3A_193, %broadcast_in_dim3A_208, %min3A_192] : memref<2x8x4864xf32, #tpu.memory_space<vmem>>[vector<16xi32>, vector<16xi32>, vector<16xi32>], vector<16xf32>,
        tpu.vector_store_idx %arg8[%broadcast_in_dim3A_195, %broadcast_in_dim3A_208, %get3A_185], %gather3A_209 : memref<1x8x4112xf32, #tpu.memory_space<vmem>>[vector<16xi32>, vector<16xi32>, vector<16xi32>], vector<16xf32>,
        %broadcast_in_dim3A_210 = arith.constant 5 : i32
        %broadcast_in_dim3A_211 = vector.broadcast %broadcast_in_dim3A_210 : i32 to vector<16xi32>
        %gather3A_212 = tpu.vector_load_idx %arg7[%broadcast_in_dim3A_193, %broadcast_in_dim3A_211, %min3A_192] : memref<2x8x4864xf32, #tpu.memory_space<vmem>>[vector<16xi32>, vector<16xi32>, vector<16xi32>], vector<16xf32>,
        tpu.vector_store_idx %arg8[%broadcast_in_dim3A_195, %broadcast_in_dim3A_211, %get3A_185], %gather3A_212 : memref<1x8x4112xf32, #tpu.memory_space<vmem>>[vector<16xi32>, vector<16xi32>, vector<16xi32>], vector<16xf32>,
        %broadcast_in_dim3A_213 = arith.constant 6 : i32
        %broadcast_in_dim3A_214 = vector.broadcast %broadcast_in_dim3A_213 : i32 to vector<16xi32>
        %gather3A_215 = tpu.vector_load_idx %arg7[%broadcast_in_dim3A_193, %broadcast_in_dim3A_214, %min3A_192] : memref<2x8x4864xf32, #tpu.memory_space<vmem>>[vector<16xi32>, vector<16xi32>, vector<16xi32>], vector<16xf32>,
        tpu.vector_store_idx %arg8[%broadcast_in_dim3A_195, %broadcast_in_dim3A_214, %get3A_185], %gather3A_215 : memref<1x8x4112xf32, #tpu.memory_space<vmem>>[vector<16xi32>, vector<16xi32>, vector<16xi32>], vector<16xf32>,
        %broadcast_in_dim3A_216 = arith.constant 7 : i32
        %broadcast_in_dim3A_217 = vector.broadcast %broadcast_in_dim3A_216 : i32 to vector<16xi32>
        %gather3A_218 = tpu.vector_load_idx %arg7[%broadcast_in_dim3A_193, %broadcast_in_dim3A_217, %min3A_192] : memref<2x8x4864xf32, #tpu.memory_space<vmem>>[vector<16xi32>, vector<16xi32>, vector<16xi32>], vector<16xf32>,
        tpu.vector_store_idx %arg8[%broadcast_in_dim3A_195, %broadcast_in_dim3A_217, %get3A_185], %gather3A_218 : memref<1x8x4112xf32, #tpu.memory_space<vmem>>[vector<16xi32>, vector<16xi32>, vector<16xi32>], vector<16xf32>,
        %while3A_219 = arith.constant 0 : i32
        scf.yield %while3A_219 : i32
      }
      %add3A_158 = arith.constant 1 : i32
      %add3A_159 = arith.addi %while3A_38, %add3A_158 : i32
      %lt3A_160 = arith.cmpi slt, %add3A_159, %select_n3A_11 : i32
      %convert_element_type3A_161 = arith.extui %lt3A_160 : i1 to i32
      %cond3A_162 = arith.constant 0 : i32
      %cond3A_163 = arith.cmpi ne, %convert_element_type3A_161, %cond3A_162 : i32
      scf.if %cond3A_163 {
        %add3A_177 = arith.constant 1 : i32
        %add3A_178 = arith.addi %add3A_40, %add3A_177 : i32
        %dma_start3A_179 = arith.constant 1 : i32
        %dma_start3A_180 = arith.constant 0 : i32
        %dma_start3A_181 = arith.constant 0 : i32
        %dma_start3A_182 = tpu.memref_slice %arg7[%dma_start3A_179, %dma_start3A_180, %dma_start3A_181] : memref<2x8x4864xf32, #tpu.memory_space<vmem>> -> memref<1x8x4864xf32, #tpu.memory_space<vmem>>
        %dma_start3A_183 = arith.constant 0 : i32
        %dma_start3A_184 = arith.constant 4864 : i32
        %dma_start3A_185 = tpu.memref_slice %arg2[%add3A_178, %dma_start3A_183, %dma_start3A_184] : memref<208x8x100000xf32, #tpu.memory_space<hbm>> -> memref<1x8x4864xf32, #tpu.memory_space<hbm>>
        %dma_start3A_186 = arith.constant 1 : i32
        %dma_start3A_187 = arith.constant 0 : i32
        %dma_start3A_188 = arith.constant 0 : i32
        %dma_start3A_189 = tpu.memref_slice %arg7[%dma_start3A_186, %dma_start3A_187, %dma_start3A_188] : memref<2x8x4864xf32, #tpu.memory_space<vmem>> -> memref<1x8x4864xf32, #tpu.memory_space<vmem>>
        %dma_start3A_190 = arith.constant 0 : i32
        %dma_start3A_191 = arith.constant 4864 : i32
        %dma_start3A_192 = tpu.memref_slice %arg2[%add3A_178, %dma_start3A_190, %dma_start3A_191] : memref<208x8x100000xf32, #tpu.memory_space<hbm>> -> memref<1x8x4864xf32, #tpu.memory_space<hbm>>
        tpu.enqueue_dma source(%dma_start3A_192 : memref<1x8x4864xf32, #tpu.memory_space<hbm>>) target(%dma_start3A_189 : memref<1x8x4864xf32, #tpu.memory_space<vmem>>) target_semaphore(%arg14 : memref<!tpu.dma_semaphore, #tpu.memory_space<semaphore_mem>>)
      } else {
      }
      %dma_start3A = arith.constant 0 : i32
      %dma_start3A_164 = arith.constant 0 : i32
      %dma_start3A_165 = arith.constant 0 : i32
      %dma_start3A_166 = tpu.memref_slice %arg8[%dma_start3A, %dma_start3A_164, %dma_start3A_165] : memref<1x8x4112xf32, #tpu.memory_space<vmem>> -> memref<1x8x4096xf32, #tpu.memory_space<vmem>>
      %dma_start3A_167 = arith.constant 0 : i32
      %dma_start3A_168 = arith.constant 0 : i32
      %dma_start3A_169 = tpu.memref_slice %arg5[%add3A_40, %dma_start3A_167, %dma_start3A_168] : memref<208x8x4096xf32, #tpu.memory_space<hbm>> -> memref<1x8x4096xf32, #tpu.memory_space<hbm>>
      %dma_start3A_170 = arith.constant 0 : i32
      %dma_start3A_171 = arith.constant 0 : i32
      %dma_start3A_172 = tpu.memref_slice %arg5[%add3A_40, %dma_start3A_170, %dma_start3A_171] : memref<208x8x4096xf32, #tpu.memory_space<hbm>> -> memref<1x8x4096xf32, #tpu.memory_space<hbm>>
      %dma_start3A_173 = arith.constant 0 : i32
      %dma_start3A_174 = arith.constant 0 : i32
      %dma_start3A_175 = arith.constant 0 : i32
      %dma_start3A_176 = tpu.memref_slice %arg8[%dma_start3A_173, %dma_start3A_174, %dma_start3A_175] : memref<1x8x4112xf32, #tpu.memory_space<vmem>> -> memref<1x8x4096xf32, #tpu.memory_space<vmem>>
      tpu.enqueue_dma source(%dma_start3A_176 : memref<1x8x4096xf32, #tpu.memory_space<vmem>>) target(%dma_start3A_172 : memref<1x8x4096xf32, #tpu.memory_space<hbm>>) target_semaphore(%arg15 : memref<!tpu.dma_semaphore, #tpu.memory_space<semaphore_mem>>)
      scf.yield %select_n3A_58 : i32
    }
    %while3A_21 = arith.constant 1 : i32
    %while3A_22 = scf.for %while3A_38 = %while3A_18 to %while3A_14 step %while3A_21 iter_args(%while3A_39 = %while3A_20) -> (i32)  : i32 {
      %add3A_40 = arith.addi %select_n3A, %while3A_38 : i32
      %jit3A_41 = arith.constant 8 : i32
      %div3A = arith.divsi %add3A_40, %jit3A_41 : i32
      %sign3A = arith.constant 0 : i32
      %sign3A_42 = arith.cmpi sgt, %add3A_40, %sign3A : i32
      %sign3A_43 = arith.extui %sign3A_42 : i1 to i32
      %sign3A_44 = arith.constant 0 : i32
      %sign3A_45 = arith.cmpi slt, %add3A_40, %sign3A_44 : i32
      %sign3A_46 = arith.extui %sign3A_45 : i1 to i32
      %sign3A_47 = arith.subi %sign3A_43, %sign3A_46 : i32
      %sign3A_48 = arith.constant 0 : i32
      %sign3A_49 = arith.cmpi sgt, %jit3A_41, %sign3A_48 : i32
      %sign3A_50 = arith.extui %sign3A_49 : i1 to i32
      %sign3A_51 = arith.constant 0 : i32
      %sign3A_52 = arith.cmpi slt, %jit3A_41, %sign3A_51 : i32
      %sign3A_53 = arith.extui %sign3A_52 : i1 to i32
      %sign3A_54 = arith.subi %sign3A_50, %sign3A_53 : i32
      %ne3A = arith.cmpi ne, %sign3A_47, %sign3A_54 : i32
      %rem3A = arith.remsi %add3A_40, %jit3A_41 : i32
      %ne3A_55 = arith.constant 0 : i32
      %ne3A_56 = arith.cmpi ne, %rem3A, %ne3A_55 : i32
      %and3A = arith.andi %ne3A, %ne3A_56 : i1
      %sub3A = arith.constant 1 : i32
      %sub3A_57 = arith.subi %div3A, %sub3A : i32
      %select_n3A_58 = arith.select %and3A, %sub3A_57, %div3A : i32
      %eq3A = arith.constant 0 : i32
      %eq3A_59 = arith.cmpi eq, %while3A_38, %eq3A : i32
      %convert_element_type3A = arith.extui %eq3A_59 : i1 to i32
      %cond3A = arith.constant 0 : i32
      %cond3A_60 = arith.cmpi ne, %convert_element_type3A, %cond3A : i32
      scf.if %cond3A_60 {
        %dma_start3A_177 = arith.constant 0 : i32
        %dma_start3A_178 = arith.constant 0 : i32
        %dma_start3A_179 = arith.constant 0 : i32
        %dma_start3A_180 = tpu.memref_slice %arg7[%dma_start3A_177, %dma_start3A_178, %dma_start3A_179] : memref<2x8x4864xf32, #tpu.memory_space<vmem>> -> memref<1x8x4864xf32, #tpu.memory_space<vmem>>
        %dma_start3A_181 = arith.constant 0 : i32
        %dma_start3A_182 = arith.constant 0 : i32
        %dma_start3A_183 = tpu.memref_slice %arg2[%add3A_40, %dma_start3A_181, %dma_start3A_182] : memref<208x8x100000xf32, #tpu.memory_space<hbm>> -> memref<1x8x4864xf32, #tpu.memory_space<hbm>>
        %dma_start3A_184 = arith.constant 0 : i32
        %dma_start3A_185 = arith.constant 0 : i32
        %dma_start3A_186 = arith.constant 0 : i32
        %dma_start3A_187 = tpu.memref_slice %arg7[%dma_start3A_184, %dma_start3A_185, %dma_start3A_186] : memref<2x8x4864xf32, #tpu.memory_space<vmem>> -> memref<1x8x4864xf32, #tpu.memory_space<vmem>>
        %dma_start3A_188 = arith.constant 0 : i32
        %dma_start3A_189 = arith.constant 0 : i32
        %dma_start3A_190 = tpu.memref_slice %arg2[%add3A_40, %dma_start3A_188, %dma_start3A_189] : memref<208x8x100000xf32, #tpu.memory_space<hbm>> -> memref<1x8x4864xf32, #tpu.memory_space<hbm>>
        tpu.enqueue_dma source(%dma_start3A_190 : memref<1x8x4864xf32, #tpu.memory_space<hbm>>) target(%dma_start3A_187 : memref<1x8x4864xf32, #tpu.memory_space<vmem>>) target_semaphore(%arg13 : memref<!tpu.dma_semaphore, #tpu.memory_space<semaphore_mem>>)
        %dma_start3A_191 = arith.constant 1 : i32
        %dma_start3A_192 = arith.constant 0 : i32
        %dma_start3A_193 = arith.constant 0 : i32
        %dma_start3A_194 = tpu.memref_slice %arg7[%dma_start3A_191, %dma_start3A_192, %dma_start3A_193] : memref<2x8x4864xf32, #tpu.memory_space<vmem>> -> memref<1x8x4864xf32, #tpu.memory_space<vmem>>
        %dma_start3A_195 = arith.constant 0 : i32
        %dma_start3A_196 = arith.constant 4864 : i32
        %dma_start3A_197 = tpu.memref_slice %arg2[%add3A_40, %dma_start3A_195, %dma_start3A_196] : memref<208x8x100000xf32, #tpu.memory_space<hbm>> -> memref<1x8x4864xf32, #tpu.memory_space<hbm>>
        %dma_start3A_198 = arith.constant 1 : i32
        %dma_start3A_199 = arith.constant 0 : i32
        %dma_start3A_200 = arith.constant 0 : i32
        %dma_start3A_201 = tpu.memref_slice %arg7[%dma_start3A_198, %dma_start3A_199, %dma_start3A_200] : memref<2x8x4864xf32, #tpu.memory_space<vmem>> -> memref<1x8x4864xf32, #tpu.memory_space<vmem>>
        %dma_start3A_202 = arith.constant 0 : i32
        %dma_start3A_203 = arith.constant 4864 : i32
        %dma_start3A_204 = tpu.memref_slice %arg2[%add3A_40, %dma_start3A_202, %dma_start3A_203] : memref<208x8x100000xf32, #tpu.memory_space<hbm>> -> memref<1x8x4864xf32, #tpu.memory_space<hbm>>
        tpu.enqueue_dma source(%dma_start3A_204 : memref<1x8x4864xf32, #tpu.memory_space<hbm>>) target(%dma_start3A_201 : memref<1x8x4864xf32, #tpu.memory_space<vmem>>) target_semaphore(%arg14 : memref<!tpu.dma_semaphore, #tpu.memory_space<semaphore_mem>>)
      } else {
      }
      %ne3A_61 = arith.cmpi ne, %select_n3A_58, %while3A_39 : i32
      %convert_element_type3A_62 = arith.extui %ne3A_61 : i1 to i32
      %cond3A_63 = arith.constant 0 : i32
      %cond3A_64 = arith.cmpi ne, %convert_element_type3A_62, %cond3A_63 : i32
      scf.if %cond3A_64 {
        %dma_start3A_177 = arith.constant 0 : i32
        %dma_start3A_178 = arith.constant 0 : i32
        %dma_start3A_179 = tpu.memref_slice %arg3[%select_n3A_58, %dma_start3A_177, %dma_start3A_178] : memref<26x1x4096xi32, #tpu.memory_space<hbm>> -> memref<1x1x4096xi32, #tpu.memory_space<hbm>>
        %dma_start3A_180 = arith.constant 0 : i32
        %dma_start3A_181 = arith.constant 0 : i32
        %dma_start3A_182 = tpu.memref_slice %arg3[%select_n3A_58, %dma_start3A_180, %dma_start3A_181] : memref<26x1x4096xi32, #tpu.memory_space<hbm>> -> memref<1x1x4096xi32, #tpu.memory_space<hbm>>
        tpu.enqueue_dma source(%dma_start3A_182 : memref<1x1x4096xi32, #tpu.memory_space<hbm>>) target(%arg6 : memref<1x1x4096xi32, #tpu.memory_space<vmem>>) target_semaphore(%arg12 : memref<!tpu.dma_semaphore, #tpu.memory_space<semaphore_mem>>)
        %dma_wait3A_183 = arith.constant 0 : i32
        %dma_wait3A_184 = arith.constant 0 : i32
        %dma_wait3A_185 = tpu.memref_slice %arg3[%select_n3A_58, %dma_wait3A_183, %dma_wait3A_184] : memref<26x1x4096xi32, #tpu.memory_space<hbm>> -> memref<1x1x4096xi32, #tpu.memory_space<hbm>>
        %dma_wait3A_186 = arith.constant 0 : i32
        %dma_wait3A_187 = arith.constant 0 : i32
        %dma_wait3A_188 = tpu.memref_slice %arg3[%select_n3A_58, %dma_wait3A_186, %dma_wait3A_187] : memref<26x1x4096xi32, #tpu.memory_space<hbm>> -> memref<1x1x4096xi32, #tpu.memory_space<hbm>>
        tpu.wait_dma2 semaphore(%arg12 : memref<!tpu.dma_semaphore, #tpu.memory_space<semaphore_mem>>) src(%dma_wait3A_188 : memref<1x1x4096xi32, #tpu.memory_space<hbm>>) dst(%arg6 : memref<1x1x4096xi32, #tpu.memory_space<vmem>>)
        %scan3A_189 = arith.constant 0 : i32
        %scan3A_190 = arith.constant 0 : i32
        %scan3A_191 = arith.constant 22 : i32
        %scan3A_192 = arith.addi %scan3A_190, %scan3A_191 : i32
        %scan3A_193 = arith.constant 1 : i32
        %scan3A_194 = scf.for %scan3A_206 = %scan3A_190 to %scan3A_192 step %scan3A_193 iter_args(%scan3A_207 = %scan3A_189) -> (i32)  : i32 {
          %swap3A_208 = arith.index_cast %scan3A_206 : i32 to index
          %swap3A_209 = memref.load %arg11[%swap3A_208] : memref<64xi32, #tpu.memory_space<smem>>
          memref.store %scan3A_207, %arg11[%swap3A_208] : memref<64xi32, #tpu.memory_space<smem>>
          %scan3A_210 = arith.constant 0 : i32
          %scan3A_211 = arith.constant 256 : i32
          %scan3A_212 = arith.addi %scan3A_210, %scan3A_211 : i32
          %scan3A_213 = arith.constant 1 : i32
          %scan3A_214 = scf.for %scan3A_216 = %scan3A_210 to %scan3A_212 step %scan3A_213 iter_args(%scan3A_217 = %scan3A_207) -> (i32)  : i32 {
            %mul3A_218 = arith.constant 16 : i32
            %mul3A_219 = arith.muli %scan3A_216, %mul3A_218 : i32
            %get3A_220 = arith.constant 0 : i32
            %get3A_221 = arith.constant 0 : i32
            %get3A_222 = arith.index_cast %get3A_220 : i32 to index
            %get3A_223 = arith.index_cast %get3A_221 : i32 to index
            %get3A_224 = arith.index_cast %mul3A_219 : i32 to index
            %get3A_225 = tpu.vector_load %arg6[%get3A_222, %get3A_223, %get3A_224] {strides = array<i32>} : memref<1x1x4096xi32, #tpu.memory_space<vmem>>, vector<16xi32>,
            %shift_right_logical3A = arith.constant 7 : i32
            %shift_right_logical3A_226 = vector.broadcast %shift_right_logical3A : i32 to vector<16xi32>
            %shift_right_logical3A_227 = arith.shrui %get3A_225, %shift_right_logical3A_226 : vector<16xi32>
            %mul3A_228 = arith.constant 1725 : i32
            %mul3A_229 = vector.broadcast %mul3A_228 : i32 to vector<16xi32>
            %mul3A_230 = arith.muli %shift_right_logical3A_227, %mul3A_229 : vector<16xi32>
            %shift_right_logical3A_231 = arith.constant 16 : i32
            %shift_right_logical3A_232 = vector.broadcast %shift_right_logical3A_231 : i32 to vector<16xi32>
            %shift_right_logical3A_233 = arith.shrui %mul3A_230, %shift_right_logical3A_232 : vector<16xi32>
            %ge3A_234 = arith.constant 99968 : i32
            %ge3A_235 = vector.broadcast %ge3A_234 : i32 to vector<16xi32>
            %ge3A_236 = arith.cmpi sge, %get3A_225, %ge3A_235 : vector<16xi32>
            %jit3A_237 = arith.constant 21 : i32
            %broadcast_in_dim3A_238 = vector.broadcast %jit3A_237 : i32 to vector<16xi32>
            %select_n3A_239 = arith.select %ge3A_236, %broadcast_in_dim3A_238, %shift_right_logical3A_233 : vector<16xi1>, vector<16xi32>
            %eq3A_240 = vector.broadcast %scan3A_206 : i32 to vector<16xi32>
            %eq3A_241 = arith.cmpi eq, %select_n3A_239, %eq3A_240 : vector<16xi32>
            %convert_element_type3A_242 = arith.extui %eq3A_241 : vector<16xi1> to vector<16xi32>
            %broadcast_in_dim3A_243 = arith.constant true
            %broadcast_in_dim3A_244 = vector.broadcast %broadcast_in_dim3A_243 : i1 to vector<16xi1>
            %masked_cumsum3A = tpu.scan <sum>, %convert_element_type3A_242 masked %broadcast_in_dim3A_244 : vector<16xi32>, vector<16xi1> -> vector<16xi32>
            %sub3A_245 = arith.subi %masked_cumsum3A, %convert_element_type3A_242 : vector<16xi32>
            %add3A_246 = vector.broadcast %scan3A_217 : i32 to vector<16xi32>
            %add3A_247 = arith.addi %add3A_246, %sub3A_245 : vector<16xi32>
            %add3A_248 = arith.constant 4112 : i32
            %add3A_249 = vector.broadcast %add3A_248 : i32 to vector<16xi32>
            %add3A_250 = arith.addi %add3A_249, %iota3A : vector<16xi32>
            %select_n3A_251 = arith.select %eq3A_241, %add3A_247, %add3A_250 : vector<16xi1>, vector<16xi32>
            tpu.vector_store_idx %arg9[%select_n3A_251], %get3A_225 : memref<4128xi32, #tpu.memory_space<vmem>>[vector<16xi32>], vector<16xi32>,
            %mul3A_252 = arith.constant 16 : i32
            %mul3A_253 = arith.muli %scan3A_216, %mul3A_252 : i32
            %add3A_254 = vector.broadcast %mul3A_253 : i32 to vector<16xi32>
            %add3A_255 = arith.addi %iota3A, %add3A_254 : vector<16xi32>
            tpu.vector_store_idx %arg10[%select_n3A_251], %add3A_255 : memref<4128xi32, #tpu.memory_space<vmem>>[vector<16xi32>], vector<16xi32>,
            %reduce_sum3A = arith.constant true
            %reduce_sum3A_256 = vector.broadcast %reduce_sum3A : i1 to vector<16xi1>
            %reduce_sum3A_257 = tpu.scan <sum>, %convert_element_type3A_242 masked %reduce_sum3A_256 : vector<16xi32>, vector<16xi1> -> vector<16xi32>
            %reduce_sum3A_258 = vector.extract %reduce_sum3A_257[15] : i32 from vector<16xi32>
            %add3A_259 = arith.addi %scan3A_217, %reduce_sum3A_258 : i32
            scf.yield %add3A_259 : i32
          }
          %scan3A_215 = arith.constant 256 : i32
          scf.yield %scan3A_214 : i32
        }
        %scan3A_195 = arith.constant 22 : i32
        %swap3A = arith.constant 22 : i32
        %swap3A_196 = arith.index_cast %swap3A : i32 to index
        %swap3A_197 = memref.load %arg11[%swap3A_196] : memref<64xi32, #tpu.memory_space<smem>>
        memref.store %scan3A_194, %arg11[%swap3A_196] : memref<64xi32, #tpu.memory_space<smem>>
        %add3A_198 = arith.constant 4096 : i32
        %add3A_199 = vector.broadcast %add3A_198 : i32 to vector<16xi32>
        %add3A_200 = arith.addi %iota3A, %add3A_199 : vector<16xi32>
        %swap3A_201 = arith.constant 4096 : index
        %swap3A_202 = tpu.vector_load %arg10[%swap3A_201] {strides = array<i32>} : memref<4128xi32, #tpu.memory_space<vmem>>, vector<16xi32>,
        tpu.vector_store %arg10[%swap3A_201], %add3A_200 {strides = array<i32>} : memref<4128xi32, #tpu.memory_space<vmem>>, vector<16xi32>,
        %broadcast_in_dim3A = arith.constant 99968 : i32
        %broadcast_in_dim3A_203 = vector.broadcast %broadcast_in_dim3A : i32 to vector<16xi32>
        %swap3A_204 = arith.constant 4096 : index
        %swap3A_205 = tpu.vector_load %arg9[%swap3A_204] {strides = array<i32>} : memref<4128xi32, #tpu.memory_space<vmem>>, vector<16xi32>,
        tpu.vector_store %arg9[%swap3A_204], %broadcast_in_dim3A_203 {strides = array<i32>} : memref<4128xi32, #tpu.memory_space<vmem>>, vector<16xi32>,
      } else {
      }
      %ge3A = arith.constant 1 : i32
      %ge3A_65 = arith.cmpi sge, %while3A_38, %ge3A : i32
      %convert_element_type3A_66 = arith.extui %ge3A_65 : i1 to i32
      %cond3A_67 = arith.constant 0 : i32
      %cond3A_68 = arith.cmpi ne, %convert_element_type3A_66, %cond3A_67 : i32
      scf.if %cond3A_68 {
        %dma_wait3A_177 = arith.constant 0 : i32
        %dma_wait3A_178 = arith.constant 0 : i32
        %dma_wait3A_179 = arith.constant 0 : i32
        %dma_wait3A_180 = tpu.memref_slice %arg8[%dma_wait3A_177, %dma_wait3A_178, %dma_wait3A_179] : memref<1x8x4112xf32, #tpu.memory_space<vmem>> -> memref<1x8x4096xf32, #tpu.memory_space<vmem>>
        %dma_wait3A_181 = arith.constant 0 : i32
        %dma_wait3A_182 = arith.constant 0 : i32
        %dma_wait3A_183 = arith.constant 0 : i32
        %dma_wait3A_184 = tpu.memref_slice %arg5[%dma_wait3A_181, %dma_wait3A_182, %dma_wait3A_183] : memref<208x8x4096xf32, #tpu.memory_space<hbm>> -> memref<1x8x4096xf32, #tpu.memory_space<hbm>>
        %dma_wait3A_185 = arith.constant 0 : i32
        %dma_wait3A_186 = arith.constant 0 : i32
        %dma_wait3A_187 = arith.constant 0 : i32
        %dma_wait3A_188 = tpu.memref_slice %arg5[%dma_wait3A_185, %dma_wait3A_186, %dma_wait3A_187] : memref<208x8x4096xf32, #tpu.memory_space<hbm>> -> memref<1x8x4096xf32, #tpu.memory_space<hbm>>
        %dma_wait3A_189 = arith.constant 0 : i32
        %dma_wait3A_190 = arith.constant 0 : i32
        %dma_wait3A_191 = arith.constant 0 : i32
        %dma_wait3A_192 = tpu.memref_slice %arg8[%dma_wait3A_189, %dma_wait3A_190, %dma_wait3A_191] : memref<1x8x4112xf32, #tpu.memory_space<vmem>> -> memref<1x8x4096xf32, #tpu.memory_space<vmem>>
        tpu.wait_dma2 semaphore(%arg15 : memref<!tpu.dma_semaphore, #tpu.memory_space<semaphore_mem>>) src(%dma_wait3A_192 : memref<1x8x4096xf32, #tpu.memory_space<vmem>>) dst(%dma_wait3A_188 : memref<1x8x4096xf32, #tpu.memory_space<hbm>>)
      } else {
      }
      %scan3A = arith.constant 0 : i32
      %scan3A_69 = arith.constant 0 : i32
      %scan3A_70 = arith.constant 10 : i32
      %scan3A_71 = arith.addi %scan3A_69, %scan3A_70 : i32
      %scan3A_72 = arith.constant 1 : i32
      %scan3A_73 = scf.for %scan3A_177 = %scan3A_69 to %scan3A_71 step %scan3A_72 iter_args(%scan3A_178 = %scan3A) -> (i32)  : i32 {
        %dma_wait3A_179 = arith.constant 0 : i32
        %dma_wait3A_180 = arith.constant 0 : i32
        %dma_wait3A_181 = arith.constant 0 : i32
        %dma_wait3A_182 = tpu.memref_slice %arg7[%dma_wait3A_179, %dma_wait3A_180, %dma_wait3A_181] : memref<2x8x4864xf32, #tpu.memory_space<vmem>> -> memref<1x8x4864xf32, #tpu.memory_space<vmem>>
        %dma_wait3A_183 = arith.constant 0 : i32
        %dma_wait3A_184 = arith.constant 0 : i32
        %dma_wait3A_185 = arith.constant 0 : i32
        %dma_wait3A_186 = tpu.memref_slice %arg2[%dma_wait3A_183, %dma_wait3A_184, %dma_wait3A_185] : memref<208x8x100000xf32, #tpu.memory_space<hbm>> -> memref<1x8x4864xf32, #tpu.memory_space<hbm>>
        %dma_wait3A_187 = arith.constant 0 : i32
        %dma_wait3A_188 = arith.constant 0 : i32
        %dma_wait3A_189 = arith.constant 0 : i32
        %dma_wait3A_190 = tpu.memref_slice %arg7[%dma_wait3A_187, %dma_wait3A_188, %dma_wait3A_189] : memref<2x8x4864xf32, #tpu.memory_space<vmem>> -> memref<1x8x4864xf32, #tpu.memory_space<vmem>>
        %dma_wait3A_191 = arith.constant 0 : i32
        %dma_wait3A_192 = arith.constant 0 : i32
        %dma_wait3A_193 = arith.constant 0 : i32
        %dma_wait3A_194 = tpu.memref_slice %arg2[%dma_wait3A_191, %dma_wait3A_192, %dma_wait3A_193] : memref<208x8x100000xf32, #tpu.memory_space<hbm>> -> memref<1x8x4864xf32, #tpu.memory_space<hbm>>
        tpu.wait_dma2 semaphore(%arg13 : memref<!tpu.dma_semaphore, #tpu.memory_space<semaphore_mem>>) src(%dma_wait3A_194 : memref<1x8x4864xf32, #tpu.memory_space<hbm>>) dst(%dma_wait3A_190 : memref<1x8x4864xf32, #tpu.memory_space<vmem>>)
        %mul3A_195 = arith.constant 2 : i32
        %mul3A_196 = arith.muli %mul3A_195, %scan3A_177 : i32
        %mul3A_197 = arith.constant 2 : i32
        %mul3A_198 = arith.muli %mul3A_197, %scan3A_177 : i32
        %mul3A_199 = arith.constant 4864 : i32
        %mul3A_200 = arith.muli %mul3A_198, %mul3A_199 : i32
        %get3A_201 = arith.index_cast %mul3A_196 : i32 to index
        %get3A_202 = memref.load %arg11[%get3A_201] : memref<64xi32, #tpu.memory_space<smem>>
        %add3A_203 = arith.constant 1 : i32
        %add3A_204 = arith.addi %mul3A_196, %add3A_203 : i32
        %get3A_205 = arith.index_cast %add3A_204 : i32 to index
        %get3A_206 = memref.load %arg11[%get3A_205] : memref<64xi32, #tpu.memory_space<smem>>
        %sub3A_207 = arith.subi %get3A_206, %get3A_202 : i32
        %add3A_208 = arith.constant 15 : i32
        %add3A_209 = arith.addi %sub3A_207, %add3A_208 : i32
        %div3A_210 = arith.constant 16 : i32
        %div3A_211 = arith.divsi %add3A_209, %div3A_210 : i32
        %while3A_212 = arith.constant 0 : i32
        %while3A_213 = arith.constant 0 : i32
        %while3A_214 = arith.subi %div3A_211, %while3A_212 : i32
        %while3A_215 = arith.addi %while3A_212, %while3A_214 : i32
        %while3A_216 = arith.constant 1 : i32
        %while3A_217 = arith.divsi %while3A_214, %while3A_216 : i32
        %while3A_218 = arith.muli %while3A_217, %while3A_216 : i32
        %while3A_219 = arith.addi %while3A_212, %while3A_218 : i32
        %while3A_220 = arith.constant 1 : i32
        %while3A_221 = scf.for %while3A_310 = %while3A_212 to %while3A_219 step %while3A_220 iter_args(%while3A_311 = %while3A_213) -> (i32)  : i32 {
          %mul3A_312 = arith.constant 16 : i32
          %mul3A_313 = arith.muli %while3A_310, %mul3A_312 : i32
          %add3A_314 = arith.addi %get3A_202, %mul3A_313 : i32
          %get3A_315 = arith.index_cast %add3A_314 : i32 to index
          %get3A_316 = tpu.vector_load %arg9[%get3A_315] {strides = array<i32>} : memref<4128xi32, #tpu.memory_space<vmem>>, vector<16xi32>,
          %get3A_317 = arith.index_cast %add3A_314 : i32 to index
          %get3A_318 = tpu.vector_load %arg10[%get3A_317] {strides = array<i32>} : memref<4128xi32, #tpu.memory_space<vmem>>, vector<16xi32>,
          %sub3A_319 = vector.broadcast %mul3A_200 : i32 to vector<16xi32>
          %sub3A_320 = arith.subi %get3A_316, %sub3A_319 : vector<16xi32>
          %max3A = arith.constant 0 : i32
          %max3A_321 = vector.broadcast %max3A : i32 to vector<16xi32>
          %max3A_322 = arith.maxsi %sub3A_320, %max3A_321 : vector<16xi32>
          %min3A = arith.constant 4863 : i32
          %min3A_323 = vector.broadcast %min3A : i32 to vector<16xi32>
          %min3A_324 = arith.minsi %max3A_322, %min3A_323 : vector<16xi32>
          %broadcast_in_dim3A = arith.constant 0 : i32
          %broadcast_in_dim3A_325 = vector.broadcast %broadcast_in_dim3A : i32 to vector<16xi32>
          %broadcast_in_dim3A_326 = arith.constant 0 : i32
          %broadcast_in_dim3A_327 = vector.broadcast %broadcast_in_dim3A_326 : i32 to vector<16xi32>
          %broadcast_in_dim3A_328 = arith.constant 0 : i32
          %broadcast_in_dim3A_329 = vector.broadcast %broadcast_in_dim3A_328 : i32 to vector<16xi32>
          %gather3A = tpu.vector_load_idx %arg7[%broadcast_in_dim3A_325, %broadcast_in_dim3A_329, %min3A_324] : memref<2x8x4864xf32, #tpu.memory_space<vmem>>[vector<16xi32>, vector<16xi32>, vector<16xi32>], vector<16xf32>,
          tpu.vector_store_idx %arg8[%broadcast_in_dim3A_327, %broadcast_in_dim3A_329, %get3A_318], %gather3A : memref<1x8x4112xf32, #tpu.memory_space<vmem>>[vector<16xi32>, vector<16xi32>, vector<16xi32>], vector<16xf32>,
          %broadcast_in_dim3A_330 = arith.constant 1 : i32
          %broadcast_in_dim3A_331 = vector.broadcast %broadcast_in_dim3A_330 : i32 to vector<16xi32>
          %gather3A_332 = tpu.vector_load_idx %arg7[%broadcast_in_dim3A_325, %broadcast_in_dim3A_331, %min3A_324] : memref<2x8x4864xf32, #tpu.memory_space<vmem>>[vector<16xi32>, vector<16xi32>, vector<16xi32>], vector<16xf32>,
          tpu.vector_store_idx %arg8[%broadcast_in_dim3A_327, %broadcast_in_dim3A_331, %get3A_318], %gather3A_332 : memref<1x8x4112xf32, #tpu.memory_space<vmem>>[vector<16xi32>, vector<16xi32>, vector<16xi32>], vector<16xf32>,
          %broadcast_in_dim3A_333 = arith.constant 2 : i32
          %broadcast_in_dim3A_334 = vector.broadcast %broadcast_in_dim3A_333 : i32 to vector<16xi32>
          %gather3A_335 = tpu.vector_load_idx %arg7[%broadcast_in_dim3A_325, %broadcast_in_dim3A_334, %min3A_324] : memref<2x8x4864xf32, #tpu.memory_space<vmem>>[vector<16xi32>, vector<16xi32>, vector<16xi32>], vector<16xf32>,
          tpu.vector_store_idx %arg8[%broadcast_in_dim3A_327, %broadcast_in_dim3A_334, %get3A_318], %gather3A_335 : memref<1x8x4112xf32, #tpu.memory_space<vmem>>[vector<16xi32>, vector<16xi32>, vector<16xi32>], vector<16xf32>,
          %broadcast_in_dim3A_336 = arith.constant 3 : i32
          %broadcast_in_dim3A_337 = vector.broadcast %broadcast_in_dim3A_336 : i32 to vector<16xi32>
          %gather3A_338 = tpu.vector_load_idx %arg7[%broadcast_in_dim3A_325, %broadcast_in_dim3A_337, %min3A_324] : memref<2x8x4864xf32, #tpu.memory_space<vmem>>[vector<16xi32>, vector<16xi32>, vector<16xi32>], vector<16xf32>,
          tpu.vector_store_idx %arg8[%broadcast_in_dim3A_327, %broadcast_in_dim3A_337, %get3A_318], %gather3A_338 : memref<1x8x4112xf32, #tpu.memory_space<vmem>>[vector<16xi32>, vector<16xi32>, vector<16xi32>], vector<16xf32>,
          %broadcast_in_dim3A_339 = arith.constant 4 : i32
          %broadcast_in_dim3A_340 = vector.broadcast %broadcast_in_dim3A_339 : i32 to vector<16xi32>
          %gather3A_341 = tpu.vector_load_idx %arg7[%broadcast_in_dim3A_325, %broadcast_in_dim3A_340, %min3A_324] : memref<2x8x4864xf32, #tpu.memory_space<vmem>>[vector<16xi32>, vector<16xi32>, vector<16xi32>], vector<16xf32>,
          tpu.vector_store_idx %arg8[%broadcast_in_dim3A_327, %broadcast_in_dim3A_340, %get3A_318], %gather3A_341 : memref<1x8x4112xf32, #tpu.memory_space<vmem>>[vector<16xi32>, vector<16xi32>, vector<16xi32>], vector<16xf32>,
          %broadcast_in_dim3A_342 = arith.constant 5 : i32
          %broadcast_in_dim3A_343 = vector.broadcast %broadcast_in_dim3A_342 : i32 to vector<16xi32>
          %gather3A_344 = tpu.vector_load_idx %arg7[%broadcast_in_dim3A_325, %broadcast_in_dim3A_343, %min3A_324] : memref<2x8x4864xf32, #tpu.memory_space<vmem>>[vector<16xi32>, vector<16xi32>, vector<16xi32>], vector<16xf32>,
          tpu.vector_store_idx %arg8[%broadcast_in_dim3A_327, %broadcast_in_dim3A_343, %get3A_318], %gather3A_344 : memref<1x8x4112xf32, #tpu.memory_space<vmem>>[vector<16xi32>, vector<16xi32>, vector<16xi32>], vector<16xf32>,
          %broadcast_in_dim3A_345 = arith.constant 6 : i32
          %broadcast_in_dim3A_346 = vector.broadcast %broadcast_in_dim3A_345 : i32 to vector<16xi32>
          %gather3A_347 = tpu.vector_load_idx %arg7[%broadcast_in_dim3A_325, %broadcast_in_dim3A_346, %min3A_324] : memref<2x8x4864xf32, #tpu.memory_space<vmem>>[vector<16xi32>, vector<16xi32>, vector<16xi32>], vector<16xf32>,
          tpu.vector_store_idx %arg8[%broadcast_in_dim3A_327, %broadcast_in_dim3A_346, %get3A_318], %gather3A_347 : memref<1x8x4112xf32, #tpu.memory_space<vmem>>[vector<16xi32>, vector<16xi32>, vector<16xi32>], vector<16xf32>,
          %broadcast_in_dim3A_348 = arith.constant 7 : i32
          %broadcast_in_dim3A_349 = vector.broadcast %broadcast_in_dim3A_348 : i32 to vector<16xi32>
          %gather3A_350 = tpu.vector_load_idx %arg7[%broadcast_in_dim3A_325, %broadcast_in_dim3A_349, %min3A_324] : memref<2x8x4864xf32, #tpu.memory_space<vmem>>[vector<16xi32>, vector<16xi32>, vector<16xi32>], vector<16xf32>,
          tpu.vector_store_idx %arg8[%broadcast_in_dim3A_327, %broadcast_in_dim3A_349, %get3A_318], %gather3A_350 : memref<1x8x4112xf32, #tpu.memory_space<vmem>>[vector<16xi32>, vector<16xi32>, vector<16xi32>], vector<16xf32>,
          %while3A_351 = arith.constant 0 : i32
          scf.yield %while3A_351 : i32
        }
        %while3A_222 = arith.constant 1 : i32
        %while3A_223 = scf.for %while3A_310 = %while3A_219 to %while3A_215 step %while3A_222 iter_args(%while3A_311 = %while3A_221) -> (i32)  : i32 {
          %mul3A_312 = arith.constant 16 : i32
          %mul3A_313 = arith.muli %while3A_310, %mul3A_312 : i32
          %add3A_314 = arith.addi %get3A_202, %mul3A_313 : i32
          %get3A_315 = arith.index_cast %add3A_314 : i32 to index
          %get3A_316 = tpu.vector_load %arg9[%get3A_315] {strides = array<i32>} : memref<4128xi32, #tpu.memory_space<vmem>>, vector<16xi32>,
          %get3A_317 = arith.index_cast %add3A_314 : i32 to index
          %get3A_318 = tpu.vector_load %arg10[%get3A_317] {strides = array<i32>} : memref<4128xi32, #tpu.memory_space<vmem>>, vector<16xi32>,
          %sub3A_319 = vector.broadcast %mul3A_200 : i32 to vector<16xi32>
          %sub3A_320 = arith.subi %get3A_316, %sub3A_319 : vector<16xi32>
          %max3A = arith.constant 0 : i32
          %max3A_321 = vector.broadcast %max3A : i32 to vector<16xi32>
          %max3A_322 = arith.maxsi %sub3A_320, %max3A_321 : vector<16xi32>
          %min3A = arith.constant 4863 : i32
          %min3A_323 = vector.broadcast %min3A : i32 to vector<16xi32>
          %min3A_324 = arith.minsi %max3A_322, %min3A_323 : vector<16xi32>
          %broadcast_in_dim3A = arith.constant 0 : i32
          %broadcast_in_dim3A_325 = vector.broadcast %broadcast_in_dim3A : i32 to vector<16xi32>
          %broadcast_in_dim3A_326 = arith.constant 0 : i32
          %broadcast_in_dim3A_327 = vector.broadcast %broadcast_in_dim3A_326 : i32 to vector<16xi32>
          %broadcast_in_dim3A_328 = arith.constant 0 : i32
          %broadcast_in_dim3A_329 = vector.broadcast %broadcast_in_dim3A_328 : i32 to vector<16xi32>
          %gather3A = tpu.vector_load_idx %arg7[%broadcast_in_dim3A_325, %broadcast_in_dim3A_329, %min3A_324] : memref<2x8x4864xf32, #tpu.memory_space<vmem>>[vector<16xi32>, vector<16xi32>, vector<16xi32>], vector<16xf32>,
          tpu.vector_store_idx %arg8[%broadcast_in_dim3A_327, %broadcast_in_dim3A_329, %get3A_318], %gather3A : memref<1x8x4112xf32, #tpu.memory_space<vmem>>[vector<16xi32>, vector<16xi32>, vector<16xi32>], vector<16xf32>,
          %broadcast_in_dim3A_330 = arith.constant 1 : i32
          %broadcast_in_dim3A_331 = vector.broadcast %broadcast_in_dim3A_330 : i32 to vector<16xi32>
          %gather3A_332 = tpu.vector_load_idx %arg7[%broadcast_in_dim3A_325, %broadcast_in_dim3A_331, %min3A_324] : memref<2x8x4864xf32, #tpu.memory_space<vmem>>[vector<16xi32>, vector<16xi32>, vector<16xi32>], vector<16xf32>,
          tpu.vector_store_idx %arg8[%broadcast_in_dim3A_327, %broadcast_in_dim3A_331, %get3A_318], %gather3A_332 : memref<1x8x4112xf32, #tpu.memory_space<vmem>>[vector<16xi32>, vector<16xi32>, vector<16xi32>], vector<16xf32>,
          %broadcast_in_dim3A_333 = arith.constant 2 : i32
          %broadcast_in_dim3A_334 = vector.broadcast %broadcast_in_dim3A_333 : i32 to vector<16xi32>
          %gather3A_335 = tpu.vector_load_idx %arg7[%broadcast_in_dim3A_325, %broadcast_in_dim3A_334, %min3A_324] : memref<2x8x4864xf32, #tpu.memory_space<vmem>>[vector<16xi32>, vector<16xi32>, vector<16xi32>], vector<16xf32>,
          tpu.vector_store_idx %arg8[%broadcast_in_dim3A_327, %broadcast_in_dim3A_334, %get3A_318], %gather3A_335 : memref<1x8x4112xf32, #tpu.memory_space<vmem>>[vector<16xi32>, vector<16xi32>, vector<16xi32>], vector<16xf32>,
          %broadcast_in_dim3A_336 = arith.constant 3 : i32
          %broadcast_in_dim3A_337 = vector.broadcast %broadcast_in_dim3A_336 : i32 to vector<16xi32>
          %gather3A_338 = tpu.vector_load_idx %arg7[%broadcast_in_dim3A_325, %broadcast_in_dim3A_337, %min3A_324] : memref<2x8x4864xf32, #tpu.memory_space<vmem>>[vector<16xi32>, vector<16xi32>, vector<16xi32>], vector<16xf32>,
          tpu.vector_store_idx %arg8[%broadcast_in_dim3A_327, %broadcast_in_dim3A_337, %get3A_318], %gather3A_338 : memref<1x8x4112xf32, #tpu.memory_space<vmem>>[vector<16xi32>, vector<16xi32>, vector<16xi32>], vector<16xf32>,
          %broadcast_in_dim3A_339 = arith.constant 4 : i32
          %broadcast_in_dim3A_340 = vector.broadcast %broadcast_in_dim3A_339 : i32 to vector<16xi32>
          %gather3A_341 = tpu.vector_load_idx %arg7[%broadcast_in_dim3A_325, %broadcast_in_dim3A_340, %min3A_324] : memref<2x8x4864xf32, #tpu.memory_space<vmem>>[vector<16xi32>, vector<16xi32>, vector<16xi32>], vector<16xf32>,
          tpu.vector_store_idx %arg8[%broadcast_in_dim3A_327, %broadcast_in_dim3A_340, %get3A_318], %gather3A_341 : memref<1x8x4112xf32, #tpu.memory_space<vmem>>[vector<16xi32>, vector<16xi32>, vector<16xi32>], vector<16xf32>,
          %broadcast_in_dim3A_342 = arith.constant 5 : i32
          %broadcast_in_dim3A_343 = vector.broadcast %broadcast_in_dim3A_342 : i32 to vector<16xi32>
          %gather3A_344 = tpu.vector_load_idx %arg7[%broadcast_in_dim3A_325, %broadcast_in_dim3A_343, %min3A_324] : memref<2x8x4864xf32, #tpu.memory_space<vmem>>[vector<16xi32>, vector<16xi32>, vector<16xi32>], vector<16xf32>,
          tpu.vector_store_idx %arg8[%broadcast_in_dim3A_327, %broadcast_in_dim3A_343, %get3A_318], %gather3A_344 : memref<1x8x4112xf32, #tpu.memory_space<vmem>>[vector<16xi32>, vector<16xi32>, vector<16xi32>], vector<16xf32>,
          %broadcast_in_dim3A_345 = arith.constant 6 : i32
          %broadcast_in_dim3A_346 = vector.broadcast %broadcast_in_dim3A_345 : i32 to vector<16xi32>
          %gather3A_347 = tpu.vector_load_idx %arg7[%broadcast_in_dim3A_325, %broadcast_in_dim3A_346, %min3A_324] : memref<2x8x4864xf32, #tpu.memory_space<vmem>>[vector<16xi32>, vector<16xi32>, vector<16xi32>], vector<16xf32>,
          tpu.vector_store_idx %arg8[%broadcast_in_dim3A_327, %broadcast_in_dim3A_346, %get3A_318], %gather3A_347 : memref<1x8x4112xf32, #tpu.memory_space<vmem>>[vector<16xi32>, vector<16xi32>, vector<16xi32>], vector<16xf32>,
          %broadcast_in_dim3A_348 = arith.constant 7 : i32
          %broadcast_in_dim3A_349 = vector.broadcast %broadcast_in_dim3A_348 : i32 to vector<16xi32>
          %gather3A_350 = tpu.vector_load_idx %arg7[%broadcast_in_dim3A_325, %broadcast_in_dim3A_349, %min3A_324] : memref<2x8x4864xf32, #tpu.memory_space<vmem>>[vector<16xi32>, vector<16xi32>, vector<16xi32>], vector<16xf32>,
          tpu.vector_store_idx %arg8[%broadcast_in_dim3A_327, %broadcast_in_dim3A_349, %get3A_318], %gather3A_350 : memref<1x8x4112xf32, #tpu.memory_space<vmem>>[vector<16xi32>, vector<16xi32>, vector<16xi32>], vector<16xf32>,
          %while3A_351 = arith.constant 0 : i32
          scf.yield %while3A_351 : i32
        }
        %mul3A_224 = arith.constant 2 : i32
        %mul3A_225 = arith.muli %mul3A_224, %scan3A_177 : i32
        %add3A_226 = arith.constant 2 : i32
        %add3A_227 = arith.addi %mul3A_225, %add3A_226 : i32
        %lt3A_228 = arith.constant 20 : i32
        %lt3A_229 = arith.cmpi slt, %add3A_227, %lt3A_228 : i32
        %convert_element_type3A_230 = arith.extui %lt3A_229 : i1 to i32
        %cond3A_231 = arith.constant 0 : i32
        %cond3A_232 = arith.cmpi ne, %convert_element_type3A_230, %cond3A_231 : i32
        scf.if %cond3A_232 {
          %mul3A_310 = arith.constant 2 : i32
          %mul3A_311 = arith.muli %mul3A_310, %scan3A_177 : i32
          %add3A_312 = arith.constant 2 : i32
          %add3A_313 = arith.addi %mul3A_311, %add3A_312 : i32
          %mul3A_314 = arith.constant 4864 : i32
          %mul3A_315 = arith.muli %add3A_313, %mul3A_314 : i32
          %dma_start3A_316 = arith.constant 0 : i32
          %dma_start3A_317 = arith.constant 0 : i32
          %dma_start3A_318 = arith.constant 0 : i32
          %dma_start3A_319 = tpu.memref_slice %arg7[%dma_start3A_316, %dma_start3A_317, %dma_start3A_318] : memref<2x8x4864xf32, #tpu.memory_space<vmem>> -> memref<1x8x4864xf32, #tpu.memory_space<vmem>>
          %dma_start3A_320 = arith.constant 0 : i32
          %dma_start3A_321 = tpu.memref_slice %arg2[%add3A_40, %dma_start3A_320, %mul3A_315] : memref<208x8x100000xf32, #tpu.memory_space<hbm>> -> memref<1x8x4864xf32, #tpu.memory_space<hbm>>
          %dma_start3A_322 = arith.constant 0 : i32
          %dma_start3A_323 = arith.constant 0 : i32
          %dma_start3A_324 = arith.constant 0 : i32
          %dma_start3A_325 = tpu.memref_slice %arg7[%dma_start3A_322, %dma_start3A_323, %dma_start3A_324] : memref<2x8x4864xf32, #tpu.memory_space<vmem>> -> memref<1x8x4864xf32, #tpu.memory_space<vmem>>
          %dma_start3A_326 = arith.constant 0 : i32
          %dma_start3A_327 = tpu.memref_slice %arg2[%add3A_40, %dma_start3A_326, %mul3A_315] : memref<208x8x100000xf32, #tpu.memory_space<hbm>> -> memref<1x8x4864xf32, #tpu.memory_space<hbm>>
          tpu.enqueue_dma source(%dma_start3A_327 : memref<1x8x4864xf32, #tpu.memory_space<hbm>>) target(%dma_start3A_325 : memref<1x8x4864xf32, #tpu.memory_space<vmem>>) target_semaphore(%arg13 : memref<!tpu.dma_semaphore, #tpu.memory_space<semaphore_mem>>)
        } else {
        }
        %mul3A_233 = arith.constant 2 : i32
        %mul3A_234 = arith.muli %mul3A_233, %scan3A_177 : i32
        %add3A_235 = arith.constant 2 : i32
        %add3A_236 = arith.addi %mul3A_234, %add3A_235 : i32
        %eq3A_237 = arith.constant 20 : i32
        %eq3A_238 = arith.cmpi eq, %add3A_236, %eq3A_237 : i32
        %convert_element_type3A_239 = arith.extui %eq3A_238 : i1 to i32
        %cond3A_240 = arith.constant 0 : i32
        %cond3A_241 = arith.cmpi ne, %convert_element_type3A_239, %cond3A_240 : i32
        scf.if %cond3A_241 {
          %dma_start3A_310 = arith.constant 0 : i32
          %dma_start3A_311 = arith.constant 0 : i32
          %dma_start3A_312 = arith.constant 0 : i32
          %dma_start3A_313 = tpu.memref_slice %arg7[%dma_start3A_310, %dma_start3A_311, %dma_start3A_312] : memref<2x8x4864xf32, #tpu.memory_space<vmem>> -> memref<1x8x2688xf32, #tpu.memory_space<vmem>>
          %dma_start3A_314 = arith.constant 0 : i32
          %dma_start3A_315 = arith.constant 97280 : i32
          %dma_start3A_316 = tpu.memref_slice %arg2[%add3A_40, %dma_start3A_314, %dma_start3A_315] : memref<208x8x100000xf32, #tpu.memory_space<hbm>> -> memref<1x8x2688xf32, #tpu.memory_space<hbm>>
          %dma_start3A_317 = arith.constant 0 : i32
          %dma_start3A_318 = arith.constant 0 : i32
          %dma_start3A_319 = arith.constant 0 : i32
          %dma_start3A_320 = tpu.memref_slice %arg7[%dma_start3A_317, %dma_start3A_318, %dma_start3A_319] : memref<2x8x4864xf32, #tpu.memory_space<vmem>> -> memref<1x8x2688xf32, #tpu.memory_space<vmem>>
          %dma_start3A_321 = arith.constant 0 : i32
          %dma_start3A_322 = arith.constant 97280 : i32
          %dma_start3A_323 = tpu.memref_slice %arg2[%add3A_40, %dma_start3A_321, %dma_start3A_322] : memref<208x8x100000xf32, #tpu.memory_space<hbm>> -> memref<1x8x2688xf32, #tpu.memory_space<hbm>>
          tpu.enqueue_dma source(%dma_start3A_323 : memref<1x8x2688xf32, #tpu.memory_space<hbm>>) target(%dma_start3A_320 : memref<1x8x2688xf32, #tpu.memory_space<vmem>>) target_semaphore(%arg13 : memref<!tpu.dma_semaphore, #tpu.memory_space<semaphore_mem>>)
        } else {
        }
        %dma_wait3A_242 = arith.constant 1 : i32
        %dma_wait3A_243 = arith.constant 0 : i32
        %dma_wait3A_244 = arith.constant 0 : i32
        %dma_wait3A_245 = tpu.memref_slice %arg7[%dma_wait3A_242, %dma_wait3A_243, %dma_wait3A_244] : memref<2x8x4864xf32, #tpu.memory_space<vmem>> -> memref<1x8x4864xf32, #tpu.memory_space<vmem>>
        %dma_wait3A_246 = arith.constant 0 : i32
        %dma_wait3A_247 = arith.constant 0 : i32
        %dma_wait3A_248 = arith.constant 0 : i32
        %dma_wait3A_249 = tpu.memref_slice %arg2[%dma_wait3A_246, %dma_wait3A_247, %dma_wait3A_248] : memref<208x8x100000xf32, #tpu.memory_space<hbm>> -> memref<1x8x4864xf32, #tpu.memory_space<hbm>>
        %dma_wait3A_250 = arith.constant 1 : i32
        %dma_wait3A_251 = arith.constant 0 : i32
        %dma_wait3A_252 = arith.constant 0 : i32
        %dma_wait3A_253 = tpu.memref_slice %arg7[%dma_wait3A_250, %dma_wait3A_251, %dma_wait3A_252] : memref<2x8x4864xf32, #tpu.memory_space<vmem>> -> memref<1x8x4864xf32, #tpu.memory_space<vmem>>
        %dma_wait3A_254 = arith.constant 0 : i32
        %dma_wait3A_255 = arith.constant 0 : i32
        %dma_wait3A_256 = arith.constant 0 : i32
        %dma_wait3A_257 = tpu.memref_slice %arg2[%dma_wait3A_254, %dma_wait3A_255, %dma_wait3A_256] : memref<208x8x100000xf32, #tpu.memory_space<hbm>> -> memref<1x8x4864xf32, #tpu.memory_space<hbm>>
        tpu.wait_dma2 semaphore(%arg14 : memref<!tpu.dma_semaphore, #tpu.memory_space<semaphore_mem>>) src(%dma_wait3A_257 : memref<1x8x4864xf32, #tpu.memory_space<hbm>>) dst(%dma_wait3A_253 : memref<1x8x4864xf32, #tpu.memory_space<vmem>>)
        %mul3A_258 = arith.constant 2 : i32
        %mul3A_259 = arith.muli %mul3A_258, %scan3A_177 : i32
        %add3A_260 = arith.constant 1 : i32
        %add3A_261 = arith.addi %mul3A_259, %add3A_260 : i32
        %mul3A_262 = arith.constant 2 : i32
        %mul3A_263 = arith.muli %mul3A_262, %scan3A_177 : i32
        %add3A_264 = arith.constant 1 : i32
        %add3A_265 = arith.addi %mul3A_263, %add3A_264 : i32
        %mul3A_266 = arith.constant 4864 : i32
        %mul3A_267 = arith.muli %add3A_265, %mul3A_266 : i32
        %get3A_268 = arith.index_cast %add3A_261 : i32 to index
        %get3A_269 = memref.load %arg11[%get3A_268] : memref<64xi32, #tpu.memory_space<smem>>
        %add3A_270 = arith.constant 1 : i32
        %add3A_271 = arith.addi %add3A_261, %add3A_270 : i32
        %get3A_272 = arith.index_cast %add3A_271 : i32 to index
        %get3A_273 = memref.load %arg11[%get3A_272] : memref<64xi32, #tpu.memory_space<smem>>
        %sub3A_274 = arith.subi %get3A_273, %get3A_269 : i32
        %add3A_275 = arith.constant 15 : i32
        %add3A_276 = arith.addi %sub3A_274, %add3A_275 : i32
        %div3A_277 = arith.constant 16 : i32
        %div3A_278 = arith.divsi %add3A_276, %div3A_277 : i32
        %while3A_279 = arith.constant 0 : i32
        %while3A_280 = arith.constant 0 : i32
        %while3A_281 = arith.subi %div3A_278, %while3A_279 : i32
        %while3A_282 = arith.addi %while3A_279, %while3A_281 : i32
        %while3A_283 = arith.constant 1 : i32
        %while3A_284 = arith.divsi %while3A_281, %while3A_283 : i32
        %while3A_285 = arith.muli %while3A_284, %while3A_283 : i32
        %while3A_286 = arith.addi %while3A_279, %while3A_285 : i32
        %while3A_287 = arith.constant 1 : i32
        %while3A_288 = scf.for %while3A_310 = %while3A_279 to %while3A_286 step %while3A_287 iter_args(%while3A_311 = %while3A_280) -> (i32)  : i32 {
          %mul3A_312 = arith.constant 16 : i32
          %mul3A_313 = arith.muli %while3A_310, %mul3A_312 : i32
          %add3A_314 = arith.addi %get3A_269, %mul3A_313 : i32
          %get3A_315 = arith.index_cast %add3A_314 : i32 to index
          %get3A_316 = tpu.vector_load %arg9[%get3A_315] {strides = array<i32>} : memref<4128xi32, #tpu.memory_space<vmem>>, vector<16xi32>,
          %get3A_317 = arith.index_cast %add3A_314 : i32 to index
          %get3A_318 = tpu.vector_load %arg10[%get3A_317] {strides = array<i32>} : memref<4128xi32, #tpu.memory_space<vmem>>, vector<16xi32>,
          %sub3A_319 = vector.broadcast %mul3A_267 : i32 to vector<16xi32>
          %sub3A_320 = arith.subi %get3A_316, %sub3A_319 : vector<16xi32>
          %max3A = arith.constant 0 : i32
          %max3A_321 = vector.broadcast %max3A : i32 to vector<16xi32>
          %max3A_322 = arith.maxsi %sub3A_320, %max3A_321 : vector<16xi32>
          %min3A = arith.constant 4863 : i32
          %min3A_323 = vector.broadcast %min3A : i32 to vector<16xi32>
          %min3A_324 = arith.minsi %max3A_322, %min3A_323 : vector<16xi32>
          %broadcast_in_dim3A = arith.constant 1 : i32
          %broadcast_in_dim3A_325 = vector.broadcast %broadcast_in_dim3A : i32 to vector<16xi32>
          %broadcast_in_dim3A_326 = arith.constant 0 : i32
          %broadcast_in_dim3A_327 = vector.broadcast %broadcast_in_dim3A_326 : i32 to vector<16xi32>
          %broadcast_in_dim3A_328 = arith.constant 0 : i32
          %broadcast_in_dim3A_329 = vector.broadcast %broadcast_in_dim3A_328 : i32 to vector<16xi32>
          %gather3A = tpu.vector_load_idx %arg7[%broadcast_in_dim3A_325, %broadcast_in_dim3A_329, %min3A_324] : memref<2x8x4864xf32, #tpu.memory_space<vmem>>[vector<16xi32>, vector<16xi32>, vector<16xi32>], vector<16xf32>,
          tpu.vector_store_idx %arg8[%broadcast_in_dim3A_327, %broadcast_in_dim3A_329, %get3A_318], %gather3A : memref<1x8x4112xf32, #tpu.memory_space<vmem>>[vector<16xi32>, vector<16xi32>, vector<16xi32>], vector<16xf32>,
          %broadcast_in_dim3A_330 = arith.constant 1 : i32
          %broadcast_in_dim3A_331 = vector.broadcast %broadcast_in_dim3A_330 : i32 to vector<16xi32>
          %gather3A_332 = tpu.vector_load_idx %arg7[%broadcast_in_dim3A_325, %broadcast_in_dim3A_331, %min3A_324] : memref<2x8x4864xf32, #tpu.memory_space<vmem>>[vector<16xi32>, vector<16xi32>, vector<16xi32>], vector<16xf32>,
          tpu.vector_store_idx %arg8[%broadcast_in_dim3A_327, %broadcast_in_dim3A_331, %get3A_318], %gather3A_332 : memref<1x8x4112xf32, #tpu.memory_space<vmem>>[vector<16xi32>, vector<16xi32>, vector<16xi32>], vector<16xf32>,
          %broadcast_in_dim3A_333 = arith.constant 2 : i32
          %broadcast_in_dim3A_334 = vector.broadcast %broadcast_in_dim3A_333 : i32 to vector<16xi32>
          %gather3A_335 = tpu.vector_load_idx %arg7[%broadcast_in_dim3A_325, %broadcast_in_dim3A_334, %min3A_324] : memref<2x8x4864xf32, #tpu.memory_space<vmem>>[vector<16xi32>, vector<16xi32>, vector<16xi32>], vector<16xf32>,
          tpu.vector_store_idx %arg8[%broadcast_in_dim3A_327, %broadcast_in_dim3A_334, %get3A_318], %gather3A_335 : memref<1x8x4112xf32, #tpu.memory_space<vmem>>[vector<16xi32>, vector<16xi32>, vector<16xi32>], vector<16xf32>,
          %broadcast_in_dim3A_336 = arith.constant 3 : i32
          %broadcast_in_dim3A_337 = vector.broadcast %broadcast_in_dim3A_336 : i32 to vector<16xi32>
          %gather3A_338 = tpu.vector_load_idx %arg7[%broadcast_in_dim3A_325, %broadcast_in_dim3A_337, %min3A_324] : memref<2x8x4864xf32, #tpu.memory_space<vmem>>[vector<16xi32>, vector<16xi32>, vector<16xi32>], vector<16xf32>,
          tpu.vector_store_idx %arg8[%broadcast_in_dim3A_327, %broadcast_in_dim3A_337, %get3A_318], %gather3A_338 : memref<1x8x4112xf32, #tpu.memory_space<vmem>>[vector<16xi32>, vector<16xi32>, vector<16xi32>], vector<16xf32>,
          %broadcast_in_dim3A_339 = arith.constant 4 : i32
          %broadcast_in_dim3A_340 = vector.broadcast %broadcast_in_dim3A_339 : i32 to vector<16xi32>
          %gather3A_341 = tpu.vector_load_idx %arg7[%broadcast_in_dim3A_325, %broadcast_in_dim3A_340, %min3A_324] : memref<2x8x4864xf32, #tpu.memory_space<vmem>>[vector<16xi32>, vector<16xi32>, vector<16xi32>], vector<16xf32>,
          tpu.vector_store_idx %arg8[%broadcast_in_dim3A_327, %broadcast_in_dim3A_340, %get3A_318], %gather3A_341 : memref<1x8x4112xf32, #tpu.memory_space<vmem>>[vector<16xi32>, vector<16xi32>, vector<16xi32>], vector<16xf32>,
          %broadcast_in_dim3A_342 = arith.constant 5 : i32
          %broadcast_in_dim3A_343 = vector.broadcast %broadcast_in_dim3A_342 : i32 to vector<16xi32>
          %gather3A_344 = tpu.vector_load_idx %arg7[%broadcast_in_dim3A_325, %broadcast_in_dim3A_343, %min3A_324] : memref<2x8x4864xf32, #tpu.memory_space<vmem>>[vector<16xi32>, vector<16xi32>, vector<16xi32>], vector<16xf32>,
          tpu.vector_store_idx %arg8[%broadcast_in_dim3A_327, %broadcast_in_dim3A_343, %get3A_318], %gather3A_344 : memref<1x8x4112xf32, #tpu.memory_space<vmem>>[vector<16xi32>, vector<16xi32>, vector<16xi32>], vector<16xf32>,
          %broadcast_in_dim3A_345 = arith.constant 6 : i32
          %broadcast_in_dim3A_346 = vector.broadcast %broadcast_in_dim3A_345 : i32 to vector<16xi32>
          %gather3A_347 = tpu.vector_load_idx %arg7[%broadcast_in_dim3A_325, %broadcast_in_dim3A_346, %min3A_324] : memref<2x8x4864xf32, #tpu.memory_space<vmem>>[vector<16xi32>, vector<16xi32>, vector<16xi32>], vector<16xf32>,
          tpu.vector_store_idx %arg8[%broadcast_in_dim3A_327, %broadcast_in_dim3A_346, %get3A_318], %gather3A_347 : memref<1x8x4112xf32, #tpu.memory_space<vmem>>[vector<16xi32>, vector<16xi32>, vector<16xi32>], vector<16xf32>,
          %broadcast_in_dim3A_348 = arith.constant 7 : i32
          %broadcast_in_dim3A_349 = vector.broadcast %broadcast_in_dim3A_348 : i32 to vector<16xi32>
          %gather3A_350 = tpu.vector_load_idx %arg7[%broadcast_in_dim3A_325, %broadcast_in_dim3A_349, %min3A_324] : memref<2x8x4864xf32, #tpu.memory_space<vmem>>[vector<16xi32>, vector<16xi32>, vector<16xi32>], vector<16xf32>,
          tpu.vector_store_idx %arg8[%broadcast_in_dim3A_327, %broadcast_in_dim3A_349, %get3A_318], %gather3A_350 : memref<1x8x4112xf32, #tpu.memory_space<vmem>>[vector<16xi32>, vector<16xi32>, vector<16xi32>], vector<16xf32>,
          %while3A_351 = arith.constant 0 : i32
          scf.yield %while3A_351 : i32
        }
        %while3A_289 = arith.constant 1 : i32
        %while3A_290 = scf.for %while3A_310 = %while3A_286 to %while3A_282 step %while3A_289 iter_args(%while3A_311 = %while3A_288) -> (i32)  : i32 {
          %mul3A_312 = arith.constant 16 : i32
          %mul3A_313 = arith.muli %while3A_310, %mul3A_312 : i32
          %add3A_314 = arith.addi %get3A_269, %mul3A_313 : i32
          %get3A_315 = arith.index_cast %add3A_314 : i32 to index
          %get3A_316 = tpu.vector_load %arg9[%get3A_315] {strides = array<i32>} : memref<4128xi32, #tpu.memory_space<vmem>>, vector<16xi32>,
          %get3A_317 = arith.index_cast %add3A_314 : i32 to index
          %get3A_318 = tpu.vector_load %arg10[%get3A_317] {strides = array<i32>} : memref<4128xi32, #tpu.memory_space<vmem>>, vector<16xi32>,
          %sub3A_319 = vector.broadcast %mul3A_267 : i32 to vector<16xi32>
          %sub3A_320 = arith.subi %get3A_316, %sub3A_319 : vector<16xi32>
          %max3A = arith.constant 0 : i32
          %max3A_321 = vector.broadcast %max3A : i32 to vector<16xi32>
          %max3A_322 = arith.maxsi %sub3A_320, %max3A_321 : vector<16xi32>
          %min3A = arith.constant 4863 : i32
          %min3A_323 = vector.broadcast %min3A : i32 to vector<16xi32>
          %min3A_324 = arith.minsi %max3A_322, %min3A_323 : vector<16xi32>
          %broadcast_in_dim3A = arith.constant 1 : i32
          %broadcast_in_dim3A_325 = vector.broadcast %broadcast_in_dim3A : i32 to vector<16xi32>
          %broadcast_in_dim3A_326 = arith.constant 0 : i32
          %broadcast_in_dim3A_327 = vector.broadcast %broadcast_in_dim3A_326 : i32 to vector<16xi32>
          %broadcast_in_dim3A_328 = arith.constant 0 : i32
          %broadcast_in_dim3A_329 = vector.broadcast %broadcast_in_dim3A_328 : i32 to vector<16xi32>
          %gather3A = tpu.vector_load_idx %arg7[%broadcast_in_dim3A_325, %broadcast_in_dim3A_329, %min3A_324] : memref<2x8x4864xf32, #tpu.memory_space<vmem>>[vector<16xi32>, vector<16xi32>, vector<16xi32>], vector<16xf32>,
          tpu.vector_store_idx %arg8[%broadcast_in_dim3A_327, %broadcast_in_dim3A_329, %get3A_318], %gather3A : memref<1x8x4112xf32, #tpu.memory_space<vmem>>[vector<16xi32>, vector<16xi32>, vector<16xi32>], vector<16xf32>,
          %broadcast_in_dim3A_330 = arith.constant 1 : i32
          %broadcast_in_dim3A_331 = vector.broadcast %broadcast_in_dim3A_330 : i32 to vector<16xi32>
          %gather3A_332 = tpu.vector_load_idx %arg7[%broadcast_in_dim3A_325, %broadcast_in_dim3A_331, %min3A_324] : memref<2x8x4864xf32, #tpu.memory_space<vmem>>[vector<16xi32>, vector<16xi32>, vector<16xi32>], vector<16xf32>,
          tpu.vector_store_idx %arg8[%broadcast_in_dim3A_327, %broadcast_in_dim3A_331, %get3A_318], %gather3A_332 : memref<1x8x4112xf32, #tpu.memory_space<vmem>>[vector<16xi32>, vector<16xi32>, vector<16xi32>], vector<16xf32>,
          %broadcast_in_dim3A_333 = arith.constant 2 : i32
          %broadcast_in_dim3A_334 = vector.broadcast %broadcast_in_dim3A_333 : i32 to vector<16xi32>
          %gather3A_335 = tpu.vector_load_idx %arg7[%broadcast_in_dim3A_325, %broadcast_in_dim3A_334, %min3A_324] : memref<2x8x4864xf32, #tpu.memory_space<vmem>>[vector<16xi32>, vector<16xi32>, vector<16xi32>], vector<16xf32>,
          tpu.vector_store_idx %arg8[%broadcast_in_dim3A_327, %broadcast_in_dim3A_334, %get3A_318], %gather3A_335 : memref<1x8x4112xf32, #tpu.memory_space<vmem>>[vector<16xi32>, vector<16xi32>, vector<16xi32>], vector<16xf32>,
          %broadcast_in_dim3A_336 = arith.constant 3 : i32
          %broadcast_in_dim3A_337 = vector.broadcast %broadcast_in_dim3A_336 : i32 to vector<16xi32>
          %gather3A_338 = tpu.vector_load_idx %arg7[%broadcast_in_dim3A_325, %broadcast_in_dim3A_337, %min3A_324] : memref<2x8x4864xf32, #tpu.memory_space<vmem>>[vector<16xi32>, vector<16xi32>, vector<16xi32>], vector<16xf32>,
          tpu.vector_store_idx %arg8[%broadcast_in_dim3A_327, %broadcast_in_dim3A_337, %get3A_318], %gather3A_338 : memref<1x8x4112xf32, #tpu.memory_space<vmem>>[vector<16xi32>, vector<16xi32>, vector<16xi32>], vector<16xf32>,
          %broadcast_in_dim3A_339 = arith.constant 4 : i32
          %broadcast_in_dim3A_340 = vector.broadcast %broadcast_in_dim3A_339 : i32 to vector<16xi32>
          %gather3A_341 = tpu.vector_load_idx %arg7[%broadcast_in_dim3A_325, %broadcast_in_dim3A_340, %min3A_324] : memref<2x8x4864xf32, #tpu.memory_space<vmem>>[vector<16xi32>, vector<16xi32>, vector<16xi32>], vector<16xf32>,
          tpu.vector_store_idx %arg8[%broadcast_in_dim3A_327, %broadcast_in_dim3A_340, %get3A_318], %gather3A_341 : memref<1x8x4112xf32, #tpu.memory_space<vmem>>[vector<16xi32>, vector<16xi32>, vector<16xi32>], vector<16xf32>,
          %broadcast_in_dim3A_342 = arith.constant 5 : i32
          %broadcast_in_dim3A_343 = vector.broadcast %broadcast_in_dim3A_342 : i32 to vector<16xi32>
          %gather3A_344 = tpu.vector_load_idx %arg7[%broadcast_in_dim3A_325, %broadcast_in_dim3A_343, %min3A_324] : memref<2x8x4864xf32, #tpu.memory_space<vmem>>[vector<16xi32>, vector<16xi32>, vector<16xi32>], vector<16xf32>,
          tpu.vector_store_idx %arg8[%broadcast_in_dim3A_327, %broadcast_in_dim3A_343, %get3A_318], %gather3A_344 : memref<1x8x4112xf32, #tpu.memory_space<vmem>>[vector<16xi32>, vector<16xi32>, vector<16xi32>], vector<16xf32>,
          %broadcast_in_dim3A_345 = arith.constant 6 : i32
          %broadcast_in_dim3A_346 = vector.broadcast %broadcast_in_dim3A_345 : i32 to vector<16xi32>
          %gather3A_347 = tpu.vector_load_idx %arg7[%broadcast_in_dim3A_325, %broadcast_in_dim3A_346, %min3A_324] : memref<2x8x4864xf32, #tpu.memory_space<vmem>>[vector<16xi32>, vector<16xi32>, vector<16xi32>], vector<16xf32>,
          tpu.vector_store_idx %arg8[%broadcast_in_dim3A_327, %broadcast_in_dim3A_346, %get3A_318], %gather3A_347 : memref<1x8x4112xf32, #tpu.memory_space<vmem>>[vector<16xi32>, vector<16xi32>, vector<16xi32>], vector<16xf32>,
          %broadcast_in_dim3A_348 = arith.constant 7 : i32
          %broadcast_in_dim3A_349 = vector.broadcast %broadcast_in_dim3A_348 : i32 to vector<16xi32>
          %gather3A_350 = tpu.vector_load_idx %arg7[%broadcast_in_dim3A_325, %broadcast_in_dim3A_349, %min3A_324] : memref<2x8x4864xf32, #tpu.memory_space<vmem>>[vector<16xi32>, vector<16xi32>, vector<16xi32>], vector<16xf32>,
          tpu.vector_store_idx %arg8[%broadcast_in_dim3A_327, %broadcast_in_dim3A_349, %get3A_318], %gather3A_350 : memref<1x8x4112xf32, #tpu.memory_space<vmem>>[vector<16xi32>, vector<16xi32>, vector<16xi32>], vector<16xf32>,
          %while3A_351 = arith.constant 0 : i32
          scf.yield %while3A_351 : i32
        }
        %mul3A_291 = arith.constant 2 : i32
        %mul3A_292 = arith.muli %mul3A_291, %scan3A_177 : i32
        %add3A_293 = arith.constant 3 : i32
        %add3A_294 = arith.addi %mul3A_292, %add3A_293 : i32
        %lt3A_295 = arith.constant 20 : i32
        %lt3A_296 = arith.cmpi slt, %add3A_294, %lt3A_295 : i32
        %convert_element_type3A_297 = arith.extui %lt3A_296 : i1 to i32
        %cond3A_298 = arith.constant 0 : i32
        %cond3A_299 = arith.cmpi ne, %convert_element_type3A_297, %cond3A_298 : i32
        scf.if %cond3A_299 {
          %mul3A_310 = arith.constant 2 : i32
          %mul3A_311 = arith.muli %mul3A_310, %scan3A_177 : i32
          %add3A_312 = arith.constant 3 : i32
          %add3A_313 = arith.addi %mul3A_311, %add3A_312 : i32
          %mul3A_314 = arith.constant 4864 : i32
          %mul3A_315 = arith.muli %add3A_313, %mul3A_314 : i32
          %dma_start3A_316 = arith.constant 1 : i32
          %dma_start3A_317 = arith.constant 0 : i32
          %dma_start3A_318 = arith.constant 0 : i32
          %dma_start3A_319 = tpu.memref_slice %arg7[%dma_start3A_316, %dma_start3A_317, %dma_start3A_318] : memref<2x8x4864xf32, #tpu.memory_space<vmem>> -> memref<1x8x4864xf32, #tpu.memory_space<vmem>>
          %dma_start3A_320 = arith.constant 0 : i32
          %dma_start3A_321 = tpu.memref_slice %arg2[%add3A_40, %dma_start3A_320, %mul3A_315] : memref<208x8x100000xf32, #tpu.memory_space<hbm>> -> memref<1x8x4864xf32, #tpu.memory_space<hbm>>
          %dma_start3A_322 = arith.constant 1 : i32
          %dma_start3A_323 = arith.constant 0 : i32
          %dma_start3A_324 = arith.constant 0 : i32
          %dma_start3A_325 = tpu.memref_slice %arg7[%dma_start3A_322, %dma_start3A_323, %dma_start3A_324] : memref<2x8x4864xf32, #tpu.memory_space<vmem>> -> memref<1x8x4864xf32, #tpu.memory_space<vmem>>
          %dma_start3A_326 = arith.constant 0 : i32
          %dma_start3A_327 = tpu.memref_slice %arg2[%add3A_40, %dma_start3A_326, %mul3A_315] : memref<208x8x100000xf32, #tpu.memory_space<hbm>> -> memref<1x8x4864xf32, #tpu.memory_space<hbm>>
          tpu.enqueue_dma source(%dma_start3A_327 : memref<1x8x4864xf32, #tpu.memory_space<hbm>>) target(%dma_start3A_325 : memref<1x8x4864xf32, #tpu.memory_space<vmem>>) target_semaphore(%arg14 : memref<!tpu.dma_semaphore, #tpu.memory_space<semaphore_mem>>)
        } else {
        }
        %mul3A_300 = arith.constant 2 : i32
        %mul3A_301 = arith.muli %mul3A_300, %scan3A_177 : i32
        %add3A_302 = arith.constant 3 : i32
        %add3A_303 = arith.addi %mul3A_301, %add3A_302 : i32
        %eq3A_304 = arith.constant 21 : i32
        %eq3A_305 = arith.cmpi eq, %add3A_303, %eq3A_304 : i32
        %convert_element_type3A_306 = arith.extui %eq3A_305 : i1 to i32
        %cond3A_307 = arith.constant 0 : i32
        %cond3A_308 = arith.cmpi ne, %convert_element_type3A_306, %cond3A_307 : i32
        scf.if %cond3A_308 {
          %dma_start3A_310 = arith.constant 1 : i32
          %dma_start3A_311 = arith.constant 0 : i32
          %dma_start3A_312 = arith.constant 0 : i32
          %dma_start3A_313 = tpu.memref_slice %arg7[%dma_start3A_310, %dma_start3A_311, %dma_start3A_312] : memref<2x8x4864xf32, #tpu.memory_space<vmem>> -> memref<1x8x128xf32, #tpu.memory_space<vmem>>
          %dma_start3A_314 = arith.constant 0 : i32
          %dma_start3A_315 = arith.constant 0 : i32
          %dma_start3A_316 = tpu.memref_slice %arg4[%add3A_40, %dma_start3A_314, %dma_start3A_315] : memref<208x8x128xf32, #tpu.memory_space<hbm>> -> memref<1x8x128xf32, #tpu.memory_space<hbm>>
          %dma_start3A_317 = arith.constant 1 : i32
          %dma_start3A_318 = arith.constant 0 : i32
          %dma_start3A_319 = arith.constant 0 : i32
          %dma_start3A_320 = tpu.memref_slice %arg7[%dma_start3A_317, %dma_start3A_318, %dma_start3A_319] : memref<2x8x4864xf32, #tpu.memory_space<vmem>> -> memref<1x8x128xf32, #tpu.memory_space<vmem>>
          %dma_start3A_321 = arith.constant 0 : i32
          %dma_start3A_322 = arith.constant 0 : i32
          %dma_start3A_323 = tpu.memref_slice %arg4[%add3A_40, %dma_start3A_321, %dma_start3A_322] : memref<208x8x128xf32, #tpu.memory_space<hbm>> -> memref<1x8x128xf32, #tpu.memory_space<hbm>>
          tpu.enqueue_dma source(%dma_start3A_323 : memref<1x8x128xf32, #tpu.memory_space<hbm>>) target(%dma_start3A_320 : memref<1x8x128xf32, #tpu.memory_space<vmem>>) target_semaphore(%arg14 : memref<!tpu.dma_semaphore, #tpu.memory_space<semaphore_mem>>)
        } else {
        }
        %scan3A_309 = arith.constant 0 : i32
        scf.yield %scan3A_309 : i32
      }
      %scan3A_74 = arith.constant 10 : i32
      %dma_wait3A_75 = arith.constant 0 : i32
      %dma_wait3A_76 = arith.constant 0 : i32
      %dma_wait3A_77 = arith.constant 0 : i32
      %dma_wait3A_78 = tpu.memref_slice %arg7[%dma_wait3A_75, %dma_wait3A_76, %dma_wait3A_77] : memref<2x8x4864xf32, #tpu.memory_space<vmem>> -> memref<1x8x2688xf32, #tpu.memory_space<vmem>>
      %dma_wait3A_79 = arith.constant 0 : i32
      %dma_wait3A_80 = arith.constant 0 : i32
      %dma_wait3A_81 = arith.constant 0 : i32
      %dma_wait3A_82 = tpu.memref_slice %arg2[%dma_wait3A_79, %dma_wait3A_80, %dma_wait3A_81] : memref<208x8x100000xf32, #tpu.memory_space<hbm>> -> memref<1x8x2688xf32, #tpu.memory_space<hbm>>
      %dma_wait3A_83 = arith.constant 0 : i32
      %dma_wait3A_84 = arith.constant 0 : i32
      %dma_wait3A_85 = arith.constant 0 : i32
      %dma_wait3A_86 = tpu.memref_slice %arg7[%dma_wait3A_83, %dma_wait3A_84, %dma_wait3A_85] : memref<2x8x4864xf32, #tpu.memory_space<vmem>> -> memref<1x8x2688xf32, #tpu.memory_space<vmem>>
      %dma_wait3A_87 = arith.constant 0 : i32
      %dma_wait3A_88 = arith.constant 0 : i32
      %dma_wait3A_89 = arith.constant 0 : i32
      %dma_wait3A_90 = tpu.memref_slice %arg2[%dma_wait3A_87, %dma_wait3A_88, %dma_wait3A_89] : memref<208x8x100000xf32, #tpu.memory_space<hbm>> -> memref<1x8x2688xf32, #tpu.memory_space<hbm>>
      tpu.wait_dma2 semaphore(%arg13 : memref<!tpu.dma_semaphore, #tpu.memory_space<semaphore_mem>>) src(%dma_wait3A_90 : memref<1x8x2688xf32, #tpu.memory_space<hbm>>) dst(%dma_wait3A_86 : memref<1x8x2688xf32, #tpu.memory_space<vmem>>)
      %get3A = arith.constant 20 : i32
      %get3A_91 = arith.index_cast %get3A : i32 to index
      %get3A_92 = memref.load %arg11[%get3A_91] : memref<64xi32, #tpu.memory_space<smem>>
      %get3A_93 = arith.constant 21 : i32
      %get3A_94 = arith.index_cast %get3A_93 : i32 to index
      %get3A_95 = memref.load %arg11[%get3A_94] : memref<64xi32, #tpu.memory_space<smem>>
      %sub3A_96 = arith.subi %get3A_95, %get3A_92 : i32
      %add3A_97 = arith.constant 15 : i32
      %add3A_98 = arith.addi %sub3A_96, %add3A_97 : i32
      %div3A_99 = arith.constant 16 : i32
      %div3A_100 = arith.divsi %add3A_98, %div3A_99 : i32
      %while3A_101 = arith.constant 0 : i32
      %while3A_102 = arith.constant 0 : i32
      %while3A_103 = arith.subi %div3A_100, %while3A_101 : i32
      %while3A_104 = arith.addi %while3A_101, %while3A_103 : i32
      %while3A_105 = arith.constant 1 : i32
      %while3A_106 = arith.divsi %while3A_103, %while3A_105 : i32
      %while3A_107 = arith.muli %while3A_106, %while3A_105 : i32
      %while3A_108 = arith.addi %while3A_101, %while3A_107 : i32
      %while3A_109 = arith.constant 1 : i32
      %while3A_110 = scf.for %while3A_177 = %while3A_101 to %while3A_108 step %while3A_109 iter_args(%while3A_178 = %while3A_102) -> (i32)  : i32 {
        %mul3A_179 = arith.constant 16 : i32
        %mul3A_180 = arith.muli %while3A_177, %mul3A_179 : i32
        %add3A_181 = arith.addi %get3A_92, %mul3A_180 : i32
        %get3A_182 = arith.index_cast %add3A_181 : i32 to index
        %get3A_183 = tpu.vector_load %arg9[%get3A_182] {strides = array<i32>} : memref<4128xi32, #tpu.memory_space<vmem>>, vector<16xi32>,
        %get3A_184 = arith.index_cast %add3A_181 : i32 to index
        %get3A_185 = tpu.vector_load %arg10[%get3A_184] {strides = array<i32>} : memref<4128xi32, #tpu.memory_space<vmem>>, vector<16xi32>,
        %sub3A_186 = arith.constant 97280 : i32
        %sub3A_187 = vector.broadcast %sub3A_186 : i32 to vector<16xi32>
        %sub3A_188 = arith.subi %get3A_183, %sub3A_187 : vector<16xi32>
        %max3A = arith.constant 0 : i32
        %max3A_189 = vector.broadcast %max3A : i32 to vector<16xi32>
        %max3A_190 = arith.maxsi %sub3A_188, %max3A_189 : vector<16xi32>
        %min3A = arith.constant 4863 : i32
        %min3A_191 = vector.broadcast %min3A : i32 to vector<16xi32>
        %min3A_192 = arith.minsi %max3A_190, %min3A_191 : vector<16xi32>
        %broadcast_in_dim3A = arith.constant 0 : i32
        %broadcast_in_dim3A_193 = vector.broadcast %broadcast_in_dim3A : i32 to vector<16xi32>
        %broadcast_in_dim3A_194 = arith.constant 0 : i32
        %broadcast_in_dim3A_195 = vector.broadcast %broadcast_in_dim3A_194 : i32 to vector<16xi32>
        %broadcast_in_dim3A_196 = arith.constant 0 : i32
        %broadcast_in_dim3A_197 = vector.broadcast %broadcast_in_dim3A_196 : i32 to vector<16xi32>
        %gather3A = tpu.vector_load_idx %arg7[%broadcast_in_dim3A_193, %broadcast_in_dim3A_197, %min3A_192] : memref<2x8x4864xf32, #tpu.memory_space<vmem>>[vector<16xi32>, vector<16xi32>, vector<16xi32>], vector<16xf32>,
        tpu.vector_store_idx %arg8[%broadcast_in_dim3A_195, %broadcast_in_dim3A_197, %get3A_185], %gather3A : memref<1x8x4112xf32, #tpu.memory_space<vmem>>[vector<16xi32>, vector<16xi32>, vector<16xi32>], vector<16xf32>,
        %broadcast_in_dim3A_198 = arith.constant 1 : i32
        %broadcast_in_dim3A_199 = vector.broadcast %broadcast_in_dim3A_198 : i32 to vector<16xi32>
        %gather3A_200 = tpu.vector_load_idx %arg7[%broadcast_in_dim3A_193, %broadcast_in_dim3A_199, %min3A_192] : memref<2x8x4864xf32, #tpu.memory_space<vmem>>[vector<16xi32>, vector<16xi32>, vector<16xi32>], vector<16xf32>,
        tpu.vector_store_idx %arg8[%broadcast_in_dim3A_195, %broadcast_in_dim3A_199, %get3A_185], %gather3A_200 : memref<1x8x4112xf32, #tpu.memory_space<vmem>>[vector<16xi32>, vector<16xi32>, vector<16xi32>], vector<16xf32>,
        %broadcast_in_dim3A_201 = arith.constant 2 : i32
        %broadcast_in_dim3A_202 = vector.broadcast %broadcast_in_dim3A_201 : i32 to vector<16xi32>
        %gather3A_203 = tpu.vector_load_idx %arg7[%broadcast_in_dim3A_193, %broadcast_in_dim3A_202, %min3A_192] : memref<2x8x4864xf32, #tpu.memory_space<vmem>>[vector<16xi32>, vector<16xi32>, vector<16xi32>], vector<16xf32>,
        tpu.vector_store_idx %arg8[%broadcast_in_dim3A_195, %broadcast_in_dim3A_202, %get3A_185], %gather3A_203 : memref<1x8x4112xf32, #tpu.memory_space<vmem>>[vector<16xi32>, vector<16xi32>, vector<16xi32>], vector<16xf32>,
        %broadcast_in_dim3A_204 = arith.constant 3 : i32
        %broadcast_in_dim3A_205 = vector.broadcast %broadcast_in_dim3A_204 : i32 to vector<16xi32>
        %gather3A_206 = tpu.vector_load_idx %arg7[%broadcast_in_dim3A_193, %broadcast_in_dim3A_205, %min3A_192] : memref<2x8x4864xf32, #tpu.memory_space<vmem>>[vector<16xi32>, vector<16xi32>, vector<16xi32>], vector<16xf32>,
        tpu.vector_store_idx %arg8[%broadcast_in_dim3A_195, %broadcast_in_dim3A_205, %get3A_185], %gather3A_206 : memref<1x8x4112xf32, #tpu.memory_space<vmem>>[vector<16xi32>, vector<16xi32>, vector<16xi32>], vector<16xf32>,
        %broadcast_in_dim3A_207 = arith.constant 4 : i32
        %broadcast_in_dim3A_208 = vector.broadcast %broadcast_in_dim3A_207 : i32 to vector<16xi32>
        %gather3A_209 = tpu.vector_load_idx %arg7[%broadcast_in_dim3A_193, %broadcast_in_dim3A_208, %min3A_192] : memref<2x8x4864xf32, #tpu.memory_space<vmem>>[vector<16xi32>, vector<16xi32>, vector<16xi32>], vector<16xf32>,
        tpu.vector_store_idx %arg8[%broadcast_in_dim3A_195, %broadcast_in_dim3A_208, %get3A_185], %gather3A_209 : memref<1x8x4112xf32, #tpu.memory_space<vmem>>[vector<16xi32>, vector<16xi32>, vector<16xi32>], vector<16xf32>,
        %broadcast_in_dim3A_210 = arith.constant 5 : i32
        %broadcast_in_dim3A_211 = vector.broadcast %broadcast_in_dim3A_210 : i32 to vector<16xi32>
        %gather3A_212 = tpu.vector_load_idx %arg7[%broadcast_in_dim3A_193, %broadcast_in_dim3A_211, %min3A_192] : memref<2x8x4864xf32, #tpu.memory_space<vmem>>[vector<16xi32>, vector<16xi32>, vector<16xi32>], vector<16xf32>,
        tpu.vector_store_idx %arg8[%broadcast_in_dim3A_195, %broadcast_in_dim3A_211, %get3A_185], %gather3A_212 : memref<1x8x4112xf32, #tpu.memory_space<vmem>>[vector<16xi32>, vector<16xi32>, vector<16xi32>], vector<16xf32>,
        %broadcast_in_dim3A_213 = arith.constant 6 : i32
        %broadcast_in_dim3A_214 = vector.broadcast %broadcast_in_dim3A_213 : i32 to vector<16xi32>
        %gather3A_215 = tpu.vector_load_idx %arg7[%broadcast_in_dim3A_193, %broadcast_in_dim3A_214, %min3A_192] : memref<2x8x4864xf32, #tpu.memory_space<vmem>>[vector<16xi32>, vector<16xi32>, vector<16xi32>], vector<16xf32>,
        tpu.vector_store_idx %arg8[%broadcast_in_dim3A_195, %broadcast_in_dim3A_214, %get3A_185], %gather3A_215 : memref<1x8x4112xf32, #tpu.memory_space<vmem>>[vector<16xi32>, vector<16xi32>, vector<16xi32>], vector<16xf32>,
        %broadcast_in_dim3A_216 = arith.constant 7 : i32
        %broadcast_in_dim3A_217 = vector.broadcast %broadcast_in_dim3A_216 : i32 to vector<16xi32>
        %gather3A_218 = tpu.vector_load_idx %arg7[%broadcast_in_dim3A_193, %broadcast_in_dim3A_217, %min3A_192] : memref<2x8x4864xf32, #tpu.memory_space<vmem>>[vector<16xi32>, vector<16xi32>, vector<16xi32>], vector<16xf32>,
        tpu.vector_store_idx %arg8[%broadcast_in_dim3A_195, %broadcast_in_dim3A_217, %get3A_185], %gather3A_218 : memref<1x8x4112xf32, #tpu.memory_space<vmem>>[vector<16xi32>, vector<16xi32>, vector<16xi32>], vector<16xf32>,
        %while3A_219 = arith.constant 0 : i32
        scf.yield %while3A_219 : i32
      }
      %while3A_111 = arith.constant 1 : i32
      %while3A_112 = scf.for %while3A_177 = %while3A_108 to %while3A_104 step %while3A_111 iter_args(%while3A_178 = %while3A_110) -> (i32)  : i32 {
        %mul3A_179 = arith.constant 16 : i32
        %mul3A_180 = arith.muli %while3A_177, %mul3A_179 : i32
        %add3A_181 = arith.addi %get3A_92, %mul3A_180 : i32
        %get3A_182 = arith.index_cast %add3A_181 : i32 to index
        %get3A_183 = tpu.vector_load %arg9[%get3A_182] {strides = array<i32>} : memref<4128xi32, #tpu.memory_space<vmem>>, vector<16xi32>,
        %get3A_184 = arith.index_cast %add3A_181 : i32 to index
        %get3A_185 = tpu.vector_load %arg10[%get3A_184] {strides = array<i32>} : memref<4128xi32, #tpu.memory_space<vmem>>, vector<16xi32>,
        %sub3A_186 = arith.constant 97280 : i32
        %sub3A_187 = vector.broadcast %sub3A_186 : i32 to vector<16xi32>
        %sub3A_188 = arith.subi %get3A_183, %sub3A_187 : vector<16xi32>
        %max3A = arith.constant 0 : i32
        %max3A_189 = vector.broadcast %max3A : i32 to vector<16xi32>
        %max3A_190 = arith.maxsi %sub3A_188, %max3A_189 : vector<16xi32>
        %min3A = arith.constant 4863 : i32
        %min3A_191 = vector.broadcast %min3A : i32 to vector<16xi32>
        %min3A_192 = arith.minsi %max3A_190, %min3A_191 : vector<16xi32>
        %broadcast_in_dim3A = arith.constant 0 : i32
        %broadcast_in_dim3A_193 = vector.broadcast %broadcast_in_dim3A : i32 to vector<16xi32>
        %broadcast_in_dim3A_194 = arith.constant 0 : i32
        %broadcast_in_dim3A_195 = vector.broadcast %broadcast_in_dim3A_194 : i32 to vector<16xi32>
        %broadcast_in_dim3A_196 = arith.constant 0 : i32
        %broadcast_in_dim3A_197 = vector.broadcast %broadcast_in_dim3A_196 : i32 to vector<16xi32>
        %gather3A = tpu.vector_load_idx %arg7[%broadcast_in_dim3A_193, %broadcast_in_dim3A_197, %min3A_192] : memref<2x8x4864xf32, #tpu.memory_space<vmem>>[vector<16xi32>, vector<16xi32>, vector<16xi32>], vector<16xf32>,
        tpu.vector_store_idx %arg8[%broadcast_in_dim3A_195, %broadcast_in_dim3A_197, %get3A_185], %gather3A : memref<1x8x4112xf32, #tpu.memory_space<vmem>>[vector<16xi32>, vector<16xi32>, vector<16xi32>], vector<16xf32>,
        %broadcast_in_dim3A_198 = arith.constant 1 : i32
        %broadcast_in_dim3A_199 = vector.broadcast %broadcast_in_dim3A_198 : i32 to vector<16xi32>
        %gather3A_200 = tpu.vector_load_idx %arg7[%broadcast_in_dim3A_193, %broadcast_in_dim3A_199, %min3A_192] : memref<2x8x4864xf32, #tpu.memory_space<vmem>>[vector<16xi32>, vector<16xi32>, vector<16xi32>], vector<16xf32>,
        tpu.vector_store_idx %arg8[%broadcast_in_dim3A_195, %broadcast_in_dim3A_199, %get3A_185], %gather3A_200 : memref<1x8x4112xf32, #tpu.memory_space<vmem>>[vector<16xi32>, vector<16xi32>, vector<16xi32>], vector<16xf32>,
        %broadcast_in_dim3A_201 = arith.constant 2 : i32
        %broadcast_in_dim3A_202 = vector.broadcast %broadcast_in_dim3A_201 : i32 to vector<16xi32>
        %gather3A_203 = tpu.vector_load_idx %arg7[%broadcast_in_dim3A_193, %broadcast_in_dim3A_202, %min3A_192] : memref<2x8x4864xf32, #tpu.memory_space<vmem>>[vector<16xi32>, vector<16xi32>, vector<16xi32>], vector<16xf32>,
        tpu.vector_store_idx %arg8[%broadcast_in_dim3A_195, %broadcast_in_dim3A_202, %get3A_185], %gather3A_203 : memref<1x8x4112xf32, #tpu.memory_space<vmem>>[vector<16xi32>, vector<16xi32>, vector<16xi32>], vector<16xf32>,
        %broadcast_in_dim3A_204 = arith.constant 3 : i32
        %broadcast_in_dim3A_205 = vector.broadcast %broadcast_in_dim3A_204 : i32 to vector<16xi32>
        %gather3A_206 = tpu.vector_load_idx %arg7[%broadcast_in_dim3A_193, %broadcast_in_dim3A_205, %min3A_192] : memref<2x8x4864xf32, #tpu.memory_space<vmem>>[vector<16xi32>, vector<16xi32>, vector<16xi32>], vector<16xf32>,
        tpu.vector_store_idx %arg8[%broadcast_in_dim3A_195, %broadcast_in_dim3A_205, %get3A_185], %gather3A_206 : memref<1x8x4112xf32, #tpu.memory_space<vmem>>[vector<16xi32>, vector<16xi32>, vector<16xi32>], vector<16xf32>,
        %broadcast_in_dim3A_207 = arith.constant 4 : i32
        %broadcast_in_dim3A_208 = vector.broadcast %broadcast_in_dim3A_207 : i32 to vector<16xi32>
        %gather3A_209 = tpu.vector_load_idx %arg7[%broadcast_in_dim3A_193, %broadcast_in_dim3A_208, %min3A_192] : memref<2x8x4864xf32, #tpu.memory_space<vmem>>[vector<16xi32>, vector<16xi32>, vector<16xi32>], vector<16xf32>,
        tpu.vector_store_idx %arg8[%broadcast_in_dim3A_195, %broadcast_in_dim3A_208, %get3A_185], %gather3A_209 : memref<1x8x4112xf32, #tpu.memory_space<vmem>>[vector<16xi32>, vector<16xi32>, vector<16xi32>], vector<16xf32>,
        %broadcast_in_dim3A_210 = arith.constant 5 : i32
        %broadcast_in_dim3A_211 = vector.broadcast %broadcast_in_dim3A_210 : i32 to vector<16xi32>
        %gather3A_212 = tpu.vector_load_idx %arg7[%broadcast_in_dim3A_193, %broadcast_in_dim3A_211, %min3A_192] : memref<2x8x4864xf32, #tpu.memory_space<vmem>>[vector<16xi32>, vector<16xi32>, vector<16xi32>], vector<16xf32>,
        tpu.vector_store_idx %arg8[%broadcast_in_dim3A_195, %broadcast_in_dim3A_211, %get3A_185], %gather3A_212 : memref<1x8x4112xf32, #tpu.memory_space<vmem>>[vector<16xi32>, vector<16xi32>, vector<16xi32>], vector<16xf32>,
        %broadcast_in_dim3A_213 = arith.constant 6 : i32
        %broadcast_in_dim3A_214 = vector.broadcast %broadcast_in_dim3A_213 : i32 to vector<16xi32>
        %gather3A_215 = tpu.vector_load_idx %arg7[%broadcast_in_dim3A_193, %broadcast_in_dim3A_214, %min3A_192] : memref<2x8x4864xf32, #tpu.memory_space<vmem>>[vector<16xi32>, vector<16xi32>, vector<16xi32>], vector<16xf32>,
        tpu.vector_store_idx %arg8[%broadcast_in_dim3A_195, %broadcast_in_dim3A_214, %get3A_185], %gather3A_215 : memref<1x8x4112xf32, #tpu.memory_space<vmem>>[vector<16xi32>, vector<16xi32>, vector<16xi32>], vector<16xf32>,
        %broadcast_in_dim3A_216 = arith.constant 7 : i32
        %broadcast_in_dim3A_217 = vector.broadcast %broadcast_in_dim3A_216 : i32 to vector<16xi32>
        %gather3A_218 = tpu.vector_load_idx %arg7[%broadcast_in_dim3A_193, %broadcast_in_dim3A_217, %min3A_192] : memref<2x8x4864xf32, #tpu.memory_space<vmem>>[vector<16xi32>, vector<16xi32>, vector<16xi32>], vector<16xf32>,
        tpu.vector_store_idx %arg8[%broadcast_in_dim3A_195, %broadcast_in_dim3A_217, %get3A_185], %gather3A_218 : memref<1x8x4112xf32, #tpu.memory_space<vmem>>[vector<16xi32>, vector<16xi32>, vector<16xi32>], vector<16xf32>,
        %while3A_219 = arith.constant 0 : i32
        scf.yield %while3A_219 : i32
      }
      %add3A_113 = arith.constant 1 : i32
      %add3A_114 = arith.addi %while3A_38, %add3A_113 : i32
      %lt3A_115 = arith.cmpi slt, %add3A_114, %select_n3A_11 : i32
      %convert_element_type3A_116 = arith.extui %lt3A_115 : i1 to i32
      %cond3A_117 = arith.constant 0 : i32
      %cond3A_118 = arith.cmpi ne, %convert_element_type3A_116, %cond3A_117 : i32
      scf.if %cond3A_118 {
        %add3A_177 = arith.constant 1 : i32
        %add3A_178 = arith.addi %add3A_40, %add3A_177 : i32
        %dma_start3A_179 = arith.constant 0 : i32
        %dma_start3A_180 = arith.constant 0 : i32
        %dma_start3A_181 = arith.constant 0 : i32
        %dma_start3A_182 = tpu.memref_slice %arg7[%dma_start3A_179, %dma_start3A_180, %dma_start3A_181] : memref<2x8x4864xf32, #tpu.memory_space<vmem>> -> memref<1x8x4864xf32, #tpu.memory_space<vmem>>
        %dma_start3A_183 = arith.constant 0 : i32
        %dma_start3A_184 = arith.constant 0 : i32
        %dma_start3A_185 = tpu.memref_slice %arg2[%add3A_178, %dma_start3A_183, %dma_start3A_184] : memref<208x8x100000xf32, #tpu.memory_space<hbm>> -> memref<1x8x4864xf32, #tpu.memory_space<hbm>>
        %dma_start3A_186 = arith.constant 0 : i32
        %dma_start3A_187 = arith.constant 0 : i32
        %dma_start3A_188 = arith.constant 0 : i32
        %dma_start3A_189 = tpu.memref_slice %arg7[%dma_start3A_186, %dma_start3A_187, %dma_start3A_188] : memref<2x8x4864xf32, #tpu.memory_space<vmem>> -> memref<1x8x4864xf32, #tpu.memory_space<vmem>>
        %dma_start3A_190 = arith.constant 0 : i32
        %dma_start3A_191 = arith.constant 0 : i32
        %dma_start3A_192 = tpu.memref_slice %arg2[%add3A_178, %dma_start3A_190, %dma_start3A_191] : memref<208x8x100000xf32, #tpu.memory_space<hbm>> -> memref<1x8x4864xf32, #tpu.memory_space<hbm>>
        tpu.enqueue_dma source(%dma_start3A_192 : memref<1x8x4864xf32, #tpu.memory_space<hbm>>) target(%dma_start3A_189 : memref<1x8x4864xf32, #tpu.memory_space<vmem>>) target_semaphore(%arg13 : memref<!tpu.dma_semaphore, #tpu.memory_space<semaphore_mem>>)
      } else {
      }
      %dma_wait3A_119 = arith.constant 1 : i32
      %dma_wait3A_120 = arith.constant 0 : i32
      %dma_wait3A_121 = arith.constant 0 : i32
      %dma_wait3A_122 = tpu.memref_slice %arg7[%dma_wait3A_119, %dma_wait3A_120, %dma_wait3A_121] : memref<2x8x4864xf32, #tpu.memory_space<vmem>> -> memref<1x8x128xf32, #tpu.memory_space<vmem>>
      %dma_wait3A_123 = arith.constant 0 : i32
      %dma_wait3A_124 = arith.constant 0 : i32
      %dma_wait3A_125 = arith.constant 0 : i32
      %dma_wait3A_126 = tpu.memref_slice %arg4[%dma_wait3A_123, %dma_wait3A_124, %dma_wait3A_125] : memref<208x8x128xf32, #tpu.memory_space<hbm>> -> memref<1x8x128xf32, #tpu.memory_space<hbm>>
      %dma_wait3A_127 = arith.constant 1 : i32
      %dma_wait3A_128 = arith.constant 0 : i32
      %dma_wait3A_129 = arith.constant 0 : i32
      %dma_wait3A_130 = tpu.memref_slice %arg7[%dma_wait3A_127, %dma_wait3A_128, %dma_wait3A_129] : memref<2x8x4864xf32, #tpu.memory_space<vmem>> -> memref<1x8x128xf32, #tpu.memory_space<vmem>>
      %dma_wait3A_131 = arith.constant 0 : i32
      %dma_wait3A_132 = arith.constant 0 : i32
      %dma_wait3A_133 = arith.constant 0 : i32
      %dma_wait3A_134 = tpu.memref_slice %arg4[%dma_wait3A_131, %dma_wait3A_132, %dma_wait3A_133] : memref<208x8x128xf32, #tpu.memory_space<hbm>> -> memref<1x8x128xf32, #tpu.memory_space<hbm>>
      tpu.wait_dma2 semaphore(%arg14 : memref<!tpu.dma_semaphore, #tpu.memory_space<semaphore_mem>>) src(%dma_wait3A_134 : memref<1x8x128xf32, #tpu.memory_space<hbm>>) dst(%dma_wait3A_130 : memref<1x8x128xf32, #tpu.memory_space<vmem>>)
      %get3A_135 = arith.constant 21 : i32
      %get3A_136 = arith.index_cast %get3A_135 : i32 to index
      %get3A_137 = memref.load %arg11[%get3A_136] : memref<64xi32, #tpu.memory_space<smem>>
      %get3A_138 = arith.constant 22 : i32
      %get3A_139 = arith.index_cast %get3A_138 : i32 to index
      %get3A_140 = memref.load %arg11[%get3A_139] : memref<64xi32, #tpu.memory_space<smem>>
      %sub3A_141 = arith.subi %get3A_140, %get3A_137 : i32
      %add3A_142 = arith.constant 15 : i32
      %add3A_143 = arith.addi %sub3A_141, %add3A_142 : i32
      %div3A_144 = arith.constant 16 : i32
      %div3A_145 = arith.divsi %add3A_143, %div3A_144 : i32
      %while3A_146 = arith.constant 0 : i32
      %while3A_147 = arith.constant 0 : i32
      %while3A_148 = arith.subi %div3A_145, %while3A_146 : i32
      %while3A_149 = arith.addi %while3A_146, %while3A_148 : i32
      %while3A_150 = arith.constant 1 : i32
      %while3A_151 = arith.divsi %while3A_148, %while3A_150 : i32
      %while3A_152 = arith.muli %while3A_151, %while3A_150 : i32
      %while3A_153 = arith.addi %while3A_146, %while3A_152 : i32
      %while3A_154 = arith.constant 1 : i32
      %while3A_155 = scf.for %while3A_177 = %while3A_146 to %while3A_153 step %while3A_154 iter_args(%while3A_178 = %while3A_147) -> (i32)  : i32 {
        %mul3A_179 = arith.constant 16 : i32
        %mul3A_180 = arith.muli %while3A_177, %mul3A_179 : i32
        %add3A_181 = arith.addi %get3A_137, %mul3A_180 : i32
        %get3A_182 = arith.index_cast %add3A_181 : i32 to index
        %get3A_183 = tpu.vector_load %arg9[%get3A_182] {strides = array<i32>} : memref<4128xi32, #tpu.memory_space<vmem>>, vector<16xi32>,
        %get3A_184 = arith.index_cast %add3A_181 : i32 to index
        %get3A_185 = tpu.vector_load %arg10[%get3A_184] {strides = array<i32>} : memref<4128xi32, #tpu.memory_space<vmem>>, vector<16xi32>,
        %sub3A_186 = arith.constant 99968 : i32
        %sub3A_187 = vector.broadcast %sub3A_186 : i32 to vector<16xi32>
        %sub3A_188 = arith.subi %get3A_183, %sub3A_187 : vector<16xi32>
        %max3A = arith.constant 0 : i32
        %max3A_189 = vector.broadcast %max3A : i32 to vector<16xi32>
        %max3A_190 = arith.maxsi %sub3A_188, %max3A_189 : vector<16xi32>
        %min3A = arith.constant 4863 : i32
        %min3A_191 = vector.broadcast %min3A : i32 to vector<16xi32>
        %min3A_192 = arith.minsi %max3A_190, %min3A_191 : vector<16xi32>
        %broadcast_in_dim3A = arith.constant 1 : i32
        %broadcast_in_dim3A_193 = vector.broadcast %broadcast_in_dim3A : i32 to vector<16xi32>
        %broadcast_in_dim3A_194 = arith.constant 0 : i32
        %broadcast_in_dim3A_195 = vector.broadcast %broadcast_in_dim3A_194 : i32 to vector<16xi32>
        %broadcast_in_dim3A_196 = arith.constant 0 : i32
        %broadcast_in_dim3A_197 = vector.broadcast %broadcast_in_dim3A_196 : i32 to vector<16xi32>
        %gather3A = tpu.vector_load_idx %arg7[%broadcast_in_dim3A_193, %broadcast_in_dim3A_197, %min3A_192] : memref<2x8x4864xf32, #tpu.memory_space<vmem>>[vector<16xi32>, vector<16xi32>, vector<16xi32>], vector<16xf32>,
        tpu.vector_store_idx %arg8[%broadcast_in_dim3A_195, %broadcast_in_dim3A_197, %get3A_185], %gather3A : memref<1x8x4112xf32, #tpu.memory_space<vmem>>[vector<16xi32>, vector<16xi32>, vector<16xi32>], vector<16xf32>,
        %broadcast_in_dim3A_198 = arith.constant 1 : i32
        %broadcast_in_dim3A_199 = vector.broadcast %broadcast_in_dim3A_198 : i32 to vector<16xi32>
        %gather3A_200 = tpu.vector_load_idx %arg7[%broadcast_in_dim3A_193, %broadcast_in_dim3A_199, %min3A_192] : memref<2x8x4864xf32, #tpu.memory_space<vmem>>[vector<16xi32>, vector<16xi32>, vector<16xi32>], vector<16xf32>,
        tpu.vector_store_idx %arg8[%broadcast_in_dim3A_195, %broadcast_in_dim3A_199, %get3A_185], %gather3A_200 : memref<1x8x4112xf32, #tpu.memory_space<vmem>>[vector<16xi32>, vector<16xi32>, vector<16xi32>], vector<16xf32>,
        %broadcast_in_dim3A_201 = arith.constant 2 : i32
        %broadcast_in_dim3A_202 = vector.broadcast %broadcast_in_dim3A_201 : i32 to vector<16xi32>
        %gather3A_203 = tpu.vector_load_idx %arg7[%broadcast_in_dim3A_193, %broadcast_in_dim3A_202, %min3A_192] : memref<2x8x4864xf32, #tpu.memory_space<vmem>>[vector<16xi32>, vector<16xi32>, vector<16xi32>], vector<16xf32>,
        tpu.vector_store_idx %arg8[%broadcast_in_dim3A_195, %broadcast_in_dim3A_202, %get3A_185], %gather3A_203 : memref<1x8x4112xf32, #tpu.memory_space<vmem>>[vector<16xi32>, vector<16xi32>, vector<16xi32>], vector<16xf32>,
        %broadcast_in_dim3A_204 = arith.constant 3 : i32
        %broadcast_in_dim3A_205 = vector.broadcast %broadcast_in_dim3A_204 : i32 to vector<16xi32>
        %gather3A_206 = tpu.vector_load_idx %arg7[%broadcast_in_dim3A_193, %broadcast_in_dim3A_205, %min3A_192] : memref<2x8x4864xf32, #tpu.memory_space<vmem>>[vector<16xi32>, vector<16xi32>, vector<16xi32>], vector<16xf32>,
        tpu.vector_store_idx %arg8[%broadcast_in_dim3A_195, %broadcast_in_dim3A_205, %get3A_185], %gather3A_206 : memref<1x8x4112xf32, #tpu.memory_space<vmem>>[vector<16xi32>, vector<16xi32>, vector<16xi32>], vector<16xf32>,
        %broadcast_in_dim3A_207 = arith.constant 4 : i32
        %broadcast_in_dim3A_208 = vector.broadcast %broadcast_in_dim3A_207 : i32 to vector<16xi32>
        %gather3A_209 = tpu.vector_load_idx %arg7[%broadcast_in_dim3A_193, %broadcast_in_dim3A_208, %min3A_192] : memref<2x8x4864xf32, #tpu.memory_space<vmem>>[vector<16xi32>, vector<16xi32>, vector<16xi32>], vector<16xf32>,
        tpu.vector_store_idx %arg8[%broadcast_in_dim3A_195, %broadcast_in_dim3A_208, %get3A_185], %gather3A_209 : memref<1x8x4112xf32, #tpu.memory_space<vmem>>[vector<16xi32>, vector<16xi32>, vector<16xi32>], vector<16xf32>,
        %broadcast_in_dim3A_210 = arith.constant 5 : i32
        %broadcast_in_dim3A_211 = vector.broadcast %broadcast_in_dim3A_210 : i32 to vector<16xi32>
        %gather3A_212 = tpu.vector_load_idx %arg7[%broadcast_in_dim3A_193, %broadcast_in_dim3A_211, %min3A_192] : memref<2x8x4864xf32, #tpu.memory_space<vmem>>[vector<16xi32>, vector<16xi32>, vector<16xi32>], vector<16xf32>,
        tpu.vector_store_idx %arg8[%broadcast_in_dim3A_195, %broadcast_in_dim3A_211, %get3A_185], %gather3A_212 : memref<1x8x4112xf32, #tpu.memory_space<vmem>>[vector<16xi32>, vector<16xi32>, vector<16xi32>], vector<16xf32>,
        %broadcast_in_dim3A_213 = arith.constant 6 : i32
        %broadcast_in_dim3A_214 = vector.broadcast %broadcast_in_dim3A_213 : i32 to vector<16xi32>
        %gather3A_215 = tpu.vector_load_idx %arg7[%broadcast_in_dim3A_193, %broadcast_in_dim3A_214, %min3A_192] : memref<2x8x4864xf32, #tpu.memory_space<vmem>>[vector<16xi32>, vector<16xi32>, vector<16xi32>], vector<16xf32>,
        tpu.vector_store_idx %arg8[%broadcast_in_dim3A_195, %broadcast_in_dim3A_214, %get3A_185], %gather3A_215 : memref<1x8x4112xf32, #tpu.memory_space<vmem>>[vector<16xi32>, vector<16xi32>, vector<16xi32>], vector<16xf32>,
        %broadcast_in_dim3A_216 = arith.constant 7 : i32
        %broadcast_in_dim3A_217 = vector.broadcast %broadcast_in_dim3A_216 : i32 to vector<16xi32>
        %gather3A_218 = tpu.vector_load_idx %arg7[%broadcast_in_dim3A_193, %broadcast_in_dim3A_217, %min3A_192] : memref<2x8x4864xf32, #tpu.memory_space<vmem>>[vector<16xi32>, vector<16xi32>, vector<16xi32>], vector<16xf32>,
        tpu.vector_store_idx %arg8[%broadcast_in_dim3A_195, %broadcast_in_dim3A_217, %get3A_185], %gather3A_218 : memref<1x8x4112xf32, #tpu.memory_space<vmem>>[vector<16xi32>, vector<16xi32>, vector<16xi32>], vector<16xf32>,
        %while3A_219 = arith.constant 0 : i32
        scf.yield %while3A_219 : i32
      }
      %while3A_156 = arith.constant 1 : i32
      %while3A_157 = scf.for %while3A_177 = %while3A_153 to %while3A_149 step %while3A_156 iter_args(%while3A_178 = %while3A_155) -> (i32)  : i32 {
        %mul3A_179 = arith.constant 16 : i32
        %mul3A_180 = arith.muli %while3A_177, %mul3A_179 : i32
        %add3A_181 = arith.addi %get3A_137, %mul3A_180 : i32
        %get3A_182 = arith.index_cast %add3A_181 : i32 to index
        %get3A_183 = tpu.vector_load %arg9[%get3A_182] {strides = array<i32>} : memref<4128xi32, #tpu.memory_space<vmem>>, vector<16xi32>,
        %get3A_184 = arith.index_cast %add3A_181 : i32 to index
        %get3A_185 = tpu.vector_load %arg10[%get3A_184] {strides = array<i32>} : memref<4128xi32, #tpu.memory_space<vmem>>, vector<16xi32>,
        %sub3A_186 = arith.constant 99968 : i32
        %sub3A_187 = vector.broadcast %sub3A_186 : i32 to vector<16xi32>
        %sub3A_188 = arith.subi %get3A_183, %sub3A_187 : vector<16xi32>
        %max3A = arith.constant 0 : i32
        %max3A_189 = vector.broadcast %max3A : i32 to vector<16xi32>
        %max3A_190 = arith.maxsi %sub3A_188, %max3A_189 : vector<16xi32>
        %min3A = arith.constant 4863 : i32
        %min3A_191 = vector.broadcast %min3A : i32 to vector<16xi32>
        %min3A_192 = arith.minsi %max3A_190, %min3A_191 : vector<16xi32>
        %broadcast_in_dim3A = arith.constant 1 : i32
        %broadcast_in_dim3A_193 = vector.broadcast %broadcast_in_dim3A : i32 to vector<16xi32>
        %broadcast_in_dim3A_194 = arith.constant 0 : i32
        %broadcast_in_dim3A_195 = vector.broadcast %broadcast_in_dim3A_194 : i32 to vector<16xi32>
        %broadcast_in_dim3A_196 = arith.constant 0 : i32
        %broadcast_in_dim3A_197 = vector.broadcast %broadcast_in_dim3A_196 : i32 to vector<16xi32>
        %gather3A = tpu.vector_load_idx %arg7[%broadcast_in_dim3A_193, %broadcast_in_dim3A_197, %min3A_192] : memref<2x8x4864xf32, #tpu.memory_space<vmem>>[vector<16xi32>, vector<16xi32>, vector<16xi32>], vector<16xf32>,
        tpu.vector_store_idx %arg8[%broadcast_in_dim3A_195, %broadcast_in_dim3A_197, %get3A_185], %gather3A : memref<1x8x4112xf32, #tpu.memory_space<vmem>>[vector<16xi32>, vector<16xi32>, vector<16xi32>], vector<16xf32>,
        %broadcast_in_dim3A_198 = arith.constant 1 : i32
        %broadcast_in_dim3A_199 = vector.broadcast %broadcast_in_dim3A_198 : i32 to vector<16xi32>
        %gather3A_200 = tpu.vector_load_idx %arg7[%broadcast_in_dim3A_193, %broadcast_in_dim3A_199, %min3A_192] : memref<2x8x4864xf32, #tpu.memory_space<vmem>>[vector<16xi32>, vector<16xi32>, vector<16xi32>], vector<16xf32>,
        tpu.vector_store_idx %arg8[%broadcast_in_dim3A_195, %broadcast_in_dim3A_199, %get3A_185], %gather3A_200 : memref<1x8x4112xf32, #tpu.memory_space<vmem>>[vector<16xi32>, vector<16xi32>, vector<16xi32>], vector<16xf32>,
        %broadcast_in_dim3A_201 = arith.constant 2 : i32
        %broadcast_in_dim3A_202 = vector.broadcast %broadcast_in_dim3A_201 : i32 to vector<16xi32>
        %gather3A_203 = tpu.vector_load_idx %arg7[%broadcast_in_dim3A_193, %broadcast_in_dim3A_202, %min3A_192] : memref<2x8x4864xf32, #tpu.memory_space<vmem>>[vector<16xi32>, vector<16xi32>, vector<16xi32>], vector<16xf32>,
        tpu.vector_store_idx %arg8[%broadcast_in_dim3A_195, %broadcast_in_dim3A_202, %get3A_185], %gather3A_203 : memref<1x8x4112xf32, #tpu.memory_space<vmem>>[vector<16xi32>, vector<16xi32>, vector<16xi32>], vector<16xf32>,
        %broadcast_in_dim3A_204 = arith.constant 3 : i32
        %broadcast_in_dim3A_205 = vector.broadcast %broadcast_in_dim3A_204 : i32 to vector<16xi32>
        %gather3A_206 = tpu.vector_load_idx %arg7[%broadcast_in_dim3A_193, %broadcast_in_dim3A_205, %min3A_192] : memref<2x8x4864xf32, #tpu.memory_space<vmem>>[vector<16xi32>, vector<16xi32>, vector<16xi32>], vector<16xf32>,
        tpu.vector_store_idx %arg8[%broadcast_in_dim3A_195, %broadcast_in_dim3A_205, %get3A_185], %gather3A_206 : memref<1x8x4112xf32, #tpu.memory_space<vmem>>[vector<16xi32>, vector<16xi32>, vector<16xi32>], vector<16xf32>,
        %broadcast_in_dim3A_207 = arith.constant 4 : i32
        %broadcast_in_dim3A_208 = vector.broadcast %broadcast_in_dim3A_207 : i32 to vector<16xi32>
        %gather3A_209 = tpu.vector_load_idx %arg7[%broadcast_in_dim3A_193, %broadcast_in_dim3A_208, %min3A_192] : memref<2x8x4864xf32, #tpu.memory_space<vmem>>[vector<16xi32>, vector<16xi32>, vector<16xi32>], vector<16xf32>,
        tpu.vector_store_idx %arg8[%broadcast_in_dim3A_195, %broadcast_in_dim3A_208, %get3A_185], %gather3A_209 : memref<1x8x4112xf32, #tpu.memory_space<vmem>>[vector<16xi32>, vector<16xi32>, vector<16xi32>], vector<16xf32>,
        %broadcast_in_dim3A_210 = arith.constant 5 : i32
        %broadcast_in_dim3A_211 = vector.broadcast %broadcast_in_dim3A_210 : i32 to vector<16xi32>
        %gather3A_212 = tpu.vector_load_idx %arg7[%broadcast_in_dim3A_193, %broadcast_in_dim3A_211, %min3A_192] : memref<2x8x4864xf32, #tpu.memory_space<vmem>>[vector<16xi32>, vector<16xi32>, vector<16xi32>], vector<16xf32>,
        tpu.vector_store_idx %arg8[%broadcast_in_dim3A_195, %broadcast_in_dim3A_211, %get3A_185], %gather3A_212 : memref<1x8x4112xf32, #tpu.memory_space<vmem>>[vector<16xi32>, vector<16xi32>, vector<16xi32>], vector<16xf32>,
        %broadcast_in_dim3A_213 = arith.constant 6 : i32
        %broadcast_in_dim3A_214 = vector.broadcast %broadcast_in_dim3A_213 : i32 to vector<16xi32>
        %gather3A_215 = tpu.vector_load_idx %arg7[%broadcast_in_dim3A_193, %broadcast_in_dim3A_214, %min3A_192] : memref<2x8x4864xf32, #tpu.memory_space<vmem>>[vector<16xi32>, vector<16xi32>, vector<16xi32>], vector<16xf32>,
        tpu.vector_store_idx %arg8[%broadcast_in_dim3A_195, %broadcast_in_dim3A_214, %get3A_185], %gather3A_215 : memref<1x8x4112xf32, #tpu.memory_space<vmem>>[vector<16xi32>, vector<16xi32>, vector<16xi32>], vector<16xf32>,
        %broadcast_in_dim3A_216 = arith.constant 7 : i32
        %broadcast_in_dim3A_217 = vector.broadcast %broadcast_in_dim3A_216 : i32 to vector<16xi32>
        %gather3A_218 = tpu.vector_load_idx %arg7[%broadcast_in_dim3A_193, %broadcast_in_dim3A_217, %min3A_192] : memref<2x8x4864xf32, #tpu.memory_space<vmem>>[vector<16xi32>, vector<16xi32>, vector<16xi32>], vector<16xf32>,
        tpu.vector_store_idx %arg8[%broadcast_in_dim3A_195, %broadcast_in_dim3A_217, %get3A_185], %gather3A_218 : memref<1x8x4112xf32, #tpu.memory_space<vmem>>[vector<16xi32>, vector<16xi32>, vector<16xi32>], vector<16xf32>,
        %while3A_219 = arith.constant 0 : i32
        scf.yield %while3A_219 : i32
      }
      %add3A_158 = arith.constant 1 : i32
      %add3A_159 = arith.addi %while3A_38, %add3A_158 : i32
      %lt3A_160 = arith.cmpi slt, %add3A_159, %select_n3A_11 : i32
      %convert_element_type3A_161 = arith.extui %lt3A_160 : i1 to i32
      %cond3A_162 = arith.constant 0 : i32
      %cond3A_163 = arith.cmpi ne, %convert_element_type3A_161, %cond3A_162 : i32
      scf.if %cond3A_163 {
        %add3A_177 = arith.constant 1 : i32
        %add3A_178 = arith.addi %add3A_40, %add3A_177 : i32
        %dma_start3A_179 = arith.constant 1 : i32
        %dma_start3A_180 = arith.constant 0 : i32
        %dma_start3A_181 = arith.constant 0 : i32
        %dma_start3A_182 = tpu.memref_slice %arg7[%dma_start3A_179, %dma_start3A_180, %dma_start3A_181] : memref<2x8x4864xf32, #tpu.memory_space<vmem>> -> memref<1x8x4864xf32, #tpu.memory_space<vmem>>
        %dma_start3A_183 = arith.constant 0 : i32
        %dma_start3A_184 = arith.constant 4864 : i32
        %dma_start3A_185 = tpu.memref_slice %arg2[%add3A_178, %dma_start3A_183, %dma_start3A_184] : memref<208x8x100000xf32, #tpu.memory_space<hbm>> -> memref<1x8x4864xf32, #tpu.memory_space<hbm>>
        %dma_start3A_186 = arith.constant 1 : i32
        %dma_start3A_187 = arith.constant 0 : i32
        %dma_start3A_188 = arith.constant 0 : i32
        %dma_start3A_189 = tpu.memref_slice %arg7[%dma_start3A_186, %dma_start3A_187, %dma_start3A_188] : memref<2x8x4864xf32, #tpu.memory_space<vmem>> -> memref<1x8x4864xf32, #tpu.memory_space<vmem>>
        %dma_start3A_190 = arith.constant 0 : i32
        %dma_start3A_191 = arith.constant 4864 : i32
        %dma_start3A_192 = tpu.memref_slice %arg2[%add3A_178, %dma_start3A_190, %dma_start3A_191] : memref<208x8x100000xf32, #tpu.memory_space<hbm>> -> memref<1x8x4864xf32, #tpu.memory_space<hbm>>
        tpu.enqueue_dma source(%dma_start3A_192 : memref<1x8x4864xf32, #tpu.memory_space<hbm>>) target(%dma_start3A_189 : memref<1x8x4864xf32, #tpu.memory_space<vmem>>) target_semaphore(%arg14 : memref<!tpu.dma_semaphore, #tpu.memory_space<semaphore_mem>>)
      } else {
      }
      %dma_start3A = arith.constant 0 : i32
      %dma_start3A_164 = arith.constant 0 : i32
      %dma_start3A_165 = arith.constant 0 : i32
      %dma_start3A_166 = tpu.memref_slice %arg8[%dma_start3A, %dma_start3A_164, %dma_start3A_165] : memref<1x8x4112xf32, #tpu.memory_space<vmem>> -> memref<1x8x4096xf32, #tpu.memory_space<vmem>>
      %dma_start3A_167 = arith.constant 0 : i32
      %dma_start3A_168 = arith.constant 0 : i32
      %dma_start3A_169 = tpu.memref_slice %arg5[%add3A_40, %dma_start3A_167, %dma_start3A_168] : memref<208x8x4096xf32, #tpu.memory_space<hbm>> -> memref<1x8x4096xf32, #tpu.memory_space<hbm>>
      %dma_start3A_170 = arith.constant 0 : i32
      %dma_start3A_171 = arith.constant 0 : i32
      %dma_start3A_172 = tpu.memref_slice %arg5[%add3A_40, %dma_start3A_170, %dma_start3A_171] : memref<208x8x4096xf32, #tpu.memory_space<hbm>> -> memref<1x8x4096xf32, #tpu.memory_space<hbm>>
      %dma_start3A_173 = arith.constant 0 : i32
      %dma_start3A_174 = arith.constant 0 : i32
      %dma_start3A_175 = arith.constant 0 : i32
      %dma_start3A_176 = tpu.memref_slice %arg8[%dma_start3A_173, %dma_start3A_174, %dma_start3A_175] : memref<1x8x4112xf32, #tpu.memory_space<vmem>> -> memref<1x8x4096xf32, #tpu.memory_space<vmem>>
      tpu.enqueue_dma source(%dma_start3A_176 : memref<1x8x4096xf32, #tpu.memory_space<vmem>>) target(%dma_start3A_172 : memref<1x8x4096xf32, #tpu.memory_space<hbm>>) target_semaphore(%arg15 : memref<!tpu.dma_semaphore, #tpu.memory_space<semaphore_mem>>)
      scf.yield %select_n3A_58 : i32
    }
    %dma_wait3A = arith.constant 0 : i32
    %dma_wait3A_23 = arith.constant 0 : i32
    %dma_wait3A_24 = arith.constant 0 : i32
    %dma_wait3A_25 = tpu.memref_slice %arg8[%dma_wait3A, %dma_wait3A_23, %dma_wait3A_24] : memref<1x8x4112xf32, #tpu.memory_space<vmem>> -> memref<1x8x4096xf32, #tpu.memory_space<vmem>>
    %dma_wait3A_26 = arith.constant 0 : i32
    %dma_wait3A_27 = arith.constant 0 : i32
    %dma_wait3A_28 = arith.constant 0 : i32
    %dma_wait3A_29 = tpu.memref_slice %arg5[%dma_wait3A_26, %dma_wait3A_27, %dma_wait3A_28] : memref<208x8x4096xf32, #tpu.memory_space<hbm>> -> memref<1x8x4096xf32, #tpu.memory_space<hbm>>
    %dma_wait3A_30 = arith.constant 0 : i32
    %dma_wait3A_31 = arith.constant 0 : i32
    %dma_wait3A_32 = arith.constant 0 : i32
    %dma_wait3A_33 = tpu.memref_slice %arg5[%dma_wait3A_30, %dma_wait3A_31, %dma_wait3A_32] : memref<208x8x4096xf32, #tpu.memory_space<hbm>> -> memref<1x8x4096xf32, #tpu.memory_space<hbm>>
    %dma_wait3A_34 = arith.constant 0 : i32
    %dma_wait3A_35 = arith.constant 0 : i32
    %dma_wait3A_36 = arith.constant 0 : i32
    %dma_wait3A_37 = tpu.memref_slice %arg8[%dma_wait3A_34, %dma_wait3A_35, %dma_wait3A_36] : memref<1x8x4112xf32, #tpu.memory_space<vmem>> -> memref<1x8x4096xf32, #tpu.memory_space<vmem>>
    tpu.wait_dma2 semaphore(%arg15 : memref<!tpu.dma_semaphore, #tpu.memory_space<semaphore_mem>>) src(%dma_wait3A_37 : memref<1x8x4096xf32, #tpu.memory_space<vmem>>) dst(%dma_wait3A_33 : memref<1x8x4096xf32, #tpu.memory_space<hbm>>)
    return
  }
}

module attributes {stable_mosaic.version = 14 : i64} {
  func.func @_mlp_body(%arg0: i32, %arg1: memref<1664x1024xf32, #tpu.memory_space<vmem>>, %arg2: memref<1664x512xf32, #tpu.memory_space<vmem>>, %arg3: memref<1x512xf32, #tpu.memory_space<vmem>>, %arg4: memref<512x256xf32, #tpu.memory_space<vmem>>, %arg5: memref<1x256xf32, #tpu.memory_space<vmem>>, %arg6: memref<1024x256xf32, #tpu.memory_space<vmem>>) attributes {dimension_semantics = [#tpu.dimension_semantics<arbitrary>], iteration_bounds = array<i64: 4>, scalar_prefetch = 0 : i64, scratch_operands = 0 : i64, tpu.core_type = #tpu.core_type<tc>, window_params = [{transform_indices = @transform_0, window_bounds = array<i64: 1664, 1024>}, {pipeline_mode = #tpu.pipeline_mode<synchronous>, transform_indices = @transform_1, window_bounds = array<i64: 1664, 512>}, {pipeline_mode = #tpu.pipeline_mode<synchronous>, transform_indices = @transform_2, window_bounds = array<i64: 1, 512>}, {pipeline_mode = #tpu.pipeline_mode<synchronous>, transform_indices = @transform_3, window_bounds = array<i64: 512, 256>}, {pipeline_mode = #tpu.pipeline_mode<synchronous>, transform_indices = @transform_4, window_bounds = array<i64: 1, 256>}, {transform_indices = @transform_5, window_bounds = array<i64: 1024, 256>}]} {
    %get3A = arith.constant 0 : index
    %get3A_0 = arith.constant 0 : index
    %get3A_1 = vector.load %arg1[%get3A, %get3A_0] : memref<1664x1024xf32, #tpu.memory_space<vmem>>, vector<1664x1024xf32>
    %get3A_2 = arith.constant 0 : index
    %get3A_3 = arith.constant 0 : index
    %get3A_4 = vector.load %arg2[%get3A_2, %get3A_3] : memref<1664x512xf32, #tpu.memory_space<vmem>>, vector<1664x512xf32>
    %dot_general3A = arith.constant dense<0.000000e+00> : vector<1024x512xf32>
    %dot_general3A_5 = tpu.matmul %get3A_1, %get3A_4, %dot_general3A {dimension_numbers = #tpu.dot_dimension_numbers<[0], [0], [1], [1], [0, 1, 1, 1], [], []>, transpose_lhs_hint = false} : vector<1664x1024xf32>, vector<1664x512xf32>, vector<1024x512xf32> -> vector<1024x512xf32>
    %get3A_6 = arith.constant 0 : index
    %get3A_7 = arith.constant 0 : index
    %get3A_8 = vector.load %arg3[%get3A_6, %get3A_7] : memref<1x512xf32, #tpu.memory_space<vmem>>, vector<1x512xf32>
    %add3A = vector.broadcast %get3A_8 : vector<1x512xf32> to vector<1024x512xf32>
    %add3A_9 = arith.addf %dot_general3A_5, %add3A : vector<1024x512xf32>
    %max3A = arith.constant 0.000000e+00 : f32
    %max3A_10 = vector.broadcast %max3A : f32 to vector<1024x512xf32>
    %max3A_11 = arith.maximumf %add3A_9, %max3A_10 : vector<1024x512xf32>
    %get3A_12 = arith.constant 0 : index
    %get3A_13 = arith.constant 0 : index
    %get3A_14 = vector.load %arg4[%get3A_12, %get3A_13] : memref<512x256xf32, #tpu.memory_space<vmem>>, vector<512x256xf32>
    %dot_general3A_15 = arith.constant dense<0.000000e+00> : vector<1024x256xf32>
    %dot_general3A_16 = tpu.matmul %max3A_11, %get3A_14, %dot_general3A_15 {dimension_numbers = #tpu.dot_dimension_numbers<[1], [0], [0], [1], [0, 0, 1, 1], [], []>, transpose_lhs_hint = false} : vector<1024x512xf32>, vector<512x256xf32>, vector<1024x256xf32> -> vector<1024x256xf32>
    %get3A_17 = arith.constant 0 : index
    %get3A_18 = arith.constant 0 : index
    %get3A_19 = vector.load %arg5[%get3A_17, %get3A_18] : memref<1x256xf32, #tpu.memory_space<vmem>>, vector<1x256xf32>
    %add3A_20 = vector.broadcast %get3A_19 : vector<1x256xf32> to vector<1024x256xf32>
    %add3A_21 = arith.addf %dot_general3A_16, %add3A_20 : vector<1024x256xf32>
    %swap3A = arith.constant 0 : index
    %swap3A_22 = arith.constant 0 : index
    %swap3A_23 = vector.load %arg6[%swap3A, %swap3A_22] : memref<1024x256xf32, #tpu.memory_space<vmem>>, vector<1024x256xf32>
    tpu.vector_store %arg6[%swap3A, %swap3A_22], %add3A_21 {strides = array<i32>} : memref<1024x256xf32, #tpu.memory_space<vmem>>, vector<1024x256xf32>,
    return
  }
  func.func @transform_0(%arg0: i32) -> (i32, i32) {
    %c0_i32 = arith.constant 0 : i32
    %c0_i32_0 = arith.constant 0 : i32
    return %c0_i32, %arg0 : i32, i32
  }
  func.func @transform_1(%arg0: i32) -> (i32, i32) {
    %c0_i32 = arith.constant 0 : i32
    %c0_i32_0 = arith.constant 0 : i32
    %c0_i32_1 = arith.constant 0 : i32
    return %c0_i32, %c0_i32_0 : i32, i32
  }
  func.func @transform_2(%arg0: i32) -> (i32, i32) {
    %c0_i32 = arith.constant 0 : i32
    %c0_i32_0 = arith.constant 0 : i32
    %c0_i32_1 = arith.constant 0 : i32
    return %c0_i32, %c0_i32_0 : i32, i32
  }
  func.func @transform_3(%arg0: i32) -> (i32, i32) {
    %c0_i32 = arith.constant 0 : i32
    %c0_i32_0 = arith.constant 0 : i32
    %c0_i32_1 = arith.constant 0 : i32
    return %c0_i32, %c0_i32_0 : i32, i32
  }
  func.func @transform_4(%arg0: i32) -> (i32, i32) {
    %c0_i32 = arith.constant 0 : i32
    %c0_i32_0 = arith.constant 0 : i32
    %c0_i32_1 = arith.constant 0 : i32
    return %c0_i32, %c0_i32_0 : i32, i32
  }
  func.func @transform_5(%arg0: i32) -> (i32, i32) {
    %c0_i32 = arith.constant 0 : i32
    %c0_i32_0 = arith.constant 0 : i32
    return %arg0, %c0_i32 : i32, i32
  }
}

</mosaic_0001>

<sc_bundles>
// kernel: kernel.4.cloned.1.call-start
scs
__scs_entry_jumppad:
0x0: {  	(pc) =	sbr.rel $0x88, $3  }
0x1: {  	(tag) =	ssettag $0x0;
	lr =	simm.s32 $0x1  }
0x2: {  	[smem:$0x3F9B] =	sst lr;
	_ =	strace $0xD0000000  }
0x3: {  	_ = 	snop  }
0x4: {  	_ = 	snop  }
0x5: {  	_ = 	snop  }
0x6: {  	_ = 	snop  }
0x7: {  	_ = 	snop  }
__scs_overlays_trampoline_lowered:
0x8: {  	[smem:$0x3FAA] =	sst s0  }
0x9: {  	[smem:$0x3FAB] =	sst s1  }
0xa: {  	[smem:$0x3FAC] =	sst s2  }
0xb: {  	[smem:$0x3FAD] =	sst s3  }
0xc: {  	[smem:$0x3FAE] =	sst s4  }
0xd: {  	[smem:$0x3FAF] =	sst s5  }
0xe: {  	[smem:$0x3FB0] =	sst s6  }
0xf: {  	[smem:$0x3FB1] =	sst s7  }
0x10: {  	[smem:$0x3FB2] =	sst s8  }
0x11: {  	[smem:$0x3FB3] =	sst s9;
	s0 =	simm.s32 @!p0 $0x0  }
0x12: {  	s1 =	sld [smem:$0x3F99];
	s0 =	simm.s32 @p0 $0x1  }
0x13: {  	[smem:$0x3FB4] =	sst s0;
	s0 =	simm.s32 @!p1 $0x0  }
0x14: {  	s2 =	sld [smem:$0x3F98];
	s0 =	simm.s32 @p1 $0x1  }
0x15: {  	[smem:$0x3FB5] =	sst s0;
	s0 =	simm.s32 @!p2 $0x0  }
0x16: {  	s3 =	sld [smem:$0x3FDB];
	s0 =	simm.s32 @p2 $0x1  }
0x17: {  	s4 =	simm.s32 $0x1BF5;
	[smem:$0x3FB7] =	sst s0  }
0x18: {  	s0 =	sld [smem:$0x3F9A];
	_ =	swait.ge [sflag:s4], $0x0  }
0x19: {  	s7 =	sld [smem:$0x3F9B]  }
0x1a: {  	s8 =	sadd.s32 $0xFFFFE003, lr  }
0x1b: {  	s9 =	sadd.s32 $0xFFFFFEF7, lr;
	s5 =	simm.s32 $0xFFFFFFFF;
	p2 =	slt.u32 s8, $0xFFFFF086  }
0x1c: {  	p1 =	slt.u32 s9, $0xF7A;
	s5 =	simm.s32 @!p2 $0x0  }
0x1d: {  	s5 =	simm.s32 @p1 $0x1;
	p0 =	seq.s32 s7, s2  }
0x1e: {  	s7 =	smul.u32 @!p0 $0xF7A, s2;
	p2 =	seq.s32 @!p0 s5, $0x0  }
0x1f: {  	s9 =	smul.u32 $0xF7A, s1;
	s8 =	simm.s32 @!p0 $0x1BF5;
	p2 =	por !p2, p0  }
0x20: {  	[sflag:s8] =	ssyncset.s32 @!p0 $0xFFFFF086;
	s6 =	sadd.s32 @!p0 s3, s7;
	s7 =	simm.s32 @!p0 $0x108  }
0x21: {  	s3 =	sadd.s32 s3, s9;
	s6 =	sadd.s32 @!p0 $0x88, s6;
	s7 =	simm.s32 @p2 $0x1082  }
0x22: {  	[simem:s7], [sflag:s8] =	dma.local @!p0 [hbm:s6], $0xF7A  }
0x23: {  	s9 =	sor.u32 $0xD0000000, s2;
	s6 =	simm.s32 $0x108;
	_ =	swait.ge @!p0 [sflag:s8], $0x0  }
0x24: {  	s3 =	sadd.s32 $0x88, s3;
	s6 =	simm.s32 @!p1 $0x1082;
	[sflag:s4] =	ssyncset.s32 $0xFFFFF086  }
0x25: {  	[simem:s6], [sflag:s4] =	dma.local [hbm:s3], $0xF7A  }
0x26: {  	[smem:$0x3F9B] =	sst s1;
	(tag) =	ssettag s2;
	_ =	strace s9  }
0x27: {  	s1 =	sld [smem:$0x3FAB]  }
0x28: {  	s2 =	sld [smem:$0x3FAC]  }
0x29: {  	s4 =	sld [smem:$0x3FAE]  }
0x2a: {  	p0 =	seq.s32 s5, $0x0;
	s5 =	sld [smem:$0x3FAF]  }
0x2b: {  	s6 =	sld [smem:$0x3FB0]  }
0x2c: {  	s7 =	sld [smem:$0x3FB1]  }
0x2d: {  	s3 =	simm.s32 $0x108;
	s8 =	sld [smem:$0x3FB2]  }
0x2e: {  	s3 =	simm.s32 @!p0 $0x1082;
	s9 =	sld [smem:$0x3FB3]  }
0x2f: {  	lr =	sadd.s32 s0, s3;
	s0 =	sld [smem:$0x3FAA]  }
0x30: {  	s3 =	sld [smem:$0x3FAD]  }
0x31: {  	[smem:$0x3FB6] =	sst s10  }
0x32: {  	s10 =	sld [smem:$0x3FB4];
	_ =	sdelay $0x3  }
0x33: {  	p0 =	seq.s32 s10, $0x1;
	s10 =	sld [smem:$0x3FB6];
	_ =	sdelay $0x3  }
0x34: {  	[smem:$0x3FB6] =	sst s10  }
0x35: {  	s10 =	sld [smem:$0x3FB5];
	_ =	sdelay $0x3  }
0x36: {  	p1 =	seq.s32 s10, $0x1;
	s10 =	sld [smem:$0x3FB6];
	_ =	sdelay $0x3  }
0x37: {  	[smem:$0x3FB6] =	sst s10  }
0x38: {  	s10 =	sld [smem:$0x3FB7]  }
0x39: {  	_ = 	snop;
	(pc) =	sbr.ind lr, $3  }
0x3a: {  	_ = 	snop  }
0x3b: {  	_ = 	snop  }
0x3c: {  	p2 =	seq.s32 s10, $0x1;
	s10 =	sld [smem:$0x3FB6]  }
0x3d: {  	_ =	shalt  }
0x3e: {  	_ =	shalt  }
0x3f: {  	_ =	shalt  }
0x40: {  	_ =	shalt  }
0x41: {  	_ =	shalt  }
0x42: {  	_ =	shalt  }
0x43: {  	_ =	shalt  }
0x44: {  	_ =	shalt  }
0x45: {  	_ =	shalt  }
0x46: {  	_ =	shalt  }
0x47: {  	_ =	shalt  }
0x48: {  	_ =	shalt  }
0x49: {  	_ =	shalt  }
0x4a: {  	_ =	shalt  }
0x4b: {  	_ =	shalt  }
0x4c: {  	_ =	shalt  }
0x4d: {  	_ =	shalt  }
0x4e: {  	_ =	shalt  }
0x4f: {  	_ =	shalt  }
0x50: {  	_ =	shalt  }
0x51: {  	_ =	shalt  }
0x52: {  	_ =	shalt  }
0x53: {  	_ =	shalt  }
0x54: {  	_ =	shalt  }
0x55: {  	_ =	shalt  }
0x56: {  	_ =	shalt  }
0x57: {  	_ =	shalt  }
0x58: {  	_ =	shalt  }
0x59: {  	_ =	shalt  }
0x5a: {  	_ =	shalt  }
0x5b: {  	_ =	shalt  }
0x5c: {  	_ =	shalt  }
0x5d: {  	_ =	shalt  }
0x5e: {  	_ =	shalt  }
0x5f: {  	_ =	shalt  }
0x60: {  	_ =	shalt  }
0x61: {  	_ =	shalt  }
0x62: {  	_ =	shalt  }
0x63: {  	_ =	shalt  }
0x64: {  	_ =	shalt  }
0x65: {  	_ =	shalt  }
0x66: {  	_ =	shalt  }
0x67: {  	_ =	shalt  }
0x68: {  	_ =	shalt  }
0x69: {  	_ =	shalt  }
0x6a: {  	_ =	shalt  }
0x6b: {  	_ =	shalt  }
0x6c: {  	_ =	shalt  }
0x6d: {  	_ =	shalt  }
0x6e: {  	_ =	shalt  }
0x6f: {  	_ =	shalt  }
0x70: {  	_ =	shalt  }
0x71: {  	_ =	shalt  }
0x72: {  	_ =	shalt  }
0x73: {  	_ =	shalt  }
0x74: {  	_ =	shalt  }
0x75: {  	_ =	shalt  }
0x76: {  	_ =	shalt  }
0x77: {  	_ =	shalt  }
0x78: {  	_ =	shalt  }
0x79: {  	_ =	shalt  }
0x7a: {  	_ =	shalt  }
0x7b: {  	_ =	shalt  }
0x7c: {  	_ =	shalt  }
0x7d: {  	_ =	shalt  }
0x7e: {  	_ =	shalt  }
0x7f: {  	_ =	shalt  }
0x80: {  	_ =	shalt  }
0x81: {  	_ =	shalt  }
0x82: {  	_ =	shalt  }
0x83: {  	_ =	shalt  }
0x84: {  	_ =	shalt  }
0x85: {  	_ =	shalt  }
0x86: {  	_ =	shalt  }
0x87: {  	_ =	shalt  }
.Lfunc_end0:
.L_simem_size_0:
called_computation_lowered:
.L_overlay_start_0:
0x88: {  	s2 =	sld [smem:$0x3FD9]  }
0x89: {  	s3 =	sld [smem:$0x3FFE];
	_ =	sdelay $0x1  }
0x8a: {  	s1 =	srdreg.scid  }
0x8b: {  	s0 =	sand.u32 $0x1, s1  }
0x8c: {  	s17 =	sshll.u32 s0, $0xA;
	s2 =	sadd.s32 s3, s2  }
0x8d: {  	s2 =	sadd.s32 s2, s17  }
0x8e: {  	[smem:$0x3FC2] =	sst s2  }
0x8f: {  	_ = 	snop  }
0x90: {  	s2 =	sld [smem:$0x3FC8]  }
0x91: {  	s18 =	sld [smem:$0x3FD0];
	(tm) =	ssettm $0x1  }
0x92: {  	s4 =	sld [smem:$0x3FFB];
	_ =	sdelay $0x3  }
0x93: {  	_ =	strace s4  }
0x94: {  	s4 =	sld [smem:$0x3FFC];
	_ =	sdelay $0x3  }
0x95: {  	_ =	strace s4  }
0x96: {  	s4 =	sld [smem:$0x3FFD];
	_ =	sdelay $0x3  }
0x97: {  	_ =	strace s4  }
0x98: {  	_ =	strace $0x8FFFFFFF  }
0x99: {  	s19 =	sld [smem:$0x3FDB];
	_ =	sdelay $0x1  }
0x9a: {  	s5 =	simm.s32 $_scs_section_size  }
0x9b: {  	s6 =	simm.s32 $_size__tile_overlayer_lowered;
	s7 =	simm.s32 $_tile_overlayer_lowered  }
0x9c: {  	s22 =	simm.s32 $0x1BFF;
	s21 =	sshll.u32 s7, $0x1;
	s4 =	sadd.s32 s5, s19  }
0x9d: {  	s8 =	simm.s32 $0x0;
	s20 =	sshll.u32 s6, $0x1;
	s6 =	sadd.s32 s21, s4  }
0x9e: {  	[timem:s8], [sflag:s22] =	dma.local [hbm:s6], s20  }
0x9f: {  	_ =	swait.ge [sflag:s22], s20  }
0xa0: {  	s5 =	ssub.s32 $0x0, s20;
	[sflag:s22] =	ssyncset.done $0x0  }
0xa1: {  	[sflag:s22] =	ssyncadd.s32 s5;
	_ =	sdelay $0x1  }
0xa2: {  	s23 =	simm.s32 $0x1B8B  }
0xa3: {  	_ =	swait.ge [sflag:s23], $0x1  }
0xa4: {  	[sflag:s23] =	ssyncset.done $0x0  }
0xa5: {  	s25 =	simm.s32 $0x1B8E;
	s24 =	sld [smem:$0x3FFE];
	[sflag:s23] =	ssyncadd.s32 $0xFFFFFFFF  }
0xa6: {  	s26 =	simm.s32 $execute0_lowered;
	[smem:$0x3FD2] =	sst s25  }
0xa7: {  	s6 =	sshll.u32 s26, $0x1;
	_ =	strace $0x80000046;
	[dreg:$0x1] =	wrdreg $0xFFFFFFFF  }
0xa8: {  	s28 =	simm.s32 $_size_execute0_lowered;
	s4 =	sadd.s32 s4, s6;
	[dreg:$0x0] =	wrdreg $0x0  }
0xa9: {  	s6 =	sshll.u32 s28, $0x1;
	[dreg:$0x2] =	wrdreg s4  }
0xaa: {  	[dreg:$0x3] =	wrdreg s6  }
0xab: {  	[dreg:$0x4] =	wrdreg $0xC0  }
0xac: {  	_ =	task [dreg:s8], $0x5FFFF  }
0xad: {  	[dreg:$0x1] =	wrdreg $0xFFFFFFFF  }
0xae: {  	[dreg:$0x0] =	wrdreg $0x60  }
0xaf: {  	[dreg:$0x2] =	wrdreg s2  }
0xb0: {  	[dreg:$0x3] =	wrdreg s24  }
0xb1: {  	[dreg:$0x4] =	wrdreg s18  }
0xb2: {  	[dreg:$0x5] =	wrdreg $0x9  }
0xb3: {  	_ =	task.clear_ibuf [dreg:s8], $0x6FFFF;
	_ =	strace $0x90000046  }
0xb4: {  	s29 =	simm.s32 $0x9;
	_ =	strace $0x80000048  }
0xb5: {  	_ =	swait.ge [sflag:s29], $0x1  }
0xb6: {  	[sflag:s29] =	ssyncadd.s32 $0xFFFFFFFF  }
0xb7: {  	_ =	strace $0x90000048  }
0xb8: {  	_ =	sfence  }
0xb9: {  	s30 =	sld [smem:$0x0];
	_ =	sdelay $0x2  }
0xba: {  	s31 =	sshll.u32 s1, $0xD;
	s1 =	sshrl.u32 s1, $0x2  }
0xbb: {  	s3 =	sand.u32 $0x4000, s31;
	s1 =	sadd.s32 s1, s30  }
0xbc: {  	s0 =	sor.u32 s3, s0;
	s1 =	sshll.u32 s1, $0x11  }
0xbd: {  	s0 =	sor.u32 s1, s0  }
0xbe: {  	s0 =	sadd.s32 $0x8F2B, s0  }
0xbf: {  	[sflag:s0] =	ssyncadd.remote.s32 $0x1  }
0xc0: {  	_ =	sfence.sel $0xFFFF  }
0xc1: {  	[dreg:$0x0] =	wrdreg $0xFFFFFFFF;
	(pc) =	sbr.abs _section_cstart, $3  }
0xc2: {  	[dreg:$0x1] =	wrdreg $0xFFFFFFFF  }
0xc3: {  	_ =	task.clear_ibuf [dreg:s8], $0x2FFFF;
	_ =	strace $0x9FFFFFFF  }
0xc4: {  	(tm) =	ssettm $0x7FFFFFFF  }
0xc5: {  	_ =	shalt  }
tec
execute0_lowered:
.L_overlay_start_1:
0x0: {  	(tag) =	ssettag $0x1  }
0x1: {  	s1 =	rddreg [dreg:$0x0]  }
0x2: {  	s0 =	rddreg [dreg:$0x1]  }
0x3: {  	s3 =	rddreg [dreg:$0x2];
	s4 =	simm.s32 $0x0  }
0x4: {  	s5 =	srdreg.scid;
	s2 =	stileid.u32;
	s11 =	simm.s32 $0x1000  }
0x5: {  	s12 =	simm.s32 $0x14000;
	s13 =	simm.s32 $0x3;
	s14 =	simm.s32 $0x4  }
0x6: {  	s15 =	simm.s32 $0x1;
	s16 =	simm.s32 $0x1C400;
	s17 =	simm.s32 $0x1D480  }
0x7: {  	s18 =	simm.s32 $0x0;
	[smem:$0x7FF] =	sst s4;
	s5 =	sand.u32 $0x1, s5  }
0x8: {  	s6 =	sshll.u32 s2, $0x1;
	p0 =	slt.u32 s2, $0x8;
	_ =	strace $0x80000047  }
.Ltmp0:
0x9: {  	s7 =	ssub.s32 $0x2, s5;
	s8 =	sor.u32 s5, s6;
	(pc) =	sbr.rel .LBB2_1-.Ltmp0, $4  }
0xa: {  	s5 =	sadd.s32 $0xC00, s0;
	s9 =	sshrl.u32 s7, $0x1;
	s10 =	smul.u32 $0x6, s8  }
0xb: {  	s31 =	ssub.s32 s7, s9;
	s9 =	smul.u32 $0x7, s8;
	s8 =	simm.s32 $0x7  }
0xc: {  	v0 =	vimm.s32 $0x0;
	v1 =	vlaneseq.u32;
	s6 =	sadd.s32 $0x4000, s0;
	s7 =	sadd.s32 $0x10, s10;
	s8 =	simm.s32 @!p0 $0x6  }
0xd: {  	v4 =	vimm.s32 $0x18680;
	v2 =	vor.u32 $0x1010, v1;
	v3 =	vor.u32 $0x1000, v1;
	s10 =	simm.s32 $0x2;
	s7 =	smov.u32 @p0 s9;
	s9 =	smax.u32 s31, $0x1  }
.LBB2_27:
0xe: {  	s18 =	sadd.s32 $0x1, s18  }
0xf: {  	p0 =	sne.s32 s18, s9  }
.Ltmp1:
0x10: {  	_ = 	snop;
	(pc) =	sbr.rel @!p0 .LBB2_28-.Ltmp1, $4  }
0x11: {  	_ = 	snop  }
0x12: {  	_ =	swait.ge [sflag:s14], $0x8000  }
0x13: {  	[sflag:s14] =	ssyncset.done $0x0  }
0x14: {  	[sflag:s14] =	ssyncadd.s32 $0xFFFF8000  }
.LBB2_1:
.Ltmp2:
0x15: {  	(pc) =	sbr.rel .LBB2_2-.Ltmp2, $2  }
0x16: {  	_ =	sdelay $0x2  }
0x17: {  	s20 =	simm.s32 $0xFFFFFFFF;
	s19 =	simm.s32 $0x0  }
.LBB2_25:
0x18: {  	_ =	sdelay $0x3  }
0x19: {  	[tilespmem:v6+s12+$0x0] =	vst.idx.msk $0xffff, v5  }
.LBB2_26:
0x1a: {  	s0 =	sadd.s32 @!p0 $0x19A00, s22;
	s2 =	simm.s32 @!p0 $0xA800  }
0x1b: {  	[tilespmem:s2], [sflag:$0x3] =	stream.linear.gather @!p0 [hbm4b:s0+s24], $0x9800, $0x38;
	[tilespmem:$0x1E500] =	vst v63  }
0x1c: {  	p0 =	sne.s32 s19, s8  }
.Ltmp3:
0x1d: {  	_ = 	snop;
	(pc) =	sbr.rel @!p0 .LBB2_27-.Ltmp3, $4  }
0x1e: {  	_ = 	snop  }
0x1f: {  	s31 =	sshll.u32 s21, $0xC  }
0x20: {  	s0 =	sadd.s32 s6, s31  }
0x21: {  	[hbm4b:s0+s4] =	stream.linear.scatter [tilespmem:s12], [sflag:$0x4], $0x8000, $0x38;
	[tilespmem:$0x1E500] =	vst v63  }
.LBB2_2:
0x22: {  	s21 =	sadd.s32 s7, s19;
	p0 =	sne.s32 s19, $0x0  }
0x23: {  	s0 =	smul.u32 @!p0 $0xC3800, s21;
	_ =	sdelay $0x1  }
0x24: {  	s24 =	smov.u32 s20;
	s0 =	sshrl.u32 @!p0 s0, $0x3  }
0x25: {  	s22 =	simm.s32 @!p0 $0x0;
	s23 =	simm.s32 @!p0 $0x1000;
	s0 =	sadd.s32 @!p0 s1, s0  }
0x26: {  	[tilespmem:s23], [sflag:$0x2] =	stream.linear.gather @!p0 [hbm4b:s0+s22], $0x9800, $0x38;
	[tilespmem:$0x1E500] =	vst v63  }
0x27: {  	s20 =	sshrl.u32 s21, $0x3;
	s0 =	sadd.s32 @!p0 $0x1300, s0;
	s23 =	simm.s32 @!p0 $0xA800  }
0x28: {  	[tilespmem:s23], [sflag:$0x3] =	stream.linear.gather @!p0 [hbm4b:s0+s22], $0x9800, $0x38;
	[tilespmem:$0x1E500] =	vst v63  }
0x29: {  	p0 =	seq.s32 s20, s24  }
.Ltmp4:
0x2a: {  	_ = 	snop;
	(pc) =	sbr.rel @p0 .LBB2_8-.Ltmp4, $1  }
0x2b: {  	_ =	sdelay $0x3  }
0x2c: {  	s0 =	sshll.u32 s20, $0x9  }
0x2d: {  	s0 =	sand.u32 $0x1FFFFE00, s0  }
0x2e: {  	s22 =	sadd.s32 s5, s0;
	s0 =	simm.s32 $0x0  }
0x2f: {  	[tilespmem:s0], [sflag:$0x1] =	stream.linear.gather [hbm4b:s22+s0], $0x1000, $0x38;
	[tilespmem:$0x1E500] =	vst v63  }
0x30: {  	_ =	swait.ge [sflag:s15], $0x1000  }
0x31: {  	[sflag:s15] =	ssyncset.done $0x0  }
0x32: {  	s23 =	simm.s32 $0x0;
	s22 =	simm.s32 $0x0;
	[sflag:s15] =	ssyncadd.s32 $0xFFFFF000  }
.LBB2_4:
0x33: {  	v6 =	vld [tilespmem:s0+$0x0];
	_ =	sdelay $0x4  }
0x34: {  	v5 =	vshrl.u32 v6, $0x7  }
0x35: {  	v5 =	vmul.u32 $0x6BD, v5;
	_ =	sdelay $0x1  }
0x36: {  	vm0 =	vgt.s32 v6, $0x1867F;
	v7 =	vshrl.u32 v5, $0x10  }
0x37: {  	v5 =	vmov s22;
	v7 =	vsel vm0, $0x15, v7  }
0x38: {  	vm0 =	veq.s32 v7, v5  }
0x39: {  	v7 =	vsel vm0, $0x1, v0  }
0x3a: {  	(xrf0) =	vadd.scan.msk.s32 $0xffff, v7;
	_ =	sdelay $0x5  }
0x3b: {  	v7 =	vsel vm0, $0xFFFFFFFF, v0;
	v8, _, _ =	vpop (xrf0)  }
0x3c: {  	v7 =	vadd.s32 s23, v7;
	(v2sf) =	vpush v8, $0xF  }
0x3d: {  	v7 =	vadd.s32 v8, v7  }
0x3e: {  	v7 =	vsel vm0, v7, v2;
	_ =	sdelay $0x4  }
0x3f: {  	[tilespmem:v7+s16+$0x0] =	vst.idx.msk $0xffff, v6;
	v6 =	vor.u32 s0, v1  }
0x40: {  	s24 =	simm.s32 $0x10;
	[tilespmem:v7+s17+$0x0] =	vst.idx.msk $0xffff, v6  }
0x41: {  	v6 =	vld [tilespmem:s24+$0x0];
	_ =	sdelay $0x4  }
0x42: {  	[smem:s22] =	sst s23;
	v7 =	vshrl.u32 v6, $0x7  }
0x43: {  	s25 =	simm.s32 $0x20;
	s26 =	simm.s32 $0x10;
	vm0 =	vgt.s32 v6, $0x1867F;
	v7 =	vmul.u32 $0x6BD, v7;
	s28 =	spop (v2sf)  }
.LBB2_5:
0x44: {  	p0 =	sne.s32 s25, $0xFF0  }
0x45: {  	v7 =	vshrl.u32 v7, $0x10;
	s23 =	sadd.s32 s23, s28;
	s28 =	smov.u32 s25;
	s25 =	sadd.s32 $0x10, s25  }
0x46: {  	v7 =	vsel vm0, $0x15, v7  }
0x47: {  	vm0 =	veq.s32 v7, v5  }
0x48: {  	v7 =	vsel vm0, $0xFFFFFFFF, v0;
	v8 =	vsel vm0, $0x1, v0  }
0x49: {  	(xrf0) =	vadd.scan.msk.s32 $0xffff, v8;
	_ =	sdelay $0x5  }
0x4a: {  	v7 =	vadd.s32 s23, v7;
	v8, _, _ =	vpop (xrf0)  }
0x4b: {  	v7 =	vadd.s32 v8, v7;
	(v2sf) =	vpush v8, $0xF  }
0x4c: {  	v7 =	vsel vm0, v7, v2;
	_ =	sdelay $0x4  }
0x4d: {  	[tilespmem:v7+s16+$0x0] =	vst.idx.msk $0xffff, v6;
	v6 =	vor.u32 s24, v1;
	s24 =	smov.u32 s28  }
0x4e: {  	s26 =	sadd.s32 $0x10, s26;
	[tilespmem:v7+s17+$0x0] =	vst.idx.msk $0xffff, v6  }
0x4f: {  	v6 =	vld [tilespmem:s26+$0x0];
	_ =	sdelay $0x2  }
.Ltmp5:
0x50: {  	(pc) =	sbr.rel @p0 .LBB2_5-.Ltmp5, $4  }
0x51: {  	_ = 	snop  }
0x52: {  	v7 =	vshrl.u32 v6, $0x7;
	vm0 =	vgt.s32 v6, $0x1867F  }
0x53: {  	v7 =	vmul.u32 $0x6BD, v7  }
0x54: {  	s28 =	spop (v2sf)  }
0x55: {  	v7 =	vshrl.u32 v7, $0x10  }
0x56: {  	v7 =	vsel vm0, $0x15, v7  }
0x57: {  	vm0 =	veq.s32 v7, v5  }
0x58: {  	v5 =	vsel vm0, $0x1, v0  }
0x59: {  	(xrf0) =	vadd.scan.msk.s32 $0xffff, v5;
	_ =	sdelay $0x5  }
0x5a: {  	v5, _, _ =	vpop (xrf0)  }
0x5b: {  	(v2sf) =	vpush v5, $0xF;
	_ =	sdelay $0x6  }
0x5c: {  	s23 =	sadd.s32 s23, s28;
	v7 =	vsel vm0, $0xFFFFFFFF, v0  }
0x5d: {  	v7 =	vadd.s32 s23, v7  }
0x5e: {  	v5 =	vadd.s32 v5, v7  }
0x5f: {  	s22 =	sadd.s32 $0x1, s22;
	v5 =	vsel vm0, v5, v2  }
0x60: {  	p0 =	sne.s32 s22, $0x16  }
.Ltmp6:
0x61: {  	_ = 	snop;
	(pc) =	sbr.rel @p0 .LBB2_4-.Ltmp6, $3  }
0x62: {  	_ =	sdelay $0x1  }
0x63: {  	[tilespmem:v5+s16+$0x0] =	vst.idx.msk $0xffff, v6;
	v6 =	vor.u32 s24, v1;
	s31 =	spop (v2sf)  }
0x64: {  	[tilespmem:v5+s17+$0x0] =	vst.idx.msk $0xffff, v6;
	s23 =	sadd.s32 s23, s31  }
0x65: {  	[tilespmem:$0x1E480] =	vst v3  }
0x66: {  	[smem:$0x16] =	sst s23;
	[tilespmem:$0x1D400] =	vst v4  }
.LBB2_8:
0x67: {  	s22 =	smul.u32 $0xC3800, s21  }
.Ltmp7:
0x68: {  	p0 =	seq.s32 s19, $0x0;
	(pc) =	sbr.rel .LBB2_9-.Ltmp7, $4  }
0x69: {  	s0 =	simm.s32 @!p0 $0x4  }
0x6a: {  	s24 =	sshll.u32 s21, $0x7;
	_ =	swait.ge @!p0 [sflag:s0], $0x8000;
	s23 =	sshrl.u32 s22, $0x3  }
0x6b: {  	s25 =	simm.s32 $0x0;
	[sflag:s0] =	ssyncset.done @!p0 $0x0;
	s31 =	sadd.s32 s1, s23  }
0x6c: {  	s24 =	sadd.s32 s3, s24;
	[sflag:s0] =	ssyncadd.s32 @!p0 $0xFFFF8000;
	s23 =	sadd.s32 $0x17C00, s31  }
.LBB2_16:
0x6d: {  	_ =	sdelay $0x3  }
0x6e: {  	[tilespmem:v7+s12+$0x0] =	vst.idx.msk $0xffff, v6  }
.LBB2_17:
0x6f: {  	s0 =	sadd.s32 $0x3, s26  }
0x70: {  	s2 =	smul.u32 @!p0 $0x9800, s0;
	_ =	sdelay $0x1  }
0x71: {  	s2 =	sadd.s32 @!p0 s22, s2  }
0x72: {  	s2 =	sshrl.u32 @!p0 s2, $0x3  }
0x73: {  	s26 =	simm.s32 @!p0 $0xA800;
	s2 =	sadd.s32 @!p0 s1, s2  }
0x74: {  	[tilespmem:s26], [sflag:$0x3] =	stream.linear.gather @!p0 [hbm4b:s2+s30], $0x9800, $0x38;
	[tilespmem:$0x1E500] =	vst v63  }
0x75: {  	p0 =	sne.s32 s0, $0x15  }
0x76: {  	s25 =	sadd.s32 $0x1, s25;
	s0 =	simm.s32 @!p0 $0x0;
	s2 =	simm.s32 @!p0 $0xA800  }
0x77: {  	[tilespmem:s2], [sflag:$0x3] =	stream.linear.gather @!p0 [hbm4b:s24+s0], $0x400, $0x38;
	[tilespmem:$0x1E500] =	vst v63  }
0x78: {  	p0 =	sne.s32 s25, $0xA  }
.Ltmp8:
0x79: {  	_ = 	snop;
	(pc) =	sbr.rel @!p0 .LBB2_18-.Ltmp8, $1  }
0x7a: {  	_ =	sdelay $0x3  }
.LBB2_9:
0x7b: {  	_ =	swait.ge [sflag:s10], $0x9800  }
0x7c: {  	[sflag:s10] =	ssyncset.done $0x0  }
0x7d: {  	s26 =	sshll.u32 s25, $0x1;
	[sflag:s10] =	ssyncadd.s32 $0xFFFF6800  }
0x7e: {  	s0 =	sshllo.u32 s25, $0x1;
	s30 =	sld [smem:s26+$0x0]  }
0x7f: {  	s29 =	sld [smem:s0+$0x0];
	_ =	sdelay $0x2  }
0x80: {  	s0 =	ssub.s32 s29, s30  }
0x81: {  	s0 =	sadd.s32 $0xF, s0  }
0x82: {  	p0 =	slt.s32 s0, $0x10  }
.Ltmp9:
0x83: {  	_ = 	snop;
	(pc) =	sbr.rel @p0 .LBB2_13-.Ltmp9, $2  }
0x84: {  	_ =	sdelay $0x2  }
0x85: {  	s28 =	smul.u32 $0xFFFFDA00, s25  }
0x86: {  	s30 =	sshll.u32 s30, $0x2  }
0x87: {  	s31 =	sshra.s32 s30, $0x2  }
0x88: {  	s30 =	sadd.s32 $0x1C400, s31  }
0x89: {  	v6 =	vld [tilespmem:s30+$0x0];
	_ =	sdelay $0x3  }
0x8a: {  	v5 =	vmov s28  }
0x8b: {  	v6 =	vadd.s32 v5, v6  }
0x8c: {  	vm0 =	vgt.s32 v6, $0x0  }
0x8d: {  	v6 =	vnsel vm0, $0x0, v6  }
0x8e: {  	s31 =	sadd.s32 $0x1D480, s31;
	v6 =	vmin.u32 v6, $0x12FF  }
0x8f: {  	v8 =	vld [tilespmem:s31+$0x0];
	v7 =	vshll.u32 v6, $0x3  }
0x90: {  	v6 =	vand.u32 $0x7F, v6;
	v7 =	vand.u32 $0xFC00, v7  }
0x91: {  	v6 =	vor.u32 v6, v7;
	_ =	sdelay $0x2  }
0x92: {  	v7 =	vshll.u32 v8, $0x3  }
0x93: {  	v8 =	vand.u32 $0x7F, v8;
	v7 =	vand.u32 $0xFFFFFC00, v7  }
0x94: {  	v7 =	vor.u32 v8, v7;
	v9 =	vld.idx.msk [tilespmem:v6+s11+$0x0], $0xffff  }
0x95: {  	v8 =	vor.u32 $0x80, v6;
	_ =	sdelay $0x3  }
0x96: {  	[tilespmem:v7+s12+$0x0] =	vst.idx.msk $0xffff, v9  }
0x97: {  	v54 =	vor.u32 $0x80, v7;
	v8 =	vld.idx.msk [tilespmem:v8+s11+$0x0], $0xffff  }
0x98: {  	v10 =	vor.u32 $0x100, v6;
	_ =	sdelay $0x3  }
0x99: {  	[tilespmem:v54+s12+$0x0] =	vst.idx.msk $0xffff, v8  }
0x9a: {  	v55 =	vor.u32 $0x100, v7;
	v8 =	vld.idx.msk [tilespmem:v10+s11+$0x0], $0xffff  }
0x9b: {  	v56 =	vor.u32 $0x180, v6;
	_ =	sdelay $0x3  }
0x9c: {  	[tilespmem:v55+s12+$0x0] =	vst.idx.msk $0xffff, v8  }
0x9d: {  	v57 =	vor.u32 $0x180, v7;
	v8 =	vld.idx.msk [tilespmem:v56+s11+$0x0], $0xffff  }
0x9e: {  	v58 =	vor.u32 $0x200, v6;
	_ =	sdelay $0x3  }
0x9f: {  	[tilespmem:v57+s12+$0x0] =	vst.idx.msk $0xffff, v8  }
0xa0: {  	v59 =	vor.u32 $0x200, v7;
	v8 =	vld.idx.msk [tilespmem:v58+s11+$0x0], $0xffff  }
0xa1: {  	v60 =	vor.u32 $0x280, v6;
	_ =	sdelay $0x3  }
0xa2: {  	[tilespmem:v59+s12+$0x0] =	vst.idx.msk $0xffff, v8  }
0xa3: {  	v61 =	vor.u32 $0x280, v7;
	v8 =	vld.idx.msk [tilespmem:v60+s11+$0x0], $0xffff  }
0xa4: {  	v62 =	vor.u32 $0x300, v6;
	_ =	sdelay $0x1  }
0xa5: {  	s2 =	sshra.s32 s0, $0x1F  }
0xa6: {  	s2 =	sshrl.u32 s2, $0x1C  }
0xa7: {  	s2 =	sadd.s32 s2, s0;
	[tilespmem:v61+s12+$0x0] =	vst.idx.msk $0xffff, v8  }
0xa8: {  	s0 =	sshra.s32 s2, $0x4;
	v63 =	vor.u32 $0x300, v7;
	v8 =	vld.idx.msk [tilespmem:v62+s11+$0x0], $0xffff  }
0xa9: {  	p0 =	sne.s32 s0, $0x1;
	v6 =	vor.u32 $0x380, v6  }
.Ltmp10:
0xaa: {  	_ = 	snop;
	(pc) =	sbr.rel @!p0 .LBB2_12-.Ltmp10, $3  }
0xab: {  	_ =	sdelay $0x1  }
0xac: {  	[tilespmem:v63+s12+$0x0] =	vst.idx.msk $0xffff, v8  }
0xad: {  	s0 =	sadd.s32 $0xFFFFFFFF, s0;
	v7 =	vor.u32 $0x380, v7;
	v6 =	vld.idx.msk [tilespmem:v6+s11+$0x0], $0xffff  }
.LBB2_11:
0xae: {  	_ =	sdelay $0x3  }
0xaf: {  	p0 =	sne.s32 s0, $0x1;
	s30 =	sadd.s32 $0x10, s30;
	s31 =	sadd.s32 $0x10, s31;
	[tilespmem:v7+s12+$0x0] =	vst.idx.msk $0xffff, v6  }
0xb0: {  	s0 =	sadd.s32 $0xFFFFFFFF, s0;
	v6 =	vld [tilespmem:s30+$0x0];
	_ =	sdelay $0x4  }
0xb1: {  	v6 =	vadd.s32 v5, v6  }
0xb2: {  	vm0 =	vgt.s32 v6, $0x0  }
0xb3: {  	v6 =	vnsel vm0, $0x0, v6  }
0xb4: {  	v6 =	vmin.u32 v6, $0x12FF  }
0xb5: {  	v7 =	vshll.u32 v6, $0x3  }
0xb6: {  	v6 =	vand.u32 $0x7F, v6;
	v8 =	vld [tilespmem:s31+$0x0];
	v7 =	vand.u32 $0xFC00, v7  }
0xb7: {  	v6 =	vor.u32 v6, v7;
	_ =	sdelay $0x3  }
0xb8: {  	v7 =	vshll.u32 v8, $0x3  }
0xb9: {  	v8 =	vand.u32 $0x7F, v8;
	v9 =	vld.idx.msk [tilespmem:v6+s11+$0x0], $0xffff;
	v7 =	vand.u32 $0xFFFFFC00, v7  }
0xba: {  	v7 =	vor.u32 v8, v7  }
0xbb: {  	v8 =	vor.u32 $0x80, v6;
	_ =	sdelay $0x3  }
0xbc: {  	[tilespmem:v7+s12+$0x0] =	vst.idx.msk $0xffff, v9  }
0xbd: {  	v8 =	vld.idx.msk [tilespmem:v8+s11+$0x0], $0xffff  }
0xbe: {  	v9 =	vor.u32 $0x80, v7  }
0xbf: {  	v10 =	vor.u32 $0x100, v6;
	_ =	sdelay $0x3  }
0xc0: {  	[tilespmem:v9+s12+$0x0] =	vst.idx.msk $0xffff, v8  }
0xc1: {  	v8 =	vld.idx.msk [tilespmem:v10+s11+$0x0], $0xffff  }
0xc2: {  	v9 =	vor.u32 $0x100, v7  }
0xc3: {  	v10 =	vor.u32 $0x180, v6;
	_ =	sdelay $0x3  }
0xc4: {  	[tilespmem:v9+s12+$0x0] =	vst.idx.msk $0xffff, v8  }
0xc5: {  	v8 =	vld.idx.msk [tilespmem:v10+s11+$0x0], $0xffff  }
0xc6: {  	v9 =	vor.u32 $0x180, v7  }
0xc7: {  	v10 =	vor.u32 $0x200, v6;
	_ =	sdelay $0x3  }
0xc8: {  	[tilespmem:v9+s12+$0x0] =	vst.idx.msk $0xffff, v8  }
0xc9: {  	v8 =	vld.idx.msk [tilespmem:v10+s11+$0x0], $0xffff  }
0xca: {  	v9 =	vor.u32 $0x200, v7  }
0xcb: {  	v10 =	vor.u32 $0x280, v6;
	_ =	sdelay $0x3  }
0xcc: {  	[tilespmem:v9+s12+$0x0] =	vst.idx.msk $0xffff, v8  }
0xcd: {  	v8 =	vld.idx.msk [tilespmem:v10+s11+$0x0], $0xffff  }
0xce: {  	v9 =	vor.u32 $0x280, v7  }
0xcf: {  	v10 =	vor.u32 $0x300, v6;
	_ =	sdelay $0x3  }
0xd0: {  	[tilespmem:v9+s12+$0x0] =	vst.idx.msk $0xffff, v8  }
0xd1: {  	v8 =	vld.idx.msk [tilespmem:v10+s11+$0x0], $0xffff  }
0xd2: {  	v9 =	vor.u32 $0x300, v7  }
0xd3: {  	v6 =	vor.u32 $0x380, v6;
	_ =	sdelay $0x1  }
.Ltmp11:
0xd4: {  	(pc) =	sbr.rel @p0 .LBB2_11-.Ltmp11, $4  }
0xd5: {  	_ = 	snop  }
0xd6: {  	[tilespmem:v9+s12+$0x0] =	vst.idx.msk $0xffff, v8  }
0xd7: {  	v6 =	vld.idx.msk [tilespmem:v6+s11+$0x0], $0xffff  }
0xd8: {  	v7 =	vor.u32 $0x380, v7  }
.LBB2_12:
0xd9: {  	_ =	sdelay $0x3  }
0xda: {  	[tilespmem:v7+s12+$0x0] =	vst.idx.msk $0xffff, v6  }
.LBB2_13:
0xdb: {  	s0 =	sadd.s32 $0x2, s26;
	p0 =	seq.s32 s25, $0x9  }
0xdc: {  	s2 =	smul.u32 @!p0 $0x9800, s0;
	_ =	sdelay $0x1  }
0xdd: {  	s2 =	sadd.s32 @!p0 s22, s2  }
0xde: {  	s30 =	simm.s32 @!p0 $0x0;
	s2 =	sshrl.u32 @!p0 s2, $0x3  }
0xdf: {  	s31 =	simm.s32 @!p0 $0x1000;
	p1 =	sne.s32 s0, $0x14;
	s2 =	sadd.s32 @!p0 s1, s2  }
0xe0: {  	[tilespmem:s31], [sflag:$0x2] =	stream.linear.gather @!p0 [hbm4b:s2+s30], $0x9800, $0x38;
	[tilespmem:$0x1E500] =	vst v63  }
0xe1: {  	s2 =	simm.s32 @!p1 $0x0;
	s31 =	simm.s32 @!p1 $0x1000  }
0xe2: {  	[tilespmem:s31], [sflag:$0x2] =	stream.linear.gather @!p1 [hbm4b:s23+s2], $0x5400, $0x38;
	[tilespmem:$0x1E500] =	vst v63  }
0xe3: {  	_ =	swait.ge [sflag:s13], $0x9800  }
0xe4: {  	[sflag:s13] =	ssyncset.done $0x0  }
0xe5: {  	[sflag:s13] =	ssyncadd.s32 $0xFFFF6800  }
0xe6: {  	s0 =	sld [smem:s0+$0x0];
	_ =	sdelay $0x2  }
0xe7: {  	s0 =	ssub.s32 s0, s29  }
0xe8: {  	s0 =	sadd.s32 $0xF, s0  }
0xe9: {  	p1 =	slt.s32 s0, $0x10  }
.Ltmp12:
0xea: {  	_ = 	snop;
	(pc) =	sbr.rel @p1 .LBB2_17-.Ltmp12, $1  }
0xeb: {  	_ =	sdelay $0x3  }
0xec: {  	s2 =	sshll.u32 s29, $0x2  }
0xed: {  	s2 =	sshra.s32 s2, $0x2  }
0xee: {  	s29 =	sadd.s32 $0x1C400, s2  }
0xef: {  	v6 =	vld [tilespmem:s29+$0x0];
	_ =	sdelay $0x2  }
0xf0: {  	s28 =	sadd.s32 $0xFFFFED00, s28  }
0xf1: {  	v5 =	vmov s28  }
0xf2: {  	v6 =	vadd.s32 v5, v6  }
0xf3: {  	vm0 =	vgt.s32 v6, $0x0  }
0xf4: {  	v6 =	vnsel vm0, $0x0, v6  }
0xf5: {  	v6 =	vmin.u32 v6, $0x12FF  }
0xf6: {  	s28 =	sadd.s32 $0x1D480, s2;
	v7 =	vshll.u32 v6, $0x3  }
0xf7: {  	v8 =	vld [tilespmem:s28+$0x0];
	v6 =	vand.u32 $0x7F, v6;
	v7 =	vand.u32 $0xFC00, v7  }
0xf8: {  	v6 =	vor.u32 v6, v7  }
0xf9: {  	v7 =	vadd.s32 $0x9800, v6;
	_ =	sdelay $0x2  }
0xfa: {  	v9 =	vshll.u32 v8, $0x3  }
0xfb: {  	v8 =	vand.u32 $0x7F, v8;
	v9 =	vand.u32 $0xFFFFFC00, v9  }
0xfc: {  	v8 =	vor.u32 v8, v9;
	v7 =	vld.idx.msk [tilespmem:v7+s11+$0x0], $0xffff  }
0xfd: {  	v53 =	vadd.s32 $0x9880, v6;
	_ =	sdelay $0x3  }
0xfe: {  	[tilespmem:v8+s12+$0x0] =	vst.idx.msk $0xffff, v7  }
0xff: {  	v54 =	vor.u32 $0x80, v8;
	v7 =	vld.idx.msk [tilespmem:v53+s11+$0x0], $0xffff  }
0x100: {  	v10 =	vadd.s32 $0x9900, v6;
	_ =	sdelay $0x3  }
0x101: {  	[tilespmem:v54+s12+$0x0] =	vst.idx.msk $0xffff, v7  }
0x102: {  	v55 =	vor.u32 $0x100, v8;
	v7 =	vld.idx.msk [tilespmem:v10+s11+$0x0], $0xffff  }
0x103: {  	v56 =	vadd.s32 $0x9980, v6;
	_ =	sdelay $0x3  }
0x104: {  	[tilespmem:v55+s12+$0x0] =	vst.idx.msk $0xffff, v7  }
0x105: {  	v57 =	vor.u32 $0x180, v8;
	v7 =	vld.idx.msk [tilespmem:v56+s11+$0x0], $0xffff  }
0x106: {  	v58 =	vadd.s32 $0x9A00, v6;
	_ =	sdelay $0x3  }
0x107: {  	[tilespmem:v57+s12+$0x0] =	vst.idx.msk $0xffff, v7  }
0x108: {  	v59 =	vor.u32 $0x200, v8;
	v7 =	vld.idx.msk [tilespmem:v58+s11+$0x0], $0xffff  }
0x109: {  	v60 =	vadd.s32 $0x9A80, v6;
	_ =	sdelay $0x3  }
0x10a: {  	[tilespmem:v59+s12+$0x0] =	vst.idx.msk $0xffff, v7  }
0x10b: {  	v61 =	vor.u32 $0x280, v8;
	v7 =	vld.idx.msk [tilespmem:v60+s11+$0x0], $0xffff  }
0x10c: {  	v62 =	vadd.s32 $0x9B00, v6;
	_ =	sdelay $0x3  }
0x10d: {  	[tilespmem:v61+s12+$0x0] =	vst.idx.msk $0xffff, v7  }
0x10e: {  	v63 =	vor.u32 $0x300, v8;
	v7 =	vld.idx.msk [tilespmem:v62+s11+$0x0], $0xffff  }
0x10f: {  	s2 =	sshra.s32 s0, $0x1F;
	v6 =	vadd.s32 $0x9B80, v6  }
0x110: {  	s2 =	sshrl.u32 s2, $0x1C  }
0x111: {  	s2 =	sadd.s32 s2, s0  }
0x112: {  	s0 =	sshra.s32 s2, $0x4  }
0x113: {  	p1 =	sne.s32 s0, $0x1;
	[tilespmem:v63+s12+$0x0] =	vst.idx.msk $0xffff, v7  }
.Ltmp13:
0x114: {  	v7 =	vor.u32 $0x380, v8;
	v6 =	vld.idx.msk [tilespmem:v6+s11+$0x0], $0xffff;
	(pc) =	sbr.rel @!p1 .LBB2_16-.Ltmp13, $2  }
0x115: {  	_ =	sdelay $0x2  }
0x116: {  	s31 =	sadd.s32 $0xFFFFFFFF, s0  }
.LBB2_15:
0x117: {  	p1 =	sne.s32 s31, $0x1;
	[tilespmem:v7+s12+$0x0] =	vst.idx.msk $0xffff, v6;
	s29 =	sadd.s32 $0x10, s29;
	s28 =	sadd.s32 $0x10, s28  }
0x118: {  	s31 =	sadd.s32 $0xFFFFFFFF, s31;
	v6 =	vld [tilespmem:s29+$0x0];
	_ =	sdelay $0x4  }
0x119: {  	v6 =	vadd.s32 v5, v6  }
0x11a: {  	vm0 =	vgt.s32 v6, $0x0  }
0x11b: {  	v6 =	vnsel vm0, $0x0, v6  }
0x11c: {  	v6 =	vmin.u32 v6, $0x12FF  }
0x11d: {  	v7 =	vshll.u32 v6, $0x3  }
0x11e: {  	v6 =	vand.u32 $0x7F, v6;
	v7 =	vand.u32 $0xFC00, v7  }
0x11f: {  	v8 =	vld [tilespmem:s28+$0x0];
	v6 =	vor.u32 v6, v7  }
0x120: {  	v7 =	vadd.s32 $0x9800, v6;
	_ =	sdelay $0x3  }
0x121: {  	v9 =	vshll.u32 v8, $0x3  }
0x122: {  	v8 =	vand.u32 $0x7F, v8;
	v7 =	vld.idx.msk [tilespmem:v7+s11+$0x0], $0xffff;
	v9 =	vand.u32 $0xFFFFFC00, v9  }
0x123: {  	v8 =	vor.u32 v8, v9  }
0x124: {  	v9 =	vadd.s32 $0x9880, v6;
	_ =	sdelay $0x3  }
0x125: {  	[tilespmem:v8+s12+$0x0] =	vst.idx.msk $0xffff, v7  }
0x126: {  	v7 =	vld.idx.msk [tilespmem:v9+s11+$0x0], $0xffff  }
0x127: {  	v9 =	vor.u32 $0x80, v8  }
0x128: {  	v10 =	vadd.s32 $0x9900, v6;
	_ =	sdelay $0x3  }
0x129: {  	[tilespmem:v9+s12+$0x0] =	vst.idx.msk $0xffff, v7  }
0x12a: {  	v7 =	vld.idx.msk [tilespmem:v10+s11+$0x0], $0xffff  }
0x12b: {  	v9 =	vor.u32 $0x100, v8  }
0x12c: {  	v10 =	vadd.s32 $0x9980, v6;
	_ =	sdelay $0x3  }
0x12d: {  	[tilespmem:v9+s12+$0x0] =	vst.idx.msk $0xffff, v7  }
0x12e: {  	v7 =	vld.idx.msk [tilespmem:v10+s11+$0x0], $0xffff  }
0x12f: {  	v9 =	vor.u32 $0x180, v8  }
0x130: {  	v10 =	vadd.s32 $0x9A00, v6;
	_ =	sdelay $0x3  }
0x131: {  	[tilespmem:v9+s12+$0x0] =	vst.idx.msk $0xffff, v7  }
0x132: {  	v7 =	vld.idx.msk [tilespmem:v10+s11+$0x0], $0xffff  }
0x133: {  	v9 =	vor.u32 $0x200, v8  }
0x134: {  	v10 =	vadd.s32 $0x9A80, v6;
	_ =	sdelay $0x3  }
0x135: {  	[tilespmem:v9+s12+$0x0] =	vst.idx.msk $0xffff, v7  }
0x136: {  	v7 =	vld.idx.msk [tilespmem:v10+s11+$0x0], $0xffff  }
0x137: {  	v9 =	vor.u32 $0x280, v8  }
0x138: {  	v10 =	vadd.s32 $0x9B00, v6;
	_ =	sdelay $0x3  }
0x139: {  	[tilespmem:v9+s12+$0x0] =	vst.idx.msk $0xffff, v7  }
0x13a: {  	v7 =	vld.idx.msk [tilespmem:v10+s11+$0x0], $0xffff  }
0x13b: {  	v9 =	vor.u32 $0x300, v8  }
0x13c: {  	v6 =	vadd.s32 $0x9B80, v6;
	_ =	sdelay $0x1  }
.Ltmp14:
0x13d: {  	(pc) =	sbr.rel @p1 .LBB2_15-.Ltmp14, $4  }
0x13e: {  	_ = 	snop  }
0x13f: {  	[tilespmem:v9+s12+$0x0] =	vst.idx.msk $0xffff, v7  }
0x140: {  	v6 =	vld.idx.msk [tilespmem:v6+s11+$0x0], $0xffff  }
0x141: {  	v7 =	vor.u32 $0x380, v8  }
.Ltmp15:
0x142: {  	_ = 	snop;
	(pc) =	sbr.rel .LBB2_16-.Ltmp15, $1  }
0x143: {  	_ =	sdelay $0x3  }
.LBB2_18:
0x144: {  	_ =	swait.ge [sflag:s10], $0x5400  }
0x145: {  	[sflag:s10] =	ssyncset.done $0x0  }
0x146: {  	[sflag:s10] =	ssyncadd.s32 $0xFFFFAC00  }
0x147: {  	s24 =	sld [smem:$0x14]  }
0x148: {  	s23 =	sld [smem:$0x15];
	_ =	sdelay $0x2  }
0x149: {  	s0 =	ssub.s32 s23, s24  }
0x14a: {  	s0 =	sadd.s32 $0xF, s0  }
0x14b: {  	p0 =	slt.s32 s0, $0x10  }
.Ltmp16:
0x14c: {  	_ = 	snop;
	(pc) =	sbr.rel @p0 .LBB2_22-.Ltmp16, $1  }
0x14d: {  	_ =	sdelay $0x3  }
0x14e: {  	s2 =	sshll.u32 s24, $0x2  }
0x14f: {  	s2 =	sshra.s32 s2, $0x2  }
0x150: {  	s24 =	sadd.s32 $0x1C400, s2  }
0x151: {  	v5 =	vld [tilespmem:s24+$0x0];
	_ =	sdelay $0x4  }
0x152: {  	v5 =	vadd.s32 $0xFFFE8400, v5  }
0x153: {  	vm0 =	vgt.s32 v5, $0x0  }
0x154: {  	v5 =	vnsel vm0, $0x0, v5  }
0x155: {  	s25 =	sadd.s32 $0x1D480, s2;
	v5 =	vmin.u32 v5, $0x12FF  }
0x156: {  	v7 =	vld [tilespmem:s25+$0x0];
	v6 =	vshll.u32 v5, $0x3  }
0x157: {  	v5 =	vand.u32 $0x7F, v5;
	v6 =	vand.u32 $0xFC00, v6  }
0x158: {  	v5 =	vor.u32 v5, v6;
	_ =	sdelay $0x2  }
0x159: {  	v6 =	vshll.u32 v7, $0x3  }
0x15a: {  	v7 =	vand.u32 $0x7F, v7;
	v6 =	vand.u32 $0xFFFFFC00, v6  }
0x15b: {  	v6 =	vor.u32 v7, v6;
	v8 =	vld.idx.msk [tilespmem:v5+s11+$0x0], $0xffff  }
0x15c: {  	v7 =	vor.u32 $0x80, v5;
	_ =	sdelay $0x3  }
0x15d: {  	[tilespmem:v6+s12+$0x0] =	vst.idx.msk $0xffff, v8  }
0x15e: {  	v8 =	vor.u32 $0x80, v6;
	v7 =	vld.idx.msk [tilespmem:v7+s11+$0x0], $0xffff  }
0x15f: {  	v9 =	vor.u32 $0x100, v5;
	_ =	sdelay $0x3  }
0x160: {  	[tilespmem:v8+s12+$0x0] =	vst.idx.msk $0xffff, v7  }
0x161: {  	v8 =	vor.u32 $0x100, v6;
	v7 =	vld.idx.msk [tilespmem:v9+s11+$0x0], $0xffff  }
0x162: {  	v60 =	vor.u32 $0x180, v5;
	_ =	sdelay $0x3  }
0x163: {  	[tilespmem:v8+s12+$0x0] =	vst.idx.msk $0xffff, v7  }
0x164: {  	v8 =	vor.u32 $0x180, v6;
	v7 =	vld.idx.msk [tilespmem:v60+s11+$0x0], $0xffff  }
0x165: {  	v61 =	vor.u32 $0x200, v5;
	_ =	sdelay $0x3  }
0x166: {  	[tilespmem:v8+s12+$0x0] =	vst.idx.msk $0xffff, v7  }
0x167: {  	v8 =	vor.u32 $0x200, v6;
	v7 =	vld.idx.msk [tilespmem:v61+s11+$0x0], $0xffff  }
0x168: {  	v62 =	vor.u32 $0x280, v5;
	_ =	sdelay $0x3  }
0x169: {  	[tilespmem:v8+s12+$0x0] =	vst.idx.msk $0xffff, v7  }
0x16a: {  	v8 =	vor.u32 $0x280, v6;
	v7 =	vld.idx.msk [tilespmem:v62+s11+$0x0], $0xffff  }
0x16b: {  	v63 =	vor.u32 $0x300, v5;
	_ =	sdelay $0x1  }
0x16c: {  	s30 =	sshra.s32 s0, $0x1F  }
0x16d: {  	s2 =	sshrl.u32 s30, $0x1C  }
0x16e: {  	s31 =	sadd.s32 s2, s0;
	[tilespmem:v8+s12+$0x0] =	vst.idx.msk $0xffff, v7  }
0x16f: {  	s0 =	sshra.s32 s31, $0x4;
	v8 =	vor.u32 $0x300, v6;
	v7 =	vld.idx.msk [tilespmem:v63+s11+$0x0], $0xffff  }
0x170: {  	p0 =	sne.s32 s0, $0x1;
	v5 =	vor.u32 $0x380, v5  }
.Ltmp17:
0x171: {  	_ = 	snop;
	(pc) =	sbr.rel @!p0 .LBB2_21-.Ltmp17, $3  }
0x172: {  	_ =	sdelay $0x1  }
0x173: {  	[tilespmem:v8+s12+$0x0] =	vst.idx.msk $0xffff, v7  }
0x174: {  	s0 =	sadd.s32 $0xFFFFFFFF, s0;
	v6 =	vor.u32 $0x380, v6;
	v5 =	vld.idx.msk [tilespmem:v5+s11+$0x0], $0xffff  }
.LBB2_20:
0x175: {  	_ =	sdelay $0x3  }
0x176: {  	p0 =	sne.s32 s0, $0x1;
	s24 =	sadd.s32 $0x10, s24;
	s25 =	sadd.s32 $0x10, s25;
	[tilespmem:v6+s12+$0x0] =	vst.idx.msk $0xffff, v5  }
0x177: {  	s0 =	sadd.s32 $0xFFFFFFFF, s0;
	v5 =	vld [tilespmem:s24+$0x0];
	_ =	sdelay $0x4  }
0x178: {  	v5 =	vadd.s32 $0xFFFE8400, v5  }
0x179: {  	vm0 =	vgt.s32 v5, $0x0  }
0x17a: {  	v5 =	vnsel vm0, $0x0, v5  }
0x17b: {  	v5 =	vmin.u32 v5, $0x12FF  }
0x17c: {  	v6 =	vshll.u32 v5, $0x3  }
0x17d: {  	v5 =	vand.u32 $0x7F, v5;
	v7 =	vld [tilespmem:s25+$0x0];
	v6 =	vand.u32 $0xFC00, v6  }
0x17e: {  	v5 =	vor.u32 v5, v6;
	_ =	sdelay $0x3  }
0x17f: {  	v6 =	vshll.u32 v7, $0x3  }
0x180: {  	v7 =	vand.u32 $0x7F, v7;
	v8 =	vld.idx.msk [tilespmem:v5+s11+$0x0], $0xffff;
	v6 =	vand.u32 $0xFFFFFC00, v6  }
0x181: {  	v6 =	vor.u32 v7, v6  }
0x182: {  	v7 =	vor.u32 $0x80, v5;
	_ =	sdelay $0x3  }
0x183: {  	[tilespmem:v6+s12+$0x0] =	vst.idx.msk $0xffff, v8  }
0x184: {  	v7 =	vld.idx.msk [tilespmem:v7+s11+$0x0], $0xffff  }
0x185: {  	v8 =	vor.u32 $0x80, v6  }
0x186: {  	v9 =	vor.u32 $0x100, v5;
	_ =	sdelay $0x3  }
0x187: {  	[tilespmem:v8+s12+$0x0] =	vst.idx.msk $0xffff, v7  }
0x188: {  	v7 =	vld.idx.msk [tilespmem:v9+s11+$0x0], $0xffff  }
0x189: {  	v8 =	vor.u32 $0x100, v6  }
0x18a: {  	v9 =	vor.u32 $0x180, v5;
	_ =	sdelay $0x3  }
0x18b: {  	[tilespmem:v8+s12+$0x0] =	vst.idx.msk $0xffff, v7  }
0x18c: {  	v7 =	vld.idx.msk [tilespmem:v9+s11+$0x0], $0xffff  }
0x18d: {  	v8 =	vor.u32 $0x180, v6  }
0x18e: {  	v9 =	vor.u32 $0x200, v5;
	_ =	sdelay $0x3  }
0x18f: {  	[tilespmem:v8+s12+$0x0] =	vst.idx.msk $0xffff, v7  }
0x190: {  	v7 =	vld.idx.msk [tilespmem:v9+s11+$0x0], $0xffff  }
0x191: {  	v8 =	vor.u32 $0x200, v6  }
0x192: {  	v9 =	vor.u32 $0x280, v5;
	_ =	sdelay $0x3  }
0x193: {  	[tilespmem:v8+s12+$0x0] =	vst.idx.msk $0xffff, v7  }
0x194: {  	v7 =	vld.idx.msk [tilespmem:v9+s11+$0x0], $0xffff  }
0x195: {  	v8 =	vor.u32 $0x280, v6  }
0x196: {  	v9 =	vor.u32 $0x300, v5;
	_ =	sdelay $0x3  }
0x197: {  	[tilespmem:v8+s12+$0x0] =	vst.idx.msk $0xffff, v7  }
0x198: {  	v7 =	vld.idx.msk [tilespmem:v9+s11+$0x0], $0xffff  }
0x199: {  	v8 =	vor.u32 $0x300, v6  }
0x19a: {  	v5 =	vor.u32 $0x380, v5;
	_ =	sdelay $0x1  }
.Ltmp18:
0x19b: {  	(pc) =	sbr.rel @p0 .LBB2_20-.Ltmp18, $4  }
0x19c: {  	_ = 	snop  }
0x19d: {  	[tilespmem:v8+s12+$0x0] =	vst.idx.msk $0xffff, v7  }
0x19e: {  	v5 =	vld.idx.msk [tilespmem:v5+s11+$0x0], $0xffff  }
0x19f: {  	v6 =	vor.u32 $0x380, v6  }
.LBB2_21:
0x1a0: {  	_ =	sdelay $0x3  }
0x1a1: {  	[tilespmem:v6+s12+$0x0] =	vst.idx.msk $0xffff, v5  }
.LBB2_22:
0x1a2: {  	s19 =	sadd.s32 $0x1, s19  }
0x1a3: {  	p0 =	sge.u32 s19, s8  }
0x1a4: {  	s0 =	sshrl.u32 @!p0 s22, $0x3  }
0x1a5: {  	s22 =	sadd.s32 @!p0 s1, s0  }
0x1a6: {  	s24 =	simm.s32 @!p0 $0x0;
	s2 =	simm.s32 @!p0 $0x1000;
	s0 =	sadd.s32 @!p0 $0x18700, s22  }
0x1a7: {  	[tilespmem:s2], [sflag:$0x2] =	stream.linear.gather @!p0 [hbm4b:s0+s24], $0x9800, $0x38;
	[tilespmem:$0x1E500] =	vst v63  }
0x1a8: {  	_ =	swait.ge [sflag:s13], $0x400  }
0x1a9: {  	[sflag:s13] =	ssyncset.done $0x0  }
0x1aa: {  	[sflag:s13] =	ssyncadd.s32 $0xFFFFFC00  }
0x1ab: {  	s31 =	sld [smem:$0x16];
	_ =	sdelay $0x2  }
0x1ac: {  	s0 =	ssub.s32 s31, s23  }
0x1ad: {  	s0 =	sadd.s32 $0xF, s0  }
0x1ae: {  	p1 =	slt.s32 s0, $0x10  }
.Ltmp19:
0x1af: {  	_ = 	snop;
	(pc) =	sbr.rel @p1 .LBB2_26-.Ltmp19, $1  }
0x1b0: {  	_ =	sdelay $0x3  }
0x1b1: {  	s2 =	sshll.u32 s23, $0x2  }
0x1b2: {  	s2 =	sshra.s32 s2, $0x2  }
0x1b3: {  	s23 =	sadd.s32 $0x1C400, s2  }
0x1b4: {  	v5 =	vld [tilespmem:s23+$0x0];
	_ =	sdelay $0x4  }
0x1b5: {  	v5 =	vadd.s32 $0xFFFE7980, v5  }
0x1b6: {  	vm0 =	vgt.s32 v5, $0x0  }
0x1b7: {  	v5 =	vnsel vm0, $0x0, v5  }
0x1b8: {  	v5 =	vmin.u32 v5, $0x12FF  }
0x1b9: {  	s25 =	sadd.s32 $0x1D480, s2;
	v6 =	vshll.u32 v5, $0x3  }
0x1ba: {  	v7 =	vld [tilespmem:s25+$0x0];
	v5 =	vand.u32 $0x7F, v5;
	v6 =	vand.u32 $0xFC00, v6  }
0x1bb: {  	v5 =	vor.u32 v5, v6  }
0x1bc: {  	v6 =	vadd.s32 $0x9800, v5;
	_ =	sdelay $0x2  }
0x1bd: {  	v8 =	vshll.u32 v7, $0x3  }
0x1be: {  	v7 =	vand.u32 $0x7F, v7;
	v8 =	vand.u32 $0xFFFFFC00, v8  }
0x1bf: {  	v7 =	vor.u32 v7, v8;
	v6 =	vld.idx.msk [tilespmem:v6+s11+$0x0], $0xffff  }
0x1c0: {  	v8 =	vadd.s32 $0x9880, v5;
	_ =	sdelay $0x3  }
0x1c1: {  	[tilespmem:v7+s12+$0x0] =	vst.idx.msk $0xffff, v6  }
0x1c2: {  	v6 =	vld.idx.msk [tilespmem:v8+s11+$0x0], $0xffff;
	v8 =	vor.u32 $0x80, v7  }
0x1c3: {  	v9 =	vadd.s32 $0x9900, v5;
	_ =	sdelay $0x3  }
0x1c4: {  	[tilespmem:v8+s12+$0x0] =	vst.idx.msk $0xffff, v6  }
0x1c5: {  	v8 =	vor.u32 $0x100, v7;
	v6 =	vld.idx.msk [tilespmem:v9+s11+$0x0], $0xffff  }
0x1c6: {  	v60 =	vadd.s32 $0x9980, v5;
	_ =	sdelay $0x3  }
0x1c7: {  	[tilespmem:v8+s12+$0x0] =	vst.idx.msk $0xffff, v6  }
0x1c8: {  	v8 =	vor.u32 $0x180, v7;
	v6 =	vld.idx.msk [tilespmem:v60+s11+$0x0], $0xffff  }
0x1c9: {  	v61 =	vadd.s32 $0x9A00, v5;
	_ =	sdelay $0x3  }
0x1ca: {  	[tilespmem:v8+s12+$0x0] =	vst.idx.msk $0xffff, v6  }
0x1cb: {  	v8 =	vor.u32 $0x200, v7;
	v6 =	vld.idx.msk [tilespmem:v61+s11+$0x0], $0xffff  }
0x1cc: {  	v62 =	vadd.s32 $0x9A80, v5;
	_ =	sdelay $0x3  }
0x1cd: {  	[tilespmem:v8+s12+$0x0] =	vst.idx.msk $0xffff, v6  }
0x1ce: {  	v8 =	vor.u32 $0x280, v7;
	v6 =	vld.idx.msk [tilespmem:v62+s11+$0x0], $0xffff  }
0x1cf: {  	v63 =	vadd.s32 $0x9B00, v5;
	_ =	sdelay $0x3  }
0x1d0: {  	[tilespmem:v8+s12+$0x0] =	vst.idx.msk $0xffff, v6  }
0x1d1: {  	v8 =	vor.u32 $0x300, v7;
	v6 =	vld.idx.msk [tilespmem:v63+s11+$0x0], $0xffff  }
0x1d2: {  	s30 =	sshra.s32 s0, $0x1F;
	v5 =	vadd.s32 $0x9B80, v5  }
0x1d3: {  	s2 =	sshrl.u32 s30, $0x1C  }
0x1d4: {  	s31 =	sadd.s32 s2, s0  }
0x1d5: {  	s0 =	sshra.s32 s31, $0x4  }
0x1d6: {  	p1 =	sne.s32 s0, $0x1;
	[tilespmem:v8+s12+$0x0] =	vst.idx.msk $0xffff, v6  }
.Ltmp20:
0x1d7: {  	v6 =	vor.u32 $0x380, v7;
	v5 =	vld.idx.msk [tilespmem:v5+s11+$0x0], $0xffff;
	(pc) =	sbr.rel @!p1 .LBB2_25-.Ltmp20, $2  }
0x1d8: {  	_ =	sdelay $0x2  }
0x1d9: {  	s26 =	sadd.s32 $0xFFFFFFFF, s0  }
.LBB2_24:
0x1da: {  	p1 =	sne.s32 s26, $0x1;
	[tilespmem:v6+s12+$0x0] =	vst.idx.msk $0xffff, v5;
	s23 =	sadd.s32 $0x10, s23;
	s25 =	sadd.s32 $0x10, s25  }
0x1db: {  	s26 =	sadd.s32 $0xFFFFFFFF, s26;
	v5 =	vld [tilespmem:s23+$0x0];
	_ =	sdelay $0x4  }
0x1dc: {  	v5 =	vadd.s32 $0xFFFE7980, v5  }
0x1dd: {  	vm0 =	vgt.s32 v5, $0x0  }
0x1de: {  	v5 =	vnsel vm0, $0x0, v5  }
0x1df: {  	v5 =	vmin.u32 v5, $0x12FF  }
0x1e0: {  	v6 =	vshll.u32 v5, $0x3  }
0x1e1: {  	v5 =	vand.u32 $0x7F, v5;
	v6 =	vand.u32 $0xFC00, v6  }
0x1e2: {  	v7 =	vld [tilespmem:s25+$0x0];
	v5 =	vor.u32 v5, v6  }
0x1e3: {  	v6 =	vadd.s32 $0x9800, v5;
	_ =	sdelay $0x3  }
0x1e4: {  	v8 =	vshll.u32 v7, $0x3  }
0x1e5: {  	v7 =	vand.u32 $0x7F, v7;
	v6 =	vld.idx.msk [tilespmem:v6+s11+$0x0], $0xffff;
	v8 =	vand.u32 $0xFFFFFC00, v8  }
0x1e6: {  	v7 =	vor.u32 v7, v8  }
0x1e7: {  	v8 =	vadd.s32 $0x9880, v5;
	_ =	sdelay $0x3  }
0x1e8: {  	[tilespmem:v7+s12+$0x0] =	vst.idx.msk $0xffff, v6  }
0x1e9: {  	v6 =	vld.idx.msk [tilespmem:v8+s11+$0x0], $0xffff  }
0x1ea: {  	v8 =	vor.u32 $0x80, v7  }
0x1eb: {  	v9 =	vadd.s32 $0x9900, v5;
	_ =	sdelay $0x3  }
0x1ec: {  	[tilespmem:v8+s12+$0x0] =	vst.idx.msk $0xffff, v6  }
0x1ed: {  	v6 =	vld.idx.msk [tilespmem:v9+s11+$0x0], $0xffff  }
0x1ee: {  	v8 =	vor.u32 $0x100, v7  }
0x1ef: {  	v9 =	vadd.s32 $0x9980, v5;
	_ =	sdelay $0x3  }
0x1f0: {  	[tilespmem:v8+s12+$0x0] =	vst.idx.msk $0xffff, v6  }
0x1f1: {  	v6 =	vld.idx.msk [tilespmem:v9+s11+$0x0], $0xffff  }
0x1f2: {  	v8 =	vor.u32 $0x180, v7  }
0x1f3: {  	v9 =	vadd.s32 $0x9A00, v5;
	_ =	sdelay $0x3  }
0x1f4: {  	[tilespmem:v8+s12+$0x0] =	vst.idx.msk $0xffff, v6  }
0x1f5: {  	v6 =	vld.idx.msk [tilespmem:v9+s11+$0x0], $0xffff  }
0x1f6: {  	v8 =	vor.u32 $0x200, v7  }
0x1f7: {  	v9 =	vadd.s32 $0x9A80, v5;
	_ =	sdelay $0x3  }
0x1f8: {  	[tilespmem:v8+s12+$0x0] =	vst.idx.msk $0xffff, v6  }
0x1f9: {  	v6 =	vld.idx.msk [tilespmem:v9+s11+$0x0], $0xffff  }
0x1fa: {  	v8 =	vor.u32 $0x280, v7  }
0x1fb: {  	v9 =	vadd.s32 $0x9B00, v5;
	_ =	sdelay $0x3  }
0x1fc: {  	[tilespmem:v8+s12+$0x0] =	vst.idx.msk $0xffff, v6  }
0x1fd: {  	v6 =	vld.idx.msk [tilespmem:v9+s11+$0x0], $0xffff  }
0x1fe: {  	v8 =	vor.u32 $0x300, v7  }
0x1ff: {  	v5 =	vadd.s32 $0x9B80, v5;
	_ =	sdelay $0x1  }
.Ltmp21:
0x200: {  	(pc) =	sbr.rel @p1 .LBB2_24-.Ltmp21, $4  }
0x201: {  	_ = 	snop  }
0x202: {  	[tilespmem:v8+s12+$0x0] =	vst.idx.msk $0xffff, v6  }
0x203: {  	v5 =	vld.idx.msk [tilespmem:v5+s11+$0x0], $0xffff  }
0x204: {  	v6 =	vor.u32 $0x380, v7  }
.Ltmp22:
0x205: {  	_ = 	snop;
	(pc) =	sbr.rel .LBB2_25-.Ltmp22, $1  }
0x206: {  	_ =	sdelay $0x3  }
.LBB2_28:
0x207: {  	_ =	sfence.sel $0x180000  }
0x208: {  	[bflag:$0x0] =	sbarrier.arrive $0xFFFF  }
0x209: {  	_ =	strace $0x90000047  }
0x20a: {  	s0 =	stileid.u32;
	[bflag:$0x2] =	sbarrier.arrive $0xFFFF  }
0x20b: {  	p0 =	sne.s32 s0, $0x0;
	s0 =	rddreg [dreg:$0x3]  }
0x20c: {  	s0 =	sadd.s32 @!p0 $0x100000, s0  }
0x20d: {  	[sflag:s0] =	ssyncadd.tile.s32 @!p0 $0x1;
	_ =	shalt  }
.Lfunc_end2:
_tile_overlayer_lowered:
.L_overlay_start_2:
0x20e: {  	(tag) =	ssettag $0x2  }
0x20f: {  	s0 =	rddreg [dreg:$0x0];
	s2 =	stileid.u32  }
0x210: {  	s1 =	rddreg [dreg:$0x1];
	p0 =	sne.s32 s2, $0x0  }
0x211: {  	s3 =	rddreg [dreg:$0x2];
	[bflag:$0x3] =	sbarrier.arrive $0xFFFF;
	s2 =	simm.s32 @!p0 $0x1C05  }
0x212: {  	[timem:s3], [sflag:s2] =	dma.local @!p0 [hbm:s0], s1  }
0x213: {  	s0 =	simm.s32 @!p0 $0x5  }
0x214: {  	_ =	swait.ge @!p0 [sflag:s0], s1  }
0x215: {  	s1 =	ssub.s32 @!p0 $0x0, s1;
	[sflag:s0] =	ssyncset.done @!p0 $0x0  }
0x216: {  	[sflag:s0] =	ssyncadd.s32 @!p0 s1  }
0x217: {  	[bflag:$0x3] =	sbarrier.arrive $0xFFFF  }
0x218: {  	_ =	shalt  }

</sc_bundles>
